<compile_context>
chip_gen: v7x
topology: tpu7x:2x2x1
jax: 0.10.2.dev20260603
libtpu: 0.0.44.dev20260713+nightly
codegen_flags: <defaults>
</compile_context>

<pallas_src>
import numpy as np

import jax
import jax.numpy as jnp
from jax import lax
from jax.experimental import pallas as pl
from jax.experimental.pallas import tpu as pltpu
from jax.experimental.pallas import tpu_sc as plsc

N = 10000
E = 320000
K = 64
F = 128
FW = F // 2
R = 2

NC = 2
NS = 16
NW = NC * NS
EPT = E // NW
C = 40
CHUNKS = EPT // C
DRAIN_TILES = 10
DRAIN_ROWS = N // DRAIN_TILES

RHO = np.zeros(F, dtype=np.int32)
for _c in range(F // 32):
    for _t in range(16):
        RHO[32 * _c + _t] = 32 * _c + 2 * _t
        RHO[32 * _c + 16 + _t] = 32 * _c + 2 * _t + 1


def _pack_bf16_pair(lo_f32, hi_f32):
    ulo = lax.bitcast_convert_type(lo_f32, jnp.uint32)
    uhi = lax.bitcast_convert_type(hi_f32, jnp.uint32)
    word = ((ulo + 0x8000) >> 16) | ((uhi + 0x8000) & jnp.uint32(0xFFFF0000))
    return lax.bitcast_convert_type(word, jnp.int32)


def _g_body(rbf_ref, we_ref, wo_ref, o_ref):
    rbf_bf = rbf_ref[...].astype(jnp.bfloat16)
    ge = jnp.dot(rbf_bf, we_ref[...], preferred_element_type=jnp.float32)
    go = jnp.dot(rbf_bf, wo_ref[...], preferred_element_type=jnp.float32)
    o_ref[...] = _pack_bf16_pair(ge, go)


def _xj_body(x_ref, w_ref, b_ref, o_ref):
    o_ref[...] = jnp.dot(x_ref[...], w_ref[...],
                         preferred_element_type=jnp.float32) + b_ref[...]


def _tail_body(x_ref, p_ref, wi_ref, bi_ref, w1_ref, b1_ref, w2_ref, b2_ref,
               wd_ref, bd_ref, u_ref, o_ref):
    xb = x_ref[...]
    m = (jnp.dot(xb, wi_ref[...], preferred_element_type=jnp.float32)
         + bi_ref[...] + p_ref[0] + p_ref[1])
    for r in range(R):
        t = jnp.dot(m, w1_ref[r], preferred_element_type=jnp.float32) + b1_ref[r]
        m = m + jnp.dot(t, w2_ref[r], preferred_element_type=jnp.float32) + b2_ref[r]
    o_ref[...] = (u_ref[...] * xb
                  + jnp.dot(m, wd_ref[...], preferred_element_type=jnp.float32)
                  + bd_ref[...])


def _sc_body(g_hbm, xj_hbm, idxi_hbm, idxj_hbm, out_hbm,
             idxj_v, idxi_cb, rows_v, gbuf_v, sbuf_v, acc_sh,
             gsem0, gsem1, csem0, csem1, ssem0, ssem1, isem0, isem1):
    core = lax.axis_index("c")
    sub = lax.axis_index("s")
    tile = core * NS + sub
    sems = ((gsem0, csem0, ssem0, isem0), (gsem1, csem1, ssem1, isem1))
    base0 = tile * EPT

    z16 = jnp.zeros((16,), jnp.float32)

    def zrow(r, carry):
        for c8 in range(F // 16):
            sbuf_v[0, r, pl.ds(c8 * 16, 16)] = z16
        return carry

    lax.fori_loop(0, C, zrow, 0)

    @pl.when(sub < DRAIN_TILES)
    def _zero():
        for part in range(DRAIN_ROWS // C):
            pltpu.async_copy(
                sbuf_v.at[0],
                acc_sh.at[pl.ds(sub * DRAIN_ROWS + part * C, C)], gsem0)
        for part in range(DRAIN_ROWS // C):
            pltpu.make_async_copy(
                sbuf_v.at[0],
                acc_sh.at[pl.ds(sub * DRAIN_ROWS + part * C, C)],
                gsem0).wait()

    pltpu.sync_copy(idxj_hbm.at[pl.ds(pl.multiple_of(base0, 8), EPT)], idxj_v)
    plsc.subcore_barrier()

    def issue(kk, b):
        gs, cs = sems[b][0], sems[b][1]
        pltpu.async_copy(xj_hbm.at[idxj_v.at[pl.ds(kk * C, C)]],
                         rows_v.at[b], gs)
        pltpu.async_copy(g_hbm.at[pl.ds(pl.multiple_of(base0 + kk * C, 8), C)],
                         gbuf_v.at[b], cs)

    def fetch_idxi(kk, b):
        pltpu.async_copy(
            idxi_hbm.at[pl.ds(pl.multiple_of(base0 + kk * C, 8), C)],
            idxi_cb.at[b], sems[b][3])

    issue(0, 0)
    issue(1, 1)
    fetch_idxi(0, 0)
    fetch_idxi(1, 1)

    def pair(kp, carry):
        k0 = kp * 2
        for b in range(2):
            kk = k0 + b
            gs, cs, ss, isem = sems[b]
            pltpu.make_async_copy(
                xj_hbm.at[idxj_v.at[pl.ds(kk * C, C)]], rows_v.at[b],
                gs).wait()
            pltpu.make_async_copy(
                g_hbm.at[pl.ds(pl.multiple_of(base0 + kk * C, 8), C)],
                gbuf_v.at[b], cs).wait()

            @pl.when(kk >= 2)
            def _recycle():
                pltpu.make_async_copy(
                    sbuf_v.at[b], acc_sh.at[idxi_cb.at[b]], ss).wait()
                fetch_idxi(kk, b)

            @plsc.parallel_loop(0, C, step=1)
            def mrow(r):
                himask = jnp.int32(-65536)
                for c in range(F // 32):
                    gw = gbuf_v[b, r, pl.ds(c * 16, 16)]
                    ga = lax.bitcast_convert_type(gw << 16, jnp.float32)
                    gb = lax.bitcast_convert_type(gw & himask, jnp.float32)
                    xa = rows_v[b, r, pl.ds(32 * c, 16)]
                    xb2 = rows_v[b, r, pl.ds(32 * c + 16, 16)]
                    sbuf_v[b, r, pl.ds(32 * c, 16)] = ga * xa
                    sbuf_v[b, r, pl.ds(32 * c + 16, 16)] = gb * xb2

            @pl.when(kk + 2 < CHUNKS)
            def _prefetch():
                issue(kk + 2, b)

            pltpu.make_async_copy(
                idxi_hbm.at[pl.ds(pl.multiple_of(base0 + kk * C, 8), C)],
                idxi_cb.at[b], isem).wait()
            pltpu.async_copy(sbuf_v.at[b], acc_sh.at[idxi_cb.at[b]], ss,
                             add=True)
        return carry

    lax.fori_loop(0, CHUNKS // 2, pair, 0)
    for b in range(2):
        pltpu.make_async_copy(
            sbuf_v.at[b], acc_sh.at[idxi_cb.at[b]], sems[b][2]).wait()

    plsc.subcore_barrier()

    @pl.when(sub < DRAIN_TILES)
    def _drain():
        pltpu.sync_copy(
            acc_sh.at[pl.ds(sub * DRAIN_ROWS, DRAIN_ROWS)],
            out_hbm.at[core, pl.ds(sub * DRAIN_ROWS, DRAIN_ROWS)])


def kernel(x, rbf, idx_i, idx_j, Wk2f, Wi, bi, Wj, bj, W1, b1, W2, b2, Wd, bd, u):
    BE = 16000
    BN = 5000
    rho = jnp.asarray(RHO)

    g_packed = pl.pallas_call(
        _g_body,
        grid=(E // BE,),
        in_specs=[
            pl.BlockSpec((BE, K), lambda i: (i, 0)),
            pl.BlockSpec((K, FW), lambda i: (0, 0)),
            pl.BlockSpec((K, FW), lambda i: (0, 0)),
        ],
        out_specs=pl.BlockSpec((BE, FW), lambda i: (i, 0)),
        out_shape=jax.ShapeDtypeStruct((E, FW), jnp.int32),
    )(rbf, Wk2f[:, 0::2].astype(jnp.bfloat16), Wk2f[:, 1::2].astype(jnp.bfloat16))

    xj_perm = pl.pallas_call(
        _xj_body,
        grid=(N // BN,),
        in_specs=[
            pl.BlockSpec((BN, F), lambda i: (i, 0)),
            pl.BlockSpec((F, F), lambda i: (0, 0)),
            pl.BlockSpec((1, F), lambda i: (0, 0)),
        ],
        out_specs=pl.BlockSpec((BN, F), lambda i: (i, 0)),
        out_shape=jax.ShapeDtypeStruct((N, F), jnp.float32),
    )(x, Wj[:, rho], bj[rho].reshape(1, F))

    mesh = plsc.VectorSubcoreMesh(core_axis_name="c", subcore_axis_name="s")
    partials = pl.kernel(
        _sc_body,
        out_type=jax.ShapeDtypeStruct((NC, N, F), jnp.float32),
        mesh=mesh,
        scratch_types=[
            pltpu.VMEM((EPT,), jnp.int32),
            pltpu.VMEM((2, C), jnp.int32),
            pltpu.VMEM((2, C, F), jnp.float32),
            pltpu.VMEM((2, C, FW), jnp.int32),
            pltpu.VMEM((2, C, F), jnp.float32),
            pltpu.VMEM_SHARED((N, F), jnp.float32),
            pltpu.SemaphoreType.DMA,
            pltpu.SemaphoreType.DMA,
            pltpu.SemaphoreType.DMA,
            pltpu.SemaphoreType.DMA,
            pltpu.SemaphoreType.DMA,
            pltpu.SemaphoreType.DMA,
            pltpu.SemaphoreType.DMA,
            pltpu.SemaphoreType.DMA,
        ],
    )(g_packed, xj_perm, idx_i, idx_j)

    out = pl.pallas_call(
        _tail_body,
        grid=(N // BN,),
        in_specs=[
            pl.BlockSpec((BN, F), lambda i: (i, 0)),
            pl.BlockSpec((NC, BN, F), lambda i: (0, i, 0)),
            pl.BlockSpec((F, F), lambda i: (0, 0)),
            pl.BlockSpec((1, F), lambda i: (0, 0)),
            pl.BlockSpec((R, F, F), lambda i: (0, 0, 0)),
            pl.BlockSpec((R, 1, F), lambda i: (0, 0, 0)),
            pl.BlockSpec((R, F, F), lambda i: (0, 0, 0)),
            pl.BlockSpec((R, 1, F), lambda i: (0, 0, 0)),
            pl.BlockSpec((F, F), lambda i: (0, 0)),
            pl.BlockSpec((1, F), lambda i: (0, 0)),
            pl.BlockSpec((1, F), lambda i: (0, 0)),
        ],
        out_specs=pl.BlockSpec((BN, F), lambda i: (i, 0)),
        out_shape=jax.ShapeDtypeStruct((N, F), jnp.float32),
    )(x, partials, Wi[:, rho], bi[rho].reshape(1, F),
      W1[:, rho, :], b1.reshape(R, 1, F),
      W2[:, :, rho], b2[:, rho].reshape(R, 1, F),
      Wd[rho, :], bd.reshape(1, F), u.reshape(1, F))

    return out

# --- scband reference (transcript-rebuilt; emitter-appended) ---
"""Pipeline reference for scband-interaction-layer-49478023250265 (READ-ONLY COPY).

The authoritative reference and input builder live on the scoring server;
editing this copy changes nothing except your own understanding.
"""

import jax, jax.numpy as jnp
import numpy as np

N = 10000
E = 320000
K = 64
F = 128
R = 2  # num_residual


def setup_inputs(seed: int = 0) -> dict:
    key = jax.random.key(seed)
    ks = jax.random.split(key, 16)
    x = jax.random.normal(ks[0], (N, F), dtype=jnp.float32)
    rbf = jax.random.uniform(ks[1], (E, K), dtype=jnp.float32)
    idx_i = jnp.sort(jax.random.randint(ks[2], (E,), 0, N, dtype=jnp.int64) if jax.config.jax_enable_x64 else jax.random.randint(ks[2], (E,), 0, N)).astype(jnp.int32)
    idx_j = jax.random.randint(ks[3], (E,), 0, N).astype(jnp.int32)
    s = 0.05
    Wk2f = jax.random.normal(ks[4], (K, F), dtype=jnp.float32) * s
    Wi = jax.random.normal(ks[5], (F, F), dtype=jnp.float32) * s
    bi = jnp.zeros((F,), dtype=jnp.float32)
    Wj = jax.random.normal(ks[6], (F, F), dtype=jnp.float32) * s
    bj = jnp.zeros((F,), dtype=jnp.float32)
    W1 = jax.random.normal(ks[7], (R, F, F), dtype=jnp.float32) * s
    b1 = jnp.zeros((R, F), dtype=jnp.float32)
    W2 = jax.random.normal(ks[8], (R, F, F), dtype=jnp.float32) * s
    b2 = jnp.zeros((R, F), dtype=jnp.float32)
    Wd = jax.random.normal(ks[9], (F, F), dtype=jnp.float32) * s
    bd = jnp.zeros((F,), dtype=jnp.float32)
    u = jnp.ones((F,), dtype=jnp.float32)
    return {
        "x": x, "rbf": rbf, "idx_i": idx_i, "idx_j": idx_j,
        "Wk2f": Wk2f, "Wi": Wi, "bi": bi, "Wj": Wj, "bj": bj,
        "W1": W1, "b1": b1, "W2": W2, "b2": b2,
        "Wd": Wd, "bd": bd, "u": u,
    }


def reference(x, rbf, idx_i, idx_j, Wk2f, Wi, bi, Wj, bj, W1, b1, W2, b2, Wd, bd, u):
    # activation_fn is None and dropout rate is 0.0 -> identity
    xa = x
    # k2f: no-bias dense K -> F
    g = rbf @ Wk2f
    xi = xa @ Wi + bi
    xj_all = xa @ Wj + bj
    # gather source-node messages and modulate by radial filter
    pxj = g * jnp.take(xj_all, idx_j, axis=0)
    # segment-sum into destination nodes
    xj = jax.ops.segment_sum(pxj, idx_i, num_segments=N)
    message = xi + xj
    # residual layers (PhysNet style: m + W2(act(W1(act(m)) + b1)) + b2, act=identity)
    for r in range(R):
        message = message + ((message @ W1[r] + b1[r]) @ W2[r] + b2[r])
    out = u * x + (message @ Wd + bd)
    return out

if __name__ == "__main__":
    import jax
    _d = setup_inputs()
    print(jax.jit(kernel)(*tuple(_d.values())))

</pallas_src>

<mosaic_0001>
#map = affine_map<(d0, d1) -> (0, 0)>
#map1 = affine_map<(d0, d1) -> (0)>
#map2 = affine_map<(d0, d1) -> (0, 0, 0)>
module attributes {stable_mosaic.version = 14 : i64} {
  func.func @_sc_body(%arg0: i32, %arg1: i32, %arg2: memref<320000x64xi32, #tpu.memory_space<hbm>>, %arg3: memref<10000x128xf32, #tpu.memory_space<hbm>>, %arg4: memref<320000xi32, #tpu.memory_space<hbm>>, %arg5: memref<320000xi32, #tpu.memory_space<hbm>>, %arg6: memref<2x10000x128xf32, #tpu.memory_space<hbm>>, %arg7: memref<10000xi32, #tpu.memory_space<vmem>>, %arg8: memref<2x40xi32, #tpu.memory_space<vmem>>, %arg9: memref<2x40x128xf32, #tpu.memory_space<vmem>>, %arg10: memref<2x40x64xi32, #tpu.memory_space<vmem>>, %arg11: memref<2x40x128xf32, #tpu.memory_space<vmem>>, %arg12: memref<10000x128xf32, #tpu.memory_space<vmem_shared>>, %arg13: memref<!tpu.dma_semaphore, #tpu.memory_space<semaphore_mem>>, %arg14: memref<!tpu.dma_semaphore, #tpu.memory_space<semaphore_mem>>, %arg15: memref<!tpu.dma_semaphore, #tpu.memory_space<semaphore_mem>>, %arg16: memref<!tpu.dma_semaphore, #tpu.memory_space<semaphore_mem>>, %arg17: memref<!tpu.dma_semaphore, #tpu.memory_space<semaphore_mem>>, %arg18: memref<!tpu.dma_semaphore, #tpu.memory_space<semaphore_mem>>, %arg19: memref<!tpu.dma_semaphore, #tpu.memory_space<semaphore_mem>>, %arg20: memref<!tpu.dma_semaphore, #tpu.memory_space<semaphore_mem>>) attributes {dimension_semantics = [#tpu.dimension_semantics<core_parallel>, #tpu.dimension_semantics<subcore_parallel>], iteration_bounds = array<i64: 2, 16>, scalar_prefetch = 0 : i64, scratch_operands = 14 : i64, tpu.core_type = #tpu.core_type<sc_vector_subcore>, window_params = [{transform_indices = #map}, {transform_indices = #map}, {transform_indices = #map1}, {transform_indices = #map1}, {transform_indices = #map2}]} {
    %mul3A = arith.constant 16 : i32
    %mul3A_0 = arith.muli %arg0, %mul3A : i32
    %add3A = arith.addi %mul3A_0, %arg1 : i32
    %mul3A_1 = arith.constant 10000 : i32
    %mul3A_2 = arith.muli %add3A, %mul3A_1 : i32
    %broadcast_in_dim3A = arith.constant 0.000000e+00 : f32
    %broadcast_in_dim3A_3 = vector.broadcast %broadcast_in_dim3A : f32 to vector<16xf32>
    %scan3A = arith.constant 0 : i32
    %scan3A_4 = arith.constant 0 : i32
    %scan3A_5 = arith.constant 40 : i32
    %scan3A_6 = arith.addi %scan3A_4, %scan3A_5 : i32
    %scan3A_7 = arith.constant 1 : i32
    scf.for %scan3A_121 = %scan3A_4 to %scan3A_6 step %scan3A_7  : i32 {
      %swap3A = arith.constant 0 : i32
      %swap3A_122 = arith.index_cast %swap3A : i32 to index
      %swap3A_123 = arith.index_cast %scan3A_121 : i32 to index
      %swap3A_124 = arith.constant 0 : index
      %swap3A_125 = tpu.vector_load %arg11[%swap3A_122, %swap3A_123, %swap3A_124] {strides = array<i32>} : memref<2x40x128xf32, #tpu.memory_space<vmem>>, vector<1x1x16xf32>,
      %swap3A_126 = vector.shape_cast %swap3A_125 : vector<1x1x16xf32> to vector<16xf32>
      %swap3A_127 = vector.shape_cast %broadcast_in_dim3A_3 : vector<16xf32> to vector<1x1x16xf32>
      tpu.vector_store %arg11[%swap3A_122, %swap3A_123, %swap3A_124], %swap3A_127 {strides = array<i32>} : memref<2x40x128xf32, #tpu.memory_space<vmem>>, vector<1x1x16xf32>,
      %swap3A_128 = arith.constant 0 : i32
      %swap3A_129 = arith.index_cast %swap3A_128 : i32 to index
      %swap3A_130 = arith.index_cast %scan3A_121 : i32 to index
      %swap3A_131 = arith.constant 16 : index
      %swap3A_132 = tpu.vector_load %arg11[%swap3A_129, %swap3A_130, %swap3A_131] {strides = array<i32>} : memref<2x40x128xf32, #tpu.memory_space<vmem>>, vector<1x1x16xf32>,
      %swap3A_133 = vector.shape_cast %swap3A_132 : vector<1x1x16xf32> to vector<16xf32>
      %swap3A_134 = vector.shape_cast %broadcast_in_dim3A_3 : vector<16xf32> to vector<1x1x16xf32>
      tpu.vector_store %arg11[%swap3A_129, %swap3A_130, %swap3A_131], %swap3A_134 {strides = array<i32>} : memref<2x40x128xf32, #tpu.memory_space<vmem>>, vector<1x1x16xf32>,
      %swap3A_135 = arith.constant 0 : i32
      %swap3A_136 = arith.index_cast %swap3A_135 : i32 to index
      %swap3A_137 = arith.index_cast %scan3A_121 : i32 to index
      %swap3A_138 = arith.constant 32 : index
      %swap3A_139 = tpu.vector_load %arg11[%swap3A_136, %swap3A_137, %swap3A_138] {strides = array<i32>} : memref<2x40x128xf32, #tpu.memory_space<vmem>>, vector<1x1x16xf32>,
      %swap3A_140 = vector.shape_cast %swap3A_139 : vector<1x1x16xf32> to vector<16xf32>
      %swap3A_141 = vector.shape_cast %broadcast_in_dim3A_3 : vector<16xf32> to vector<1x1x16xf32>
      tpu.vector_store %arg11[%swap3A_136, %swap3A_137, %swap3A_138], %swap3A_141 {strides = array<i32>} : memref<2x40x128xf32, #tpu.memory_space<vmem>>, vector<1x1x16xf32>,
      %swap3A_142 = arith.constant 0 : i32
      %swap3A_143 = arith.index_cast %swap3A_142 : i32 to index
      %swap3A_144 = arith.index_cast %scan3A_121 : i32 to index
      %swap3A_145 = arith.constant 48 : index
      %swap3A_146 = tpu.vector_load %arg11[%swap3A_143, %swap3A_144, %swap3A_145] {strides = array<i32>} : memref<2x40x128xf32, #tpu.memory_space<vmem>>, vector<1x1x16xf32>,
      %swap3A_147 = vector.shape_cast %swap3A_146 : vector<1x1x16xf32> to vector<16xf32>
      %swap3A_148 = vector.shape_cast %broadcast_in_dim3A_3 : vector<16xf32> to vector<1x1x16xf32>
      tpu.vector_store %arg11[%swap3A_143, %swap3A_144, %swap3A_145], %swap3A_148 {strides = array<i32>} : memref<2x40x128xf32, #tpu.memory_space<vmem>>, vector<1x1x16xf32>,
      %swap3A_149 = arith.constant 0 : i32
      %swap3A_150 = arith.index_cast %swap3A_149 : i32 to index
      %swap3A_151 = arith.index_cast %scan3A_121 : i32 to index
      %swap3A_152 = arith.constant 64 : index
      %swap3A_153 = tpu.vector_load %arg11[%swap3A_150, %swap3A_151, %swap3A_152] {strides = array<i32>} : memref<2x40x128xf32, #tpu.memory_space<vmem>>, vector<1x1x16xf32>,
      %swap3A_154 = vector.shape_cast %swap3A_153 : vector<1x1x16xf32> to vector<16xf32>
      %swap3A_155 = vector.shape_cast %broadcast_in_dim3A_3 : vector<16xf32> to vector<1x1x16xf32>
      tpu.vector_store %arg11[%swap3A_150, %swap3A_151, %swap3A_152], %swap3A_155 {strides = array<i32>} : memref<2x40x128xf32, #tpu.memory_space<vmem>>, vector<1x1x16xf32>,
      %swap3A_156 = arith.constant 0 : i32
      %swap3A_157 = arith.index_cast %swap3A_156 : i32 to index
      %swap3A_158 = arith.index_cast %scan3A_121 : i32 to index
      %swap3A_159 = arith.constant 80 : index
      %swap3A_160 = tpu.vector_load %arg11[%swap3A_157, %swap3A_158, %swap3A_159] {strides = array<i32>} : memref<2x40x128xf32, #tpu.memory_space<vmem>>, vector<1x1x16xf32>,
      %swap3A_161 = vector.shape_cast %swap3A_160 : vector<1x1x16xf32> to vector<16xf32>
      %swap3A_162 = vector.shape_cast %broadcast_in_dim3A_3 : vector<16xf32> to vector<1x1x16xf32>
      tpu.vector_store %arg11[%swap3A_157, %swap3A_158, %swap3A_159], %swap3A_162 {strides = array<i32>} : memref<2x40x128xf32, #tpu.memory_space<vmem>>, vector<1x1x16xf32>,
      %swap3A_163 = arith.constant 0 : i32
      %swap3A_164 = arith.index_cast %swap3A_163 : i32 to index
      %swap3A_165 = arith.index_cast %scan3A_121 : i32 to index
      %swap3A_166 = arith.constant 96 : index
      %swap3A_167 = tpu.vector_load %arg11[%swap3A_164, %swap3A_165, %swap3A_166] {strides = array<i32>} : memref<2x40x128xf32, #tpu.memory_space<vmem>>, vector<1x1x16xf32>,
      %swap3A_168 = vector.shape_cast %swap3A_167 : vector<1x1x16xf32> to vector<16xf32>
      %swap3A_169 = vector.shape_cast %broadcast_in_dim3A_3 : vector<16xf32> to vector<1x1x16xf32>
      tpu.vector_store %arg11[%swap3A_164, %swap3A_165, %swap3A_166], %swap3A_169 {strides = array<i32>} : memref<2x40x128xf32, #tpu.memory_space<vmem>>, vector<1x1x16xf32>,
      %swap3A_170 = arith.constant 0 : i32
      %swap3A_171 = arith.index_cast %swap3A_170 : i32 to index
      %swap3A_172 = arith.index_cast %scan3A_121 : i32 to index
      %swap3A_173 = arith.constant 112 : index
      %swap3A_174 = tpu.vector_load %arg11[%swap3A_171, %swap3A_172, %swap3A_173] {strides = array<i32>} : memref<2x40x128xf32, #tpu.memory_space<vmem>>, vector<1x1x16xf32>,
      %swap3A_175 = vector.shape_cast %swap3A_174 : vector<1x1x16xf32> to vector<16xf32>
      %swap3A_176 = vector.shape_cast %broadcast_in_dim3A_3 : vector<16xf32> to vector<1x1x16xf32>
      tpu.vector_store %arg11[%swap3A_171, %swap3A_172, %swap3A_173], %swap3A_176 {strides = array<i32>} : memref<2x40x128xf32, #tpu.memory_space<vmem>>, vector<1x1x16xf32>,
    }
    %scan3A_8 = arith.constant 40 : i32
    %lt3A = arith.constant 10 : i32
    %lt3A_9 = arith.cmpi slt, %arg1, %lt3A : i32
    %convert_element_type3A = arith.extui %lt3A_9 : i1 to i32
    %cond3A = arith.constant 0 : i32
    %cond3A_10 = arith.cmpi ne, %convert_element_type3A, %cond3A : i32
    scf.if %cond3A_10 {
      %mul3A_121 = arith.constant 1000 : i32
      %mul3A_122 = arith.muli %arg1, %mul3A_121 : i32
      %add3A_123 = arith.constant 0 : i32
      %add3A_124 = arith.addi %mul3A_122, %add3A_123 : i32
      %dma_start3A_125 = arith.constant 0 : i32
      %dma_start3A_126 = arith.constant 0 : i32
      %dma_start3A_127 = arith.constant 0 : i32
      %dma_start3A_128 = tpu.memref_slice %arg11[%dma_start3A_125, %dma_start3A_126, %dma_start3A_127] : memref<2x40x128xf32, #tpu.memory_space<vmem>> -> memref<1x40x128xf32, #tpu.memory_space<vmem>>
      %dma_start3A_129 = tpu.memref_squeeze %dma_start3A_128 : memref<1x40x128xf32, #tpu.memory_space<vmem>> -> memref<40x128xf32, #tpu.memory_space<vmem>>
      %dma_start3A_130 = arith.constant 0 : i32
      %dma_start3A_131 = tpu.memref_slice %arg12[%add3A_124, %dma_start3A_130] : memref<10000x128xf32, #tpu.memory_space<vmem_shared>> -> memref<40x128xf32, #tpu.memory_space<vmem_shared>>
      %dma_start3A_132 = arith.constant 0 : i32
      %dma_start3A_133 = tpu.memref_slice %arg12[%add3A_124, %dma_start3A_132] : memref<10000x128xf32, #tpu.memory_space<vmem_shared>> -> memref<40x128xf32, #tpu.memory_space<vmem_shared>>
      %dma_start3A_134 = arith.constant 0 : i32
      %dma_start3A_135 = arith.constant 0 : i32
      %dma_start3A_136 = tpu.memref_slice %arg11[%dma_start3A_125, %dma_start3A_134, %dma_start3A_135] : memref<2x40x128xf32, #tpu.memory_space<vmem>> -> memref<1x40x128xf32, #tpu.memory_space<vmem>>
      %dma_start3A_137 = tpu.memref_squeeze %dma_start3A_136 : memref<1x40x128xf32, #tpu.memory_space<vmem>> -> memref<40x128xf32, #tpu.memory_space<vmem>>
      tpu.enqueue_dma source(%dma_start3A_137 : memref<40x128xf32, #tpu.memory_space<vmem>>) target(%dma_start3A_133 : memref<40x128xf32, #tpu.memory_space<vmem_shared>>) target_semaphore(%arg13 : memref<!tpu.dma_semaphore, #tpu.memory_space<semaphore_mem>>)
      %mul3A_138 = arith.constant 1000 : i32
      %mul3A_139 = arith.muli %arg1, %mul3A_138 : i32
      %add3A_140 = arith.constant 40 : i32
      %add3A_141 = arith.addi %mul3A_139, %add3A_140 : i32
      %dma_start3A_142 = arith.constant 0 : i32
      %dma_start3A_143 = arith.constant 0 : i32
      %dma_start3A_144 = arith.constant 0 : i32
      %dma_start3A_145 = tpu.memref_slice %arg11[%dma_start3A_142, %dma_start3A_143, %dma_start3A_144] : memref<2x40x128xf32, #tpu.memory_space<vmem>> -> memref<1x40x128xf32, #tpu.memory_space<vmem>>
      %dma_start3A_146 = tpu.memref_squeeze %dma_start3A_145 : memref<1x40x128xf32, #tpu.memory_space<vmem>> -> memref<40x128xf32, #tpu.memory_space<vmem>>
      %dma_start3A_147 = arith.constant 0 : i32
      %dma_start3A_148 = tpu.memref_slice %arg12[%add3A_141, %dma_start3A_147] : memref<10000x128xf32, #tpu.memory_space<vmem_shared>> -> memref<40x128xf32, #tpu.memory_space<vmem_shared>>
      %dma_start3A_149 = arith.constant 0 : i32
      %dma_start3A_150 = tpu.memref_slice %arg12[%add3A_141, %dma_start3A_149] : memref<10000x128xf32, #tpu.memory_space<vmem_shared>> -> memref<40x128xf32, #tpu.memory_space<vmem_shared>>
      %dma_start3A_151 = arith.constant 0 : i32
      %dma_start3A_152 = arith.constant 0 : i32
      %dma_start3A_153 = tpu.memref_slice %arg11[%dma_start3A_142, %dma_start3A_151, %dma_start3A_152] : memref<2x40x128xf32, #tpu.memory_space<vmem>> -> memref<1x40x128xf32, #tpu.memory_space<vmem>>
      %dma_start3A_154 = tpu.memref_squeeze %dma_start3A_153 : memref<1x40x128xf32, #tpu.memory_space<vmem>> -> memref<40x128xf32, #tpu.memory_space<vmem>>
      tpu.enqueue_dma source(%dma_start3A_154 : memref<40x128xf32, #tpu.memory_space<vmem>>) target(%dma_start3A_150 : memref<40x128xf32, #tpu.memory_space<vmem_shared>>) target_semaphore(%arg13 : memref<!tpu.dma_semaphore, #tpu.memory_space<semaphore_mem>>)
      %mul3A_155 = arith.constant 1000 : i32
      %mul3A_156 = arith.muli %arg1, %mul3A_155 : i32
      %add3A_157 = arith.constant 80 : i32
      %add3A_158 = arith.addi %mul3A_156, %add3A_157 : i32
      %dma_start3A_159 = arith.constant 0 : i32
      %dma_start3A_160 = arith.constant 0 : i32
      %dma_start3A_161 = arith.constant 0 : i32
      %dma_start3A_162 = tpu.memref_slice %arg11[%dma_start3A_159, %dma_start3A_160, %dma_start3A_161] : memref<2x40x128xf32, #tpu.memory_space<vmem>> -> memref<1x40x128xf32, #tpu.memory_space<vmem>>
      %dma_start3A_163 = tpu.memref_squeeze %dma_start3A_162 : memref<1x40x128xf32, #tpu.memory_space<vmem>> -> memref<40x128xf32, #tpu.memory_space<vmem>>
      %dma_start3A_164 = arith.constant 0 : i32
      %dma_start3A_165 = tpu.memref_slice %arg12[%add3A_158, %dma_start3A_164] : memref<10000x128xf32, #tpu.memory_space<vmem_shared>> -> memref<40x128xf32, #tpu.memory_space<vmem_shared>>
      %dma_start3A_166 = arith.constant 0 : i32
      %dma_start3A_167 = tpu.memref_slice %arg12[%add3A_158, %dma_start3A_166] : memref<10000x128xf32, #tpu.memory_space<vmem_shared>> -> memref<40x128xf32, #tpu.memory_space<vmem_shared>>
      %dma_start3A_168 = arith.constant 0 : i32
      %dma_start3A_169 = arith.constant 0 : i32
      %dma_start3A_170 = tpu.memref_slice %arg11[%dma_start3A_159, %dma_start3A_168, %dma_start3A_169] : memref<2x40x128xf32, #tpu.memory_space<vmem>> -> memref<1x40x128xf32, #tpu.memory_space<vmem>>
      %dma_start3A_171 = tpu.memref_squeeze %dma_start3A_170 : memref<1x40x128xf32, #tpu.memory_space<vmem>> -> memref<40x128xf32, #tpu.memory_space<vmem>>
      tpu.enqueue_dma source(%dma_start3A_171 : memref<40x128xf32, #tpu.memory_space<vmem>>) target(%dma_start3A_167 : memref<40x128xf32, #tpu.memory_space<vmem_shared>>) target_semaphore(%arg13 : memref<!tpu.dma_semaphore, #tpu.memory_space<semaphore_mem>>)
      %mul3A_172 = arith.constant 1000 : i32
      %mul3A_173 = arith.muli %arg1, %mul3A_172 : i32
      %add3A_174 = arith.constant 120 : i32
      %add3A_175 = arith.addi %mul3A_173, %add3A_174 : i32
      %dma_start3A_176 = arith.constant 0 : i32
      %dma_start3A_177 = arith.constant 0 : i32
      %dma_start3A_178 = arith.constant 0 : i32
      %dma_start3A_179 = tpu.memref_slice %arg11[%dma_start3A_176, %dma_start3A_177, %dma_start3A_178] : memref<2x40x128xf32, #tpu.memory_space<vmem>> -> memref<1x40x128xf32, #tpu.memory_space<vmem>>
      %dma_start3A_180 = tpu.memref_squeeze %dma_start3A_179 : memref<1x40x128xf32, #tpu.memory_space<vmem>> -> memref<40x128xf32, #tpu.memory_space<vmem>>
      %dma_start3A_181 = arith.constant 0 : i32
      %dma_start3A_182 = tpu.memref_slice %arg12[%add3A_175, %dma_start3A_181] : memref<10000x128xf32, #tpu.memory_space<vmem_shared>> -> memref<40x128xf32, #tpu.memory_space<vmem_shared>>
      %dma_start3A_183 = arith.constant 0 : i32
      %dma_start3A_184 = tpu.memref_slice %arg12[%add3A_175, %dma_start3A_183] : memref<10000x128xf32, #tpu.memory_space<vmem_shared>> -> memref<40x128xf32, #tpu.memory_space<vmem_shared>>
      %dma_start3A_185 = arith.constant 0 : i32
      %dma_start3A_186 = arith.constant 0 : i32
      %dma_start3A_187 = tpu.memref_slice %arg11[%dma_start3A_176, %dma_start3A_185, %dma_start3A_186] : memref<2x40x128xf32, #tpu.memory_space<vmem>> -> memref<1x40x128xf32, #tpu.memory_space<vmem>>
      %dma_start3A_188 = tpu.memref_squeeze %dma_start3A_187 : memref<1x40x128xf32, #tpu.memory_space<vmem>> -> memref<40x128xf32, #tpu.memory_space<vmem>>
      tpu.enqueue_dma source(%dma_start3A_188 : memref<40x128xf32, #tpu.memory_space<vmem>>) target(%dma_start3A_184 : memref<40x128xf32, #tpu.memory_space<vmem_shared>>) target_semaphore(%arg13 : memref<!tpu.dma_semaphore, #tpu.memory_space<semaphore_mem>>)
      %mul3A_189 = arith.constant 1000 : i32
      %mul3A_190 = arith.muli %arg1, %mul3A_189 : i32
      %add3A_191 = arith.constant 160 : i32
      %add3A_192 = arith.addi %mul3A_190, %add3A_191 : i32
      %dma_start3A_193 = arith.constant 0 : i32
      %dma_start3A_194 = arith.constant 0 : i32
      %dma_start3A_195 = arith.constant 0 : i32
      %dma_start3A_196 = tpu.memref_slice %arg11[%dma_start3A_193, %dma_start3A_194, %dma_start3A_195] : memref<2x40x128xf32, #tpu.memory_space<vmem>> -> memref<1x40x128xf32, #tpu.memory_space<vmem>>
      %dma_start3A_197 = tpu.memref_squeeze %dma_start3A_196 : memref<1x40x128xf32, #tpu.memory_space<vmem>> -> memref<40x128xf32, #tpu.memory_space<vmem>>
      %dma_start3A_198 = arith.constant 0 : i32
      %dma_start3A_199 = tpu.memref_slice %arg12[%add3A_192, %dma_start3A_198] : memref<10000x128xf32, #tpu.memory_space<vmem_shared>> -> memref<40x128xf32, #tpu.memory_space<vmem_shared>>
      %dma_start3A_200 = arith.constant 0 : i32
      %dma_start3A_201 = tpu.memref_slice %arg12[%add3A_192, %dma_start3A_200] : memref<10000x128xf32, #tpu.memory_space<vmem_shared>> -> memref<40x128xf32, #tpu.memory_space<vmem_shared>>
      %dma_start3A_202 = arith.constant 0 : i32
      %dma_start3A_203 = arith.constant 0 : i32
      %dma_start3A_204 = tpu.memref_slice %arg11[%dma_start3A_193, %dma_start3A_202, %dma_start3A_203] : memref<2x40x128xf32, #tpu.memory_space<vmem>> -> memref<1x40x128xf32, #tpu.memory_space<vmem>>
      %dma_start3A_205 = tpu.memref_squeeze %dma_start3A_204 : memref<1x40x128xf32, #tpu.memory_space<vmem>> -> memref<40x128xf32, #tpu.memory_space<vmem>>
      tpu.enqueue_dma source(%dma_start3A_205 : memref<40x128xf32, #tpu.memory_space<vmem>>) target(%dma_start3A_201 : memref<40x128xf32, #tpu.memory_space<vmem_shared>>) target_semaphore(%arg13 : memref<!tpu.dma_semaphore, #tpu.memory_space<semaphore_mem>>)
      %mul3A_206 = arith.constant 1000 : i32
      %mul3A_207 = arith.muli %arg1, %mul3A_206 : i32
      %add3A_208 = arith.constant 200 : i32
      %add3A_209 = arith.addi %mul3A_207, %add3A_208 : i32
      %dma_start3A_210 = arith.constant 0 : i32
      %dma_start3A_211 = arith.constant 0 : i32
      %dma_start3A_212 = arith.constant 0 : i32
      %dma_start3A_213 = tpu.memref_slice %arg11[%dma_start3A_210, %dma_start3A_211, %dma_start3A_212] : memref<2x40x128xf32, #tpu.memory_space<vmem>> -> memref<1x40x128xf32, #tpu.memory_space<vmem>>
      %dma_start3A_214 = tpu.memref_squeeze %dma_start3A_213 : memref<1x40x128xf32, #tpu.memory_space<vmem>> -> memref<40x128xf32, #tpu.memory_space<vmem>>
      %dma_start3A_215 = arith.constant 0 : i32
      %dma_start3A_216 = tpu.memref_slice %arg12[%add3A_209, %dma_start3A_215] : memref<10000x128xf32, #tpu.memory_space<vmem_shared>> -> memref<40x128xf32, #tpu.memory_space<vmem_shared>>
      %dma_start3A_217 = arith.constant 0 : i32
      %dma_start3A_218 = tpu.memref_slice %arg12[%add3A_209, %dma_start3A_217] : memref<10000x128xf32, #tpu.memory_space<vmem_shared>> -> memref<40x128xf32, #tpu.memory_space<vmem_shared>>
      %dma_start3A_219 = arith.constant 0 : i32
      %dma_start3A_220 = arith.constant 0 : i32
      %dma_start3A_221 = tpu.memref_slice %arg11[%dma_start3A_210, %dma_start3A_219, %dma_start3A_220] : memref<2x40x128xf32, #tpu.memory_space<vmem>> -> memref<1x40x128xf32, #tpu.memory_space<vmem>>
      %dma_start3A_222 = tpu.memref_squeeze %dma_start3A_221 : memref<1x40x128xf32, #tpu.memory_space<vmem>> -> memref<40x128xf32, #tpu.memory_space<vmem>>
      tpu.enqueue_dma source(%dma_start3A_222 : memref<40x128xf32, #tpu.memory_space<vmem>>) target(%dma_start3A_218 : memref<40x128xf32, #tpu.memory_space<vmem_shared>>) target_semaphore(%arg13 : memref<!tpu.dma_semaphore, #tpu.memory_space<semaphore_mem>>)
      %mul3A_223 = arith.constant 1000 : i32
      %mul3A_224 = arith.muli %arg1, %mul3A_223 : i32
      %add3A_225 = arith.constant 240 : i32
      %add3A_226 = arith.addi %mul3A_224, %add3A_225 : i32
      %dma_start3A_227 = arith.constant 0 : i32
      %dma_start3A_228 = arith.constant 0 : i32
      %dma_start3A_229 = arith.constant 0 : i32
      %dma_start3A_230 = tpu.memref_slice %arg11[%dma_start3A_227, %dma_start3A_228, %dma_start3A_229] : memref<2x40x128xf32, #tpu.memory_space<vmem>> -> memref<1x40x128xf32, #tpu.memory_space<vmem>>
      %dma_start3A_231 = tpu.memref_squeeze %dma_start3A_230 : memref<1x40x128xf32, #tpu.memory_space<vmem>> -> memref<40x128xf32, #tpu.memory_space<vmem>>
      %dma_start3A_232 = arith.constant 0 : i32
      %dma_start3A_233 = tpu.memref_slice %arg12[%add3A_226, %dma_start3A_232] : memref<10000x128xf32, #tpu.memory_space<vmem_shared>> -> memref<40x128xf32, #tpu.memory_space<vmem_shared>>
      %dma_start3A_234 = arith.constant 0 : i32
      %dma_start3A_235 = tpu.memref_slice %arg12[%add3A_226, %dma_start3A_234] : memref<10000x128xf32, #tpu.memory_space<vmem_shared>> -> memref<40x128xf32, #tpu.memory_space<vmem_shared>>
      %dma_start3A_236 = arith.constant 0 : i32
      %dma_start3A_237 = arith.constant 0 : i32
      %dma_start3A_238 = tpu.memref_slice %arg11[%dma_start3A_227, %dma_start3A_236, %dma_start3A_237] : memref<2x40x128xf32, #tpu.memory_space<vmem>> -> memref<1x40x128xf32, #tpu.memory_space<vmem>>
      %dma_start3A_239 = tpu.memref_squeeze %dma_start3A_238 : memref<1x40x128xf32, #tpu.memory_space<vmem>> -> memref<40x128xf32, #tpu.memory_space<vmem>>
      tpu.enqueue_dma source(%dma_start3A_239 : memref<40x128xf32, #tpu.memory_space<vmem>>) target(%dma_start3A_235 : memref<40x128xf32, #tpu.memory_space<vmem_shared>>) target_semaphore(%arg13 : memref<!tpu.dma_semaphore, #tpu.memory_space<semaphore_mem>>)
      %mul3A_240 = arith.constant 1000 : i32
      %mul3A_241 = arith.muli %arg1, %mul3A_240 : i32
      %add3A_242 = arith.constant 280 : i32
      %add3A_243 = arith.addi %mul3A_241, %add3A_242 : i32
      %dma_start3A_244 = arith.constant 0 : i32
      %dma_start3A_245 = arith.constant 0 : i32
      %dma_start3A_246 = arith.constant 0 : i32
      %dma_start3A_247 = tpu.memref_slice %arg11[%dma_start3A_244, %dma_start3A_245, %dma_start3A_246] : memref<2x40x128xf32, #tpu.memory_space<vmem>> -> memref<1x40x128xf32, #tpu.memory_space<vmem>>
      %dma_start3A_248 = tpu.memref_squeeze %dma_start3A_247 : memref<1x40x128xf32, #tpu.memory_space<vmem>> -> memref<40x128xf32, #tpu.memory_space<vmem>>
      %dma_start3A_249 = arith.constant 0 : i32
      %dma_start3A_250 = tpu.memref_slice %arg12[%add3A_243, %dma_start3A_249] : memref<10000x128xf32, #tpu.memory_space<vmem_shared>> -> memref<40x128xf32, #tpu.memory_space<vmem_shared>>
      %dma_start3A_251 = arith.constant 0 : i32
      %dma_start3A_252 = tpu.memref_slice %arg12[%add3A_243, %dma_start3A_251] : memref<10000x128xf32, #tpu.memory_space<vmem_shared>> -> memref<40x128xf32, #tpu.memory_space<vmem_shared>>
      %dma_start3A_253 = arith.constant 0 : i32
      %dma_start3A_254 = arith.constant 0 : i32
      %dma_start3A_255 = tpu.memref_slice %arg11[%dma_start3A_244, %dma_start3A_253, %dma_start3A_254] : memref<2x40x128xf32, #tpu.memory_space<vmem>> -> memref<1x40x128xf32, #tpu.memory_space<vmem>>
      %dma_start3A_256 = tpu.memref_squeeze %dma_start3A_255 : memref<1x40x128xf32, #tpu.memory_space<vmem>> -> memref<40x128xf32, #tpu.memory_space<vmem>>
      tpu.enqueue_dma source(%dma_start3A_256 : memref<40x128xf32, #tpu.memory_space<vmem>>) target(%dma_start3A_252 : memref<40x128xf32, #tpu.memory_space<vmem_shared>>) target_semaphore(%arg13 : memref<!tpu.dma_semaphore, #tpu.memory_space<semaphore_mem>>)
      %mul3A_257 = arith.constant 1000 : i32
      %mul3A_258 = arith.muli %arg1, %mul3A_257 : i32
      %add3A_259 = arith.constant 320 : i32
      %add3A_260 = arith.addi %mul3A_258, %add3A_259 : i32
      %dma_start3A_261 = arith.constant 0 : i32
      %dma_start3A_262 = arith.constant 0 : i32
      %dma_start3A_263 = arith.constant 0 : i32
      %dma_start3A_264 = tpu.memref_slice %arg11[%dma_start3A_261, %dma_start3A_262, %dma_start3A_263] : memref<2x40x128xf32, #tpu.memory_space<vmem>> -> memref<1x40x128xf32, #tpu.memory_space<vmem>>
      %dma_start3A_265 = tpu.memref_squeeze %dma_start3A_264 : memref<1x40x128xf32, #tpu.memory_space<vmem>> -> memref<40x128xf32, #tpu.memory_space<vmem>>
      %dma_start3A_266 = arith.constant 0 : i32
      %dma_start3A_267 = tpu.memref_slice %arg12[%add3A_260, %dma_start3A_266] : memref<10000x128xf32, #tpu.memory_space<vmem_shared>> -> memref<40x128xf32, #tpu.memory_space<vmem_shared>>
      %dma_start3A_268 = arith.constant 0 : i32
      %dma_start3A_269 = tpu.memref_slice %arg12[%add3A_260, %dma_start3A_268] : memref<10000x128xf32, #tpu.memory_space<vmem_shared>> -> memref<40x128xf32, #tpu.memory_space<vmem_shared>>
      %dma_start3A_270 = arith.constant 0 : i32
      %dma_start3A_271 = arith.constant 0 : i32
      %dma_start3A_272 = tpu.memref_slice %arg11[%dma_start3A_261, %dma_start3A_270, %dma_start3A_271] : memref<2x40x128xf32, #tpu.memory_space<vmem>> -> memref<1x40x128xf32, #tpu.memory_space<vmem>>
      %dma_start3A_273 = tpu.memref_squeeze %dma_start3A_272 : memref<1x40x128xf32, #tpu.memory_space<vmem>> -> memref<40x128xf32, #tpu.memory_space<vmem>>
      tpu.enqueue_dma source(%dma_start3A_273 : memref<40x128xf32, #tpu.memory_space<vmem>>) target(%dma_start3A_269 : memref<40x128xf32, #tpu.memory_space<vmem_shared>>) target_semaphore(%arg13 : memref<!tpu.dma_semaphore, #tpu.memory_space<semaphore_mem>>)
      %mul3A_274 = arith.constant 1000 : i32
      %mul3A_275 = arith.muli %arg1, %mul3A_274 : i32
      %add3A_276 = arith.constant 360 : i32
      %add3A_277 = arith.addi %mul3A_275, %add3A_276 : i32
      %dma_start3A_278 = arith.constant 0 : i32
      %dma_start3A_279 = arith.constant 0 : i32
      %dma_start3A_280 = arith.constant 0 : i32
      %dma_start3A_281 = tpu.memref_slice %arg11[%dma_start3A_278, %dma_start3A_279, %dma_start3A_280] : memref<2x40x128xf32, #tpu.memory_space<vmem>> -> memref<1x40x128xf32, #tpu.memory_space<vmem>>
      %dma_start3A_282 = tpu.memref_squeeze %dma_start3A_281 : memref<1x40x128xf32, #tpu.memory_space<vmem>> -> memref<40x128xf32, #tpu.memory_space<vmem>>
      %dma_start3A_283 = arith.constant 0 : i32
      %dma_start3A_284 = tpu.memref_slice %arg12[%add3A_277, %dma_start3A_283] : memref<10000x128xf32, #tpu.memory_space<vmem_shared>> -> memref<40x128xf32, #tpu.memory_space<vmem_shared>>
      %dma_start3A_285 = arith.constant 0 : i32
      %dma_start3A_286 = tpu.memref_slice %arg12[%add3A_277, %dma_start3A_285] : memref<10000x128xf32, #tpu.memory_space<vmem_shared>> -> memref<40x128xf32, #tpu.memory_space<vmem_shared>>
      %dma_start3A_287 = arith.constant 0 : i32
      %dma_start3A_288 = arith.constant 0 : i32
      %dma_start3A_289 = tpu.memref_slice %arg11[%dma_start3A_278, %dma_start3A_287, %dma_start3A_288] : memref<2x40x128xf32, #tpu.memory_space<vmem>> -> memref<1x40x128xf32, #tpu.memory_space<vmem>>
      %dma_start3A_290 = tpu.memref_squeeze %dma_start3A_289 : memref<1x40x128xf32, #tpu.memory_space<vmem>> -> memref<40x128xf32, #tpu.memory_space<vmem>>
      tpu.enqueue_dma source(%dma_start3A_290 : memref<40x128xf32, #tpu.memory_space<vmem>>) target(%dma_start3A_286 : memref<40x128xf32, #tpu.memory_space<vmem_shared>>) target_semaphore(%arg13 : memref<!tpu.dma_semaphore, #tpu.memory_space<semaphore_mem>>)
      %mul3A_291 = arith.constant 1000 : i32
      %mul3A_292 = arith.muli %arg1, %mul3A_291 : i32
      %add3A_293 = arith.constant 400 : i32
      %add3A_294 = arith.addi %mul3A_292, %add3A_293 : i32
      %dma_start3A_295 = arith.constant 0 : i32
      %dma_start3A_296 = arith.constant 0 : i32
      %dma_start3A_297 = arith.constant 0 : i32
      %dma_start3A_298 = tpu.memref_slice %arg11[%dma_start3A_295, %dma_start3A_296, %dma_start3A_297] : memref<2x40x128xf32, #tpu.memory_space<vmem>> -> memref<1x40x128xf32, #tpu.memory_space<vmem>>
      %dma_start3A_299 = tpu.memref_squeeze %dma_start3A_298 : memref<1x40x128xf32, #tpu.memory_space<vmem>> -> memref<40x128xf32, #tpu.memory_space<vmem>>
      %dma_start3A_300 = arith.constant 0 : i32
      %dma_start3A_301 = tpu.memref_slice %arg12[%add3A_294, %dma_start3A_300] : memref<10000x128xf32, #tpu.memory_space<vmem_shared>> -> memref<40x128xf32, #tpu.memory_space<vmem_shared>>
      %dma_start3A_302 = arith.constant 0 : i32
      %dma_start3A_303 = tpu.memref_slice %arg12[%add3A_294, %dma_start3A_302] : memref<10000x128xf32, #tpu.memory_space<vmem_shared>> -> memref<40x128xf32, #tpu.memory_space<vmem_shared>>
      %dma_start3A_304 = arith.constant 0 : i32
      %dma_start3A_305 = arith.constant 0 : i32
      %dma_start3A_306 = tpu.memref_slice %arg11[%dma_start3A_295, %dma_start3A_304, %dma_start3A_305] : memref<2x40x128xf32, #tpu.memory_space<vmem>> -> memref<1x40x128xf32, #tpu.memory_space<vmem>>
      %dma_start3A_307 = tpu.memref_squeeze %dma_start3A_306 : memref<1x40x128xf32, #tpu.memory_space<vmem>> -> memref<40x128xf32, #tpu.memory_space<vmem>>
      tpu.enqueue_dma source(%dma_start3A_307 : memref<40x128xf32, #tpu.memory_space<vmem>>) target(%dma_start3A_303 : memref<40x128xf32, #tpu.memory_space<vmem_shared>>) target_semaphore(%arg13 : memref<!tpu.dma_semaphore, #tpu.memory_space<semaphore_mem>>)
      %mul3A_308 = arith.constant 1000 : i32
      %mul3A_309 = arith.muli %arg1, %mul3A_308 : i32
      %add3A_310 = arith.constant 440 : i32
      %add3A_311 = arith.addi %mul3A_309, %add3A_310 : i32
      %dma_start3A_312 = arith.constant 0 : i32
      %dma_start3A_313 = arith.constant 0 : i32
      %dma_start3A_314 = arith.constant 0 : i32
      %dma_start3A_315 = tpu.memref_slice %arg11[%dma_start3A_312, %dma_start3A_313, %dma_start3A_314] : memref<2x40x128xf32, #tpu.memory_space<vmem>> -> memref<1x40x128xf32, #tpu.memory_space<vmem>>
      %dma_start3A_316 = tpu.memref_squeeze %dma_start3A_315 : memref<1x40x128xf32, #tpu.memory_space<vmem>> -> memref<40x128xf32, #tpu.memory_space<vmem>>
      %dma_start3A_317 = arith.constant 0 : i32
      %dma_start3A_318 = tpu.memref_slice %arg12[%add3A_311, %dma_start3A_317] : memref<10000x128xf32, #tpu.memory_space<vmem_shared>> -> memref<40x128xf32, #tpu.memory_space<vmem_shared>>
      %dma_start3A_319 = arith.constant 0 : i32
      %dma_start3A_320 = tpu.memref_slice %arg12[%add3A_311, %dma_start3A_319] : memref<10000x128xf32, #tpu.memory_space<vmem_shared>> -> memref<40x128xf32, #tpu.memory_space<vmem_shared>>
      %dma_start3A_321 = arith.constant 0 : i32
      %dma_start3A_322 = arith.constant 0 : i32
      %dma_start3A_323 = tpu.memref_slice %arg11[%dma_start3A_312, %dma_start3A_321, %dma_start3A_322] : memref<2x40x128xf32, #tpu.memory_space<vmem>> -> memref<1x40x128xf32, #tpu.memory_space<vmem>>
      %dma_start3A_324 = tpu.memref_squeeze %dma_start3A_323 : memref<1x40x128xf32, #tpu.memory_space<vmem>> -> memref<40x128xf32, #tpu.memory_space<vmem>>
      tpu.enqueue_dma source(%dma_start3A_324 : memref<40x128xf32, #tpu.memory_space<vmem>>) target(%dma_start3A_320 : memref<40x128xf32, #tpu.memory_space<vmem_shared>>) target_semaphore(%arg13 : memref<!tpu.dma_semaphore, #tpu.memory_space<semaphore_mem>>)
      %mul3A_325 = arith.constant 1000 : i32
      %mul3A_326 = arith.muli %arg1, %mul3A_325 : i32
      %add3A_327 = arith.constant 480 : i32
      %add3A_328 = arith.addi %mul3A_326, %add3A_327 : i32
      %dma_start3A_329 = arith.constant 0 : i32
      %dma_start3A_330 = arith.constant 0 : i32
      %dma_start3A_331 = arith.constant 0 : i32
      %dma_start3A_332 = tpu.memref_slice %arg11[%dma_start3A_329, %dma_start3A_330, %dma_start3A_331] : memref<2x40x128xf32, #tpu.memory_space<vmem>> -> memref<1x40x128xf32, #tpu.memory_space<vmem>>
      %dma_start3A_333 = tpu.memref_squeeze %dma_start3A_332 : memref<1x40x128xf32, #tpu.memory_space<vmem>> -> memref<40x128xf32, #tpu.memory_space<vmem>>
      %dma_start3A_334 = arith.constant 0 : i32
      %dma_start3A_335 = tpu.memref_slice %arg12[%add3A_328, %dma_start3A_334] : memref<10000x128xf32, #tpu.memory_space<vmem_shared>> -> memref<40x128xf32, #tpu.memory_space<vmem_shared>>
      %dma_start3A_336 = arith.constant 0 : i32
      %dma_start3A_337 = tpu.memref_slice %arg12[%add3A_328, %dma_start3A_336] : memref<10000x128xf32, #tpu.memory_space<vmem_shared>> -> memref<40x128xf32, #tpu.memory_space<vmem_shared>>
      %dma_start3A_338 = arith.constant 0 : i32
      %dma_start3A_339 = arith.constant 0 : i32
      %dma_start3A_340 = tpu.memref_slice %arg11[%dma_start3A_329, %dma_start3A_338, %dma_start3A_339] : memref<2x40x128xf32, #tpu.memory_space<vmem>> -> memref<1x40x128xf32, #tpu.memory_space<vmem>>
      %dma_start3A_341 = tpu.memref_squeeze %dma_start3A_340 : memref<1x40x128xf32, #tpu.memory_space<vmem>> -> memref<40x128xf32, #tpu.memory_space<vmem>>
      tpu.enqueue_dma source(%dma_start3A_341 : memref<40x128xf32, #tpu.memory_space<vmem>>) target(%dma_start3A_337 : memref<40x128xf32, #tpu.memory_space<vmem_shared>>) target_semaphore(%arg13 : memref<!tpu.dma_semaphore, #tpu.memory_space<semaphore_mem>>)
      %mul3A_342 = arith.constant 1000 : i32
      %mul3A_343 = arith.muli %arg1, %mul3A_342 : i32
      %add3A_344 = arith.constant 520 : i32
      %add3A_345 = arith.addi %mul3A_343, %add3A_344 : i32
      %dma_start3A_346 = arith.constant 0 : i32
      %dma_start3A_347 = arith.constant 0 : i32
      %dma_start3A_348 = arith.constant 0 : i32
      %dma_start3A_349 = tpu.memref_slice %arg11[%dma_start3A_346, %dma_start3A_347, %dma_start3A_348] : memref<2x40x128xf32, #tpu.memory_space<vmem>> -> memref<1x40x128xf32, #tpu.memory_space<vmem>>
      %dma_start3A_350 = tpu.memref_squeeze %dma_start3A_349 : memref<1x40x128xf32, #tpu.memory_space<vmem>> -> memref<40x128xf32, #tpu.memory_space<vmem>>
      %dma_start3A_351 = arith.constant 0 : i32
      %dma_start3A_352 = tpu.memref_slice %arg12[%add3A_345, %dma_start3A_351] : memref<10000x128xf32, #tpu.memory_space<vmem_shared>> -> memref<40x128xf32, #tpu.memory_space<vmem_shared>>
      %dma_start3A_353 = arith.constant 0 : i32
      %dma_start3A_354 = tpu.memref_slice %arg12[%add3A_345, %dma_start3A_353] : memref<10000x128xf32, #tpu.memory_space<vmem_shared>> -> memref<40x128xf32, #tpu.memory_space<vmem_shared>>
      %dma_start3A_355 = arith.constant 0 : i32
      %dma_start3A_356 = arith.constant 0 : i32
      %dma_start3A_357 = tpu.memref_slice %arg11[%dma_start3A_346, %dma_start3A_355, %dma_start3A_356] : memref<2x40x128xf32, #tpu.memory_space<vmem>> -> memref<1x40x128xf32, #tpu.memory_space<vmem>>
      %dma_start3A_358 = tpu.memref_squeeze %dma_start3A_357 : memref<1x40x128xf32, #tpu.memory_space<vmem>> -> memref<40x128xf32, #tpu.memory_space<vmem>>
      tpu.enqueue_dma source(%dma_start3A_358 : memref<40x128xf32, #tpu.memory_space<vmem>>) target(%dma_start3A_354 : memref<40x128xf32, #tpu.memory_space<vmem_shared>>) target_semaphore(%arg13 : memref<!tpu.dma_semaphore, #tpu.memory_space<semaphore_mem>>)
      %mul3A_359 = arith.constant 1000 : i32
      %mul3A_360 = arith.muli %arg1, %mul3A_359 : i32
      %add3A_361 = arith.constant 560 : i32
      %add3A_362 = arith.addi %mul3A_360, %add3A_361 : i32
      %dma_start3A_363 = arith.constant 0 : i32
      %dma_start3A_364 = arith.constant 0 : i32
      %dma_start3A_365 = arith.constant 0 : i32
      %dma_start3A_366 = tpu.memref_slice %arg11[%dma_start3A_363, %dma_start3A_364, %dma_start3A_365] : memref<2x40x128xf32, #tpu.memory_space<vmem>> -> memref<1x40x128xf32, #tpu.memory_space<vmem>>
      %dma_start3A_367 = tpu.memref_squeeze %dma_start3A_366 : memref<1x40x128xf32, #tpu.memory_space<vmem>> -> memref<40x128xf32, #tpu.memory_space<vmem>>
      %dma_start3A_368 = arith.constant 0 : i32
      %dma_start3A_369 = tpu.memref_slice %arg12[%add3A_362, %dma_start3A_368] : memref<10000x128xf32, #tpu.memory_space<vmem_shared>> -> memref<40x128xf32, #tpu.memory_space<vmem_shared>>
      %dma_start3A_370 = arith.constant 0 : i32
      %dma_start3A_371 = tpu.memref_slice %arg12[%add3A_362, %dma_start3A_370] : memref<10000x128xf32, #tpu.memory_space<vmem_shared>> -> memref<40x128xf32, #tpu.memory_space<vmem_shared>>
      %dma_start3A_372 = arith.constant 0 : i32
      %dma_start3A_373 = arith.constant 0 : i32
      %dma_start3A_374 = tpu.memref_slice %arg11[%dma_start3A_363, %dma_start3A_372, %dma_start3A_373] : memref<2x40x128xf32, #tpu.memory_space<vmem>> -> memref<1x40x128xf32, #tpu.memory_space<vmem>>
      %dma_start3A_375 = tpu.memref_squeeze %dma_start3A_374 : memref<1x40x128xf32, #tpu.memory_space<vmem>> -> memref<40x128xf32, #tpu.memory_space<vmem>>
      tpu.enqueue_dma source(%dma_start3A_375 : memref<40x128xf32, #tpu.memory_space<vmem>>) target(%dma_start3A_371 : memref<40x128xf32, #tpu.memory_space<vmem_shared>>) target_semaphore(%arg13 : memref<!tpu.dma_semaphore, #tpu.memory_space<semaphore_mem>>)
      %mul3A_376 = arith.constant 1000 : i32
      %mul3A_377 = arith.muli %arg1, %mul3A_376 : i32
      %add3A_378 = arith.constant 600 : i32
      %add3A_379 = arith.addi %mul3A_377, %add3A_378 : i32
      %dma_start3A_380 = arith.constant 0 : i32
      %dma_start3A_381 = arith.constant 0 : i32
      %dma_start3A_382 = arith.constant 0 : i32
      %dma_start3A_383 = tpu.memref_slice %arg11[%dma_start3A_380, %dma_start3A_381, %dma_start3A_382] : memref<2x40x128xf32, #tpu.memory_space<vmem>> -> memref<1x40x128xf32, #tpu.memory_space<vmem>>
      %dma_start3A_384 = tpu.memref_squeeze %dma_start3A_383 : memref<1x40x128xf32, #tpu.memory_space<vmem>> -> memref<40x128xf32, #tpu.memory_space<vmem>>
      %dma_start3A_385 = arith.constant 0 : i32
      %dma_start3A_386 = tpu.memref_slice %arg12[%add3A_379, %dma_start3A_385] : memref<10000x128xf32, #tpu.memory_space<vmem_shared>> -> memref<40x128xf32, #tpu.memory_space<vmem_shared>>
      %dma_start3A_387 = arith.constant 0 : i32
      %dma_start3A_388 = tpu.memref_slice %arg12[%add3A_379, %dma_start3A_387] : memref<10000x128xf32, #tpu.memory_space<vmem_shared>> -> memref<40x128xf32, #tpu.memory_space<vmem_shared>>
      %dma_start3A_389 = arith.constant 0 : i32
      %dma_start3A_390 = arith.constant 0 : i32
      %dma_start3A_391 = tpu.memref_slice %arg11[%dma_start3A_380, %dma_start3A_389, %dma_start3A_390] : memref<2x40x128xf32, #tpu.memory_space<vmem>> -> memref<1x40x128xf32, #tpu.memory_space<vmem>>
      %dma_start3A_392 = tpu.memref_squeeze %dma_start3A_391 : memref<1x40x128xf32, #tpu.memory_space<vmem>> -> memref<40x128xf32, #tpu.memory_space<vmem>>
      tpu.enqueue_dma source(%dma_start3A_392 : memref<40x128xf32, #tpu.memory_space<vmem>>) target(%dma_start3A_388 : memref<40x128xf32, #tpu.memory_space<vmem_shared>>) target_semaphore(%arg13 : memref<!tpu.dma_semaphore, #tpu.memory_space<semaphore_mem>>)
      %mul3A_393 = arith.constant 1000 : i32
      %mul3A_394 = arith.muli %arg1, %mul3A_393 : i32
      %add3A_395 = arith.constant 640 : i32
      %add3A_396 = arith.addi %mul3A_394, %add3A_395 : i32
      %dma_start3A_397 = arith.constant 0 : i32
      %dma_start3A_398 = arith.constant 0 : i32
      %dma_start3A_399 = arith.constant 0 : i32
      %dma_start3A_400 = tpu.memref_slice %arg11[%dma_start3A_397, %dma_start3A_398, %dma_start3A_399] : memref<2x40x128xf32, #tpu.memory_space<vmem>> -> memref<1x40x128xf32, #tpu.memory_space<vmem>>
      %dma_start3A_401 = tpu.memref_squeeze %dma_start3A_400 : memref<1x40x128xf32, #tpu.memory_space<vmem>> -> memref<40x128xf32, #tpu.memory_space<vmem>>
      %dma_start3A_402 = arith.constant 0 : i32
      %dma_start3A_403 = tpu.memref_slice %arg12[%add3A_396, %dma_start3A_402] : memref<10000x128xf32, #tpu.memory_space<vmem_shared>> -> memref<40x128xf32, #tpu.memory_space<vmem_shared>>
      %dma_start3A_404 = arith.constant 0 : i32
      %dma_start3A_405 = tpu.memref_slice %arg12[%add3A_396, %dma_start3A_404] : memref<10000x128xf32, #tpu.memory_space<vmem_shared>> -> memref<40x128xf32, #tpu.memory_space<vmem_shared>>
      %dma_start3A_406 = arith.constant 0 : i32
      %dma_start3A_407 = arith.constant 0 : i32
      %dma_start3A_408 = tpu.memref_slice %arg11[%dma_start3A_397, %dma_start3A_406, %dma_start3A_407] : memref<2x40x128xf32, #tpu.memory_space<vmem>> -> memref<1x40x128xf32, #tpu.memory_space<vmem>>
      %dma_start3A_409 = tpu.memref_squeeze %dma_start3A_408 : memref<1x40x128xf32, #tpu.memory_space<vmem>> -> memref<40x128xf32, #tpu.memory_space<vmem>>
      tpu.enqueue_dma source(%dma_start3A_409 : memref<40x128xf32, #tpu.memory_space<vmem>>) target(%dma_start3A_405 : memref<40x128xf32, #tpu.memory_space<vmem_shared>>) target_semaphore(%arg13 : memref<!tpu.dma_semaphore, #tpu.memory_space<semaphore_mem>>)
      %mul3A_410 = arith.constant 1000 : i32
      %mul3A_411 = arith.muli %arg1, %mul3A_410 : i32
      %add3A_412 = arith.constant 680 : i32
      %add3A_413 = arith.addi %mul3A_411, %add3A_412 : i32
      %dma_start3A_414 = arith.constant 0 : i32
      %dma_start3A_415 = arith.constant 0 : i32
      %dma_start3A_416 = arith.constant 0 : i32
      %dma_start3A_417 = tpu.memref_slice %arg11[%dma_start3A_414, %dma_start3A_415, %dma_start3A_416] : memref<2x40x128xf32, #tpu.memory_space<vmem>> -> memref<1x40x128xf32, #tpu.memory_space<vmem>>
      %dma_start3A_418 = tpu.memref_squeeze %dma_start3A_417 : memref<1x40x128xf32, #tpu.memory_space<vmem>> -> memref<40x128xf32, #tpu.memory_space<vmem>>
      %dma_start3A_419 = arith.constant 0 : i32
      %dma_start3A_420 = tpu.memref_slice %arg12[%add3A_413, %dma_start3A_419] : memref<10000x128xf32, #tpu.memory_space<vmem_shared>> -> memref<40x128xf32, #tpu.memory_space<vmem_shared>>
      %dma_start3A_421 = arith.constant 0 : i32
      %dma_start3A_422 = tpu.memref_slice %arg12[%add3A_413, %dma_start3A_421] : memref<10000x128xf32, #tpu.memory_space<vmem_shared>> -> memref<40x128xf32, #tpu.memory_space<vmem_shared>>
      %dma_start3A_423 = arith.constant 0 : i32
      %dma_start3A_424 = arith.constant 0 : i32
      %dma_start3A_425 = tpu.memref_slice %arg11[%dma_start3A_414, %dma_start3A_423, %dma_start3A_424] : memref<2x40x128xf32, #tpu.memory_space<vmem>> -> memref<1x40x128xf32, #tpu.memory_space<vmem>>
      %dma_start3A_426 = tpu.memref_squeeze %dma_start3A_425 : memref<1x40x128xf32, #tpu.memory_space<vmem>> -> memref<40x128xf32, #tpu.memory_space<vmem>>
      tpu.enqueue_dma source(%dma_start3A_426 : memref<40x128xf32, #tpu.memory_space<vmem>>) target(%dma_start3A_422 : memref<40x128xf32, #tpu.memory_space<vmem_shared>>) target_semaphore(%arg13 : memref<!tpu.dma_semaphore, #tpu.memory_space<semaphore_mem>>)
      %mul3A_427 = arith.constant 1000 : i32
      %mul3A_428 = arith.muli %arg1, %mul3A_427 : i32
      %add3A_429 = arith.constant 720 : i32
      %add3A_430 = arith.addi %mul3A_428, %add3A_429 : i32
      %dma_start3A_431 = arith.constant 0 : i32
      %dma_start3A_432 = arith.constant 0 : i32
      %dma_start3A_433 = arith.constant 0 : i32
      %dma_start3A_434 = tpu.memref_slice %arg11[%dma_start3A_431, %dma_start3A_432, %dma_start3A_433] : memref<2x40x128xf32, #tpu.memory_space<vmem>> -> memref<1x40x128xf32, #tpu.memory_space<vmem>>
      %dma_start3A_435 = tpu.memref_squeeze %dma_start3A_434 : memref<1x40x128xf32, #tpu.memory_space<vmem>> -> memref<40x128xf32, #tpu.memory_space<vmem>>
      %dma_start3A_436 = arith.constant 0 : i32
      %dma_start3A_437 = tpu.memref_slice %arg12[%add3A_430, %dma_start3A_436] : memref<10000x128xf32, #tpu.memory_space<vmem_shared>> -> memref<40x128xf32, #tpu.memory_space<vmem_shared>>
      %dma_start3A_438 = arith.constant 0 : i32
      %dma_start3A_439 = tpu.memref_slice %arg12[%add3A_430, %dma_start3A_438] : memref<10000x128xf32, #tpu.memory_space<vmem_shared>> -> memref<40x128xf32, #tpu.memory_space<vmem_shared>>
      %dma_start3A_440 = arith.constant 0 : i32
      %dma_start3A_441 = arith.constant 0 : i32
      %dma_start3A_442 = tpu.memref_slice %arg11[%dma_start3A_431, %dma_start3A_440, %dma_start3A_441] : memref<2x40x128xf32, #tpu.memory_space<vmem>> -> memref<1x40x128xf32, #tpu.memory_space<vmem>>
      %dma_start3A_443 = tpu.memref_squeeze %dma_start3A_442 : memref<1x40x128xf32, #tpu.memory_space<vmem>> -> memref<40x128xf32, #tpu.memory_space<vmem>>
      tpu.enqueue_dma source(%dma_start3A_443 : memref<40x128xf32, #tpu.memory_space<vmem>>) target(%dma_start3A_439 : memref<40x128xf32, #tpu.memory_space<vmem_shared>>) target_semaphore(%arg13 : memref<!tpu.dma_semaphore, #tpu.memory_space<semaphore_mem>>)
      %mul3A_444 = arith.constant 1000 : i32
      %mul3A_445 = arith.muli %arg1, %mul3A_444 : i32
      %add3A_446 = arith.constant 760 : i32
      %add3A_447 = arith.addi %mul3A_445, %add3A_446 : i32
      %dma_start3A_448 = arith.constant 0 : i32
      %dma_start3A_449 = arith.constant 0 : i32
      %dma_start3A_450 = arith.constant 0 : i32
      %dma_start3A_451 = tpu.memref_slice %arg11[%dma_start3A_448, %dma_start3A_449, %dma_start3A_450] : memref<2x40x128xf32, #tpu.memory_space<vmem>> -> memref<1x40x128xf32, #tpu.memory_space<vmem>>
      %dma_start3A_452 = tpu.memref_squeeze %dma_start3A_451 : memref<1x40x128xf32, #tpu.memory_space<vmem>> -> memref<40x128xf32, #tpu.memory_space<vmem>>
      %dma_start3A_453 = arith.constant 0 : i32
      %dma_start3A_454 = tpu.memref_slice %arg12[%add3A_447, %dma_start3A_453] : memref<10000x128xf32, #tpu.memory_space<vmem_shared>> -> memref<40x128xf32, #tpu.memory_space<vmem_shared>>
      %dma_start3A_455 = arith.constant 0 : i32
      %dma_start3A_456 = tpu.memref_slice %arg12[%add3A_447, %dma_start3A_455] : memref<10000x128xf32, #tpu.memory_space<vmem_shared>> -> memref<40x128xf32, #tpu.memory_space<vmem_shared>>
      %dma_start3A_457 = arith.constant 0 : i32
      %dma_start3A_458 = arith.constant 0 : i32
      %dma_start3A_459 = tpu.memref_slice %arg11[%dma_start3A_448, %dma_start3A_457, %dma_start3A_458] : memref<2x40x128xf32, #tpu.memory_space<vmem>> -> memref<1x40x128xf32, #tpu.memory_space<vmem>>
      %dma_start3A_460 = tpu.memref_squeeze %dma_start3A_459 : memref<1x40x128xf32, #tpu.memory_space<vmem>> -> memref<40x128xf32, #tpu.memory_space<vmem>>
      tpu.enqueue_dma source(%dma_start3A_460 : memref<40x128xf32, #tpu.memory_space<vmem>>) target(%dma_start3A_456 : memref<40x128xf32, #tpu.memory_space<vmem_shared>>) target_semaphore(%arg13 : memref<!tpu.dma_semaphore, #tpu.memory_space<semaphore_mem>>)
      %mul3A_461 = arith.constant 1000 : i32
      %mul3A_462 = arith.muli %arg1, %mul3A_461 : i32
      %add3A_463 = arith.constant 800 : i32
      %add3A_464 = arith.addi %mul3A_462, %add3A_463 : i32
      %dma_start3A_465 = arith.constant 0 : i32
      %dma_start3A_466 = arith.constant 0 : i32
      %dma_start3A_467 = arith.constant 0 : i32
      %dma_start3A_468 = tpu.memref_slice %arg11[%dma_start3A_465, %dma_start3A_466, %dma_start3A_467] : memref<2x40x128xf32, #tpu.memory_space<vmem>> -> memref<1x40x128xf32, #tpu.memory_space<vmem>>
      %dma_start3A_469 = tpu.memref_squeeze %dma_start3A_468 : memref<1x40x128xf32, #tpu.memory_space<vmem>> -> memref<40x128xf32, #tpu.memory_space<vmem>>
      %dma_start3A_470 = arith.constant 0 : i32
      %dma_start3A_471 = tpu.memref_slice %arg12[%add3A_464, %dma_start3A_470] : memref<10000x128xf32, #tpu.memory_space<vmem_shared>> -> memref<40x128xf32, #tpu.memory_space<vmem_shared>>
      %dma_start3A_472 = arith.constant 0 : i32
      %dma_start3A_473 = tpu.memref_slice %arg12[%add3A_464, %dma_start3A_472] : memref<10000x128xf32, #tpu.memory_space<vmem_shared>> -> memref<40x128xf32, #tpu.memory_space<vmem_shared>>
      %dma_start3A_474 = arith.constant 0 : i32
      %dma_start3A_475 = arith.constant 0 : i32
      %dma_start3A_476 = tpu.memref_slice %arg11[%dma_start3A_465, %dma_start3A_474, %dma_start3A_475] : memref<2x40x128xf32, #tpu.memory_space<vmem>> -> memref<1x40x128xf32, #tpu.memory_space<vmem>>
      %dma_start3A_477 = tpu.memref_squeeze %dma_start3A_476 : memref<1x40x128xf32, #tpu.memory_space<vmem>> -> memref<40x128xf32, #tpu.memory_space<vmem>>
      tpu.enqueue_dma source(%dma_start3A_477 : memref<40x128xf32, #tpu.memory_space<vmem>>) target(%dma_start3A_473 : memref<40x128xf32, #tpu.memory_space<vmem_shared>>) target_semaphore(%arg13 : memref<!tpu.dma_semaphore, #tpu.memory_space<semaphore_mem>>)
      %mul3A_478 = arith.constant 1000 : i32
      %mul3A_479 = arith.muli %arg1, %mul3A_478 : i32
      %add3A_480 = arith.constant 840 : i32
      %add3A_481 = arith.addi %mul3A_479, %add3A_480 : i32
      %dma_start3A_482 = arith.constant 0 : i32
      %dma_start3A_483 = arith.constant 0 : i32
      %dma_start3A_484 = arith.constant 0 : i32
      %dma_start3A_485 = tpu.memref_slice %arg11[%dma_start3A_482, %dma_start3A_483, %dma_start3A_484] : memref<2x40x128xf32, #tpu.memory_space<vmem>> -> memref<1x40x128xf32, #tpu.memory_space<vmem>>
      %dma_start3A_486 = tpu.memref_squeeze %dma_start3A_485 : memref<1x40x128xf32, #tpu.memory_space<vmem>> -> memref<40x128xf32, #tpu.memory_space<vmem>>
      %dma_start3A_487 = arith.constant 0 : i32
      %dma_start3A_488 = tpu.memref_slice %arg12[%add3A_481, %dma_start3A_487] : memref<10000x128xf32, #tpu.memory_space<vmem_shared>> -> memref<40x128xf32, #tpu.memory_space<vmem_shared>>
      %dma_start3A_489 = arith.constant 0 : i32
      %dma_start3A_490 = tpu.memref_slice %arg12[%add3A_481, %dma_start3A_489] : memref<10000x128xf32, #tpu.memory_space<vmem_shared>> -> memref<40x128xf32, #tpu.memory_space<vmem_shared>>
      %dma_start3A_491 = arith.constant 0 : i32
      %dma_start3A_492 = arith.constant 0 : i32
      %dma_start3A_493 = tpu.memref_slice %arg11[%dma_start3A_482, %dma_start3A_491, %dma_start3A_492] : memref<2x40x128xf32, #tpu.memory_space<vmem>> -> memref<1x40x128xf32, #tpu.memory_space<vmem>>
      %dma_start3A_494 = tpu.memref_squeeze %dma_start3A_493 : memref<1x40x128xf32, #tpu.memory_space<vmem>> -> memref<40x128xf32, #tpu.memory_space<vmem>>
      tpu.enqueue_dma source(%dma_start3A_494 : memref<40x128xf32, #tpu.memory_space<vmem>>) target(%dma_start3A_490 : memref<40x128xf32, #tpu.memory_space<vmem_shared>>) target_semaphore(%arg13 : memref<!tpu.dma_semaphore, #tpu.memory_space<semaphore_mem>>)
      %mul3A_495 = arith.constant 1000 : i32
      %mul3A_496 = arith.muli %arg1, %mul3A_495 : i32
      %add3A_497 = arith.constant 880 : i32
      %add3A_498 = arith.addi %mul3A_496, %add3A_497 : i32
      %dma_start3A_499 = arith.constant 0 : i32
      %dma_start3A_500 = arith.constant 0 : i32
      %dma_start3A_501 = arith.constant 0 : i32
      %dma_start3A_502 = tpu.memref_slice %arg11[%dma_start3A_499, %dma_start3A_500, %dma_start3A_501] : memref<2x40x128xf32, #tpu.memory_space<vmem>> -> memref<1x40x128xf32, #tpu.memory_space<vmem>>
      %dma_start3A_503 = tpu.memref_squeeze %dma_start3A_502 : memref<1x40x128xf32, #tpu.memory_space<vmem>> -> memref<40x128xf32, #tpu.memory_space<vmem>>
      %dma_start3A_504 = arith.constant 0 : i32
      %dma_start3A_505 = tpu.memref_slice %arg12[%add3A_498, %dma_start3A_504] : memref<10000x128xf32, #tpu.memory_space<vmem_shared>> -> memref<40x128xf32, #tpu.memory_space<vmem_shared>>
      %dma_start3A_506 = arith.constant 0 : i32
      %dma_start3A_507 = tpu.memref_slice %arg12[%add3A_498, %dma_start3A_506] : memref<10000x128xf32, #tpu.memory_space<vmem_shared>> -> memref<40x128xf32, #tpu.memory_space<vmem_shared>>
      %dma_start3A_508 = arith.constant 0 : i32
      %dma_start3A_509 = arith.constant 0 : i32
      %dma_start3A_510 = tpu.memref_slice %arg11[%dma_start3A_499, %dma_start3A_508, %dma_start3A_509] : memref<2x40x128xf32, #tpu.memory_space<vmem>> -> memref<1x40x128xf32, #tpu.memory_space<vmem>>
      %dma_start3A_511 = tpu.memref_squeeze %dma_start3A_510 : memref<1x40x128xf32, #tpu.memory_space<vmem>> -> memref<40x128xf32, #tpu.memory_space<vmem>>
      tpu.enqueue_dma source(%dma_start3A_511 : memref<40x128xf32, #tpu.memory_space<vmem>>) target(%dma_start3A_507 : memref<40x128xf32, #tpu.memory_space<vmem_shared>>) target_semaphore(%arg13 : memref<!tpu.dma_semaphore, #tpu.memory_space<semaphore_mem>>)
      %mul3A_512 = arith.constant 1000 : i32
      %mul3A_513 = arith.muli %arg1, %mul3A_512 : i32
      %add3A_514 = arith.constant 920 : i32
      %add3A_515 = arith.addi %mul3A_513, %add3A_514 : i32
      %dma_start3A_516 = arith.constant 0 : i32
      %dma_start3A_517 = arith.constant 0 : i32
      %dma_start3A_518 = arith.constant 0 : i32
      %dma_start3A_519 = tpu.memref_slice %arg11[%dma_start3A_516, %dma_start3A_517, %dma_start3A_518] : memref<2x40x128xf32, #tpu.memory_space<vmem>> -> memref<1x40x128xf32, #tpu.memory_space<vmem>>
      %dma_start3A_520 = tpu.memref_squeeze %dma_start3A_519 : memref<1x40x128xf32, #tpu.memory_space<vmem>> -> memref<40x128xf32, #tpu.memory_space<vmem>>
      %dma_start3A_521 = arith.constant 0 : i32
      %dma_start3A_522 = tpu.memref_slice %arg12[%add3A_515, %dma_start3A_521] : memref<10000x128xf32, #tpu.memory_space<vmem_shared>> -> memref<40x128xf32, #tpu.memory_space<vmem_shared>>
      %dma_start3A_523 = arith.constant 0 : i32
      %dma_start3A_524 = tpu.memref_slice %arg12[%add3A_515, %dma_start3A_523] : memref<10000x128xf32, #tpu.memory_space<vmem_shared>> -> memref<40x128xf32, #tpu.memory_space<vmem_shared>>
      %dma_start3A_525 = arith.constant 0 : i32
      %dma_start3A_526 = arith.constant 0 : i32
      %dma_start3A_527 = tpu.memref_slice %arg11[%dma_start3A_516, %dma_start3A_525, %dma_start3A_526] : memref<2x40x128xf32, #tpu.memory_space<vmem>> -> memref<1x40x128xf32, #tpu.memory_space<vmem>>
      %dma_start3A_528 = tpu.memref_squeeze %dma_start3A_527 : memref<1x40x128xf32, #tpu.memory_space<vmem>> -> memref<40x128xf32, #tpu.memory_space<vmem>>
      tpu.enqueue_dma source(%dma_start3A_528 : memref<40x128xf32, #tpu.memory_space<vmem>>) target(%dma_start3A_524 : memref<40x128xf32, #tpu.memory_space<vmem_shared>>) target_semaphore(%arg13 : memref<!tpu.dma_semaphore, #tpu.memory_space<semaphore_mem>>)
      %mul3A_529 = arith.constant 1000 : i32
      %mul3A_530 = arith.muli %arg1, %mul3A_529 : i32
      %add3A_531 = arith.constant 960 : i32
      %add3A_532 = arith.addi %mul3A_530, %add3A_531 : i32
      %dma_start3A_533 = arith.constant 0 : i32
      %dma_start3A_534 = arith.constant 0 : i32
      %dma_start3A_535 = arith.constant 0 : i32
      %dma_start3A_536 = tpu.memref_slice %arg11[%dma_start3A_533, %dma_start3A_534, %dma_start3A_535] : memref<2x40x128xf32, #tpu.memory_space<vmem>> -> memref<1x40x128xf32, #tpu.memory_space<vmem>>
      %dma_start3A_537 = tpu.memref_squeeze %dma_start3A_536 : memref<1x40x128xf32, #tpu.memory_space<vmem>> -> memref<40x128xf32, #tpu.memory_space<vmem>>
      %dma_start3A_538 = arith.constant 0 : i32
      %dma_start3A_539 = tpu.memref_slice %arg12[%add3A_532, %dma_start3A_538] : memref<10000x128xf32, #tpu.memory_space<vmem_shared>> -> memref<40x128xf32, #tpu.memory_space<vmem_shared>>
      %dma_start3A_540 = arith.constant 0 : i32
      %dma_start3A_541 = tpu.memref_slice %arg12[%add3A_532, %dma_start3A_540] : memref<10000x128xf32, #tpu.memory_space<vmem_shared>> -> memref<40x128xf32, #tpu.memory_space<vmem_shared>>
      %dma_start3A_542 = arith.constant 0 : i32
      %dma_start3A_543 = arith.constant 0 : i32
      %dma_start3A_544 = tpu.memref_slice %arg11[%dma_start3A_533, %dma_start3A_542, %dma_start3A_543] : memref<2x40x128xf32, #tpu.memory_space<vmem>> -> memref<1x40x128xf32, #tpu.memory_space<vmem>>
      %dma_start3A_545 = tpu.memref_squeeze %dma_start3A_544 : memref<1x40x128xf32, #tpu.memory_space<vmem>> -> memref<40x128xf32, #tpu.memory_space<vmem>>
      tpu.enqueue_dma source(%dma_start3A_545 : memref<40x128xf32, #tpu.memory_space<vmem>>) target(%dma_start3A_541 : memref<40x128xf32, #tpu.memory_space<vmem_shared>>) target_semaphore(%arg13 : memref<!tpu.dma_semaphore, #tpu.memory_space<semaphore_mem>>)
      %mul3A_546 = arith.constant 1000 : i32
      %mul3A_547 = arith.muli %arg1, %mul3A_546 : i32
      %add3A_548 = arith.constant 0 : i32
      %add3A_549 = arith.addi %mul3A_547, %add3A_548 : i32
      %dma_wait3A_550 = arith.constant 0 : i32
      %dma_wait3A_551 = arith.constant 0 : i32
      %dma_wait3A_552 = arith.constant 0 : i32
      %dma_wait3A_553 = tpu.memref_slice %arg11[%dma_wait3A_550, %dma_wait3A_551, %dma_wait3A_552] : memref<2x40x128xf32, #tpu.memory_space<vmem>> -> memref<1x40x128xf32, #tpu.memory_space<vmem>>
      %dma_wait3A_554 = tpu.memref_squeeze %dma_wait3A_553 : memref<1x40x128xf32, #tpu.memory_space<vmem>> -> memref<40x128xf32, #tpu.memory_space<vmem>>
      %dma_wait3A_555 = arith.constant 0 : i32
      %dma_wait3A_556 = tpu.memref_slice %arg12[%add3A_549, %dma_wait3A_555] : memref<10000x128xf32, #tpu.memory_space<vmem_shared>> -> memref<40x128xf32, #tpu.memory_space<vmem_shared>>
      %dma_wait3A_557 = arith.constant 0 : i32
      %dma_wait3A_558 = tpu.memref_slice %arg12[%add3A_549, %dma_wait3A_557] : memref<10000x128xf32, #tpu.memory_space<vmem_shared>> -> memref<40x128xf32, #tpu.memory_space<vmem_shared>>
      %dma_wait3A_559 = arith.constant 0 : i32
      %dma_wait3A_560 = arith.constant 0 : i32
      %dma_wait3A_561 = tpu.memref_slice %arg11[%dma_wait3A_550, %dma_wait3A_559, %dma_wait3A_560] : memref<2x40x128xf32, #tpu.memory_space<vmem>> -> memref<1x40x128xf32, #tpu.memory_space<vmem>>
      %dma_wait3A_562 = tpu.memref_squeeze %dma_wait3A_561 : memref<1x40x128xf32, #tpu.memory_space<vmem>> -> memref<40x128xf32, #tpu.memory_space<vmem>>
      tpu.wait_dma2 semaphore(%arg13 : memref<!tpu.dma_semaphore, #tpu.memory_space<semaphore_mem>>) src(%dma_wait3A_562 : memref<40x128xf32, #tpu.memory_space<vmem>>) dst(%dma_wait3A_558 : memref<40x128xf32, #tpu.memory_space<vmem_shared>>)
      %mul3A_563 = arith.constant 1000 : i32
      %mul3A_564 = arith.muli %arg1, %mul3A_563 : i32
      %add3A_565 = arith.constant 40 : i32
      %add3A_566 = arith.addi %mul3A_564, %add3A_565 : i32
      %dma_wait3A_567 = arith.constant 0 : i32
      %dma_wait3A_568 = arith.constant 0 : i32
      %dma_wait3A_569 = arith.constant 0 : i32
      %dma_wait3A_570 = tpu.memref_slice %arg11[%dma_wait3A_567, %dma_wait3A_568, %dma_wait3A_569] : memref<2x40x128xf32, #tpu.memory_space<vmem>> -> memref<1x40x128xf32, #tpu.memory_space<vmem>>
      %dma_wait3A_571 = tpu.memref_squeeze %dma_wait3A_570 : memref<1x40x128xf32, #tpu.memory_space<vmem>> -> memref<40x128xf32, #tpu.memory_space<vmem>>
      %dma_wait3A_572 = arith.constant 0 : i32
      %dma_wait3A_573 = tpu.memref_slice %arg12[%add3A_566, %dma_wait3A_572] : memref<10000x128xf32, #tpu.memory_space<vmem_shared>> -> memref<40x128xf32, #tpu.memory_space<vmem_shared>>
      %dma_wait3A_574 = arith.constant 0 : i32
      %dma_wait3A_575 = tpu.memref_slice %arg12[%add3A_566, %dma_wait3A_574] : memref<10000x128xf32, #tpu.memory_space<vmem_shared>> -> memref<40x128xf32, #tpu.memory_space<vmem_shared>>
      %dma_wait3A_576 = arith.constant 0 : i32
      %dma_wait3A_577 = arith.constant 0 : i32
      %dma_wait3A_578 = tpu.memref_slice %arg11[%dma_wait3A_567, %dma_wait3A_576, %dma_wait3A_577] : memref<2x40x128xf32, #tpu.memory_space<vmem>> -> memref<1x40x128xf32, #tpu.memory_space<vmem>>
      %dma_wait3A_579 = tpu.memref_squeeze %dma_wait3A_578 : memref<1x40x128xf32, #tpu.memory_space<vmem>> -> memref<40x128xf32, #tpu.memory_space<vmem>>
      tpu.wait_dma2 semaphore(%arg13 : memref<!tpu.dma_semaphore, #tpu.memory_space<semaphore_mem>>) src(%dma_wait3A_579 : memref<40x128xf32, #tpu.memory_space<vmem>>) dst(%dma_wait3A_575 : memref<40x128xf32, #tpu.memory_space<vmem_shared>>)
      %mul3A_580 = arith.constant 1000 : i32
      %mul3A_581 = arith.muli %arg1, %mul3A_580 : i32
      %add3A_582 = arith.constant 80 : i32
      %add3A_583 = arith.addi %mul3A_581, %add3A_582 : i32
      %dma_wait3A_584 = arith.constant 0 : i32
      %dma_wait3A_585 = arith.constant 0 : i32
      %dma_wait3A_586 = arith.constant 0 : i32
      %dma_wait3A_587 = tpu.memref_slice %arg11[%dma_wait3A_584, %dma_wait3A_585, %dma_wait3A_586] : memref<2x40x128xf32, #tpu.memory_space<vmem>> -> memref<1x40x128xf32, #tpu.memory_space<vmem>>
      %dma_wait3A_588 = tpu.memref_squeeze %dma_wait3A_587 : memref<1x40x128xf32, #tpu.memory_space<vmem>> -> memref<40x128xf32, #tpu.memory_space<vmem>>
      %dma_wait3A_589 = arith.constant 0 : i32
      %dma_wait3A_590 = tpu.memref_slice %arg12[%add3A_583, %dma_wait3A_589] : memref<10000x128xf32, #tpu.memory_space<vmem_shared>> -> memref<40x128xf32, #tpu.memory_space<vmem_shared>>
      %dma_wait3A_591 = arith.constant 0 : i32
      %dma_wait3A_592 = tpu.memref_slice %arg12[%add3A_583, %dma_wait3A_591] : memref<10000x128xf32, #tpu.memory_space<vmem_shared>> -> memref<40x128xf32, #tpu.memory_space<vmem_shared>>
      %dma_wait3A_593 = arith.constant 0 : i32
      %dma_wait3A_594 = arith.constant 0 : i32
      %dma_wait3A_595 = tpu.memref_slice %arg11[%dma_wait3A_584, %dma_wait3A_593, %dma_wait3A_594] : memref<2x40x128xf32, #tpu.memory_space<vmem>> -> memref<1x40x128xf32, #tpu.memory_space<vmem>>
      %dma_wait3A_596 = tpu.memref_squeeze %dma_wait3A_595 : memref<1x40x128xf32, #tpu.memory_space<vmem>> -> memref<40x128xf32, #tpu.memory_space<vmem>>
      tpu.wait_dma2 semaphore(%arg13 : memref<!tpu.dma_semaphore, #tpu.memory_space<semaphore_mem>>) src(%dma_wait3A_596 : memref<40x128xf32, #tpu.memory_space<vmem>>) dst(%dma_wait3A_592 : memref<40x128xf32, #tpu.memory_space<vmem_shared>>)
      %mul3A_597 = arith.constant 1000 : i32
      %mul3A_598 = arith.muli %arg1, %mul3A_597 : i32
      %add3A_599 = arith.constant 120 : i32
      %add3A_600 = arith.addi %mul3A_598, %add3A_599 : i32
      %dma_wait3A_601 = arith.constant 0 : i32
      %dma_wait3A_602 = arith.constant 0 : i32
      %dma_wait3A_603 = arith.constant 0 : i32
      %dma_wait3A_604 = tpu.memref_slice %arg11[%dma_wait3A_601, %dma_wait3A_602, %dma_wait3A_603] : memref<2x40x128xf32, #tpu.memory_space<vmem>> -> memref<1x40x128xf32, #tpu.memory_space<vmem>>
      %dma_wait3A_605 = tpu.memref_squeeze %dma_wait3A_604 : memref<1x40x128xf32, #tpu.memory_space<vmem>> -> memref<40x128xf32, #tpu.memory_space<vmem>>
      %dma_wait3A_606 = arith.constant 0 : i32
      %dma_wait3A_607 = tpu.memref_slice %arg12[%add3A_600, %dma_wait3A_606] : memref<10000x128xf32, #tpu.memory_space<vmem_shared>> -> memref<40x128xf32, #tpu.memory_space<vmem_shared>>
      %dma_wait3A_608 = arith.constant 0 : i32
      %dma_wait3A_609 = tpu.memref_slice %arg12[%add3A_600, %dma_wait3A_608] : memref<10000x128xf32, #tpu.memory_space<vmem_shared>> -> memref<40x128xf32, #tpu.memory_space<vmem_shared>>
      %dma_wait3A_610 = arith.constant 0 : i32
      %dma_wait3A_611 = arith.constant 0 : i32
      %dma_wait3A_612 = tpu.memref_slice %arg11[%dma_wait3A_601, %dma_wait3A_610, %dma_wait3A_611] : memref<2x40x128xf32, #tpu.memory_space<vmem>> -> memref<1x40x128xf32, #tpu.memory_space<vmem>>
      %dma_wait3A_613 = tpu.memref_squeeze %dma_wait3A_612 : memref<1x40x128xf32, #tpu.memory_space<vmem>> -> memref<40x128xf32, #tpu.memory_space<vmem>>
      tpu.wait_dma2 semaphore(%arg13 : memref<!tpu.dma_semaphore, #tpu.memory_space<semaphore_mem>>) src(%dma_wait3A_613 : memref<40x128xf32, #tpu.memory_space<vmem>>) dst(%dma_wait3A_609 : memref<40x128xf32, #tpu.memory_space<vmem_shared>>)
      %mul3A_614 = arith.constant 1000 : i32
      %mul3A_615 = arith.muli %arg1, %mul3A_614 : i32
      %add3A_616 = arith.constant 160 : i32
      %add3A_617 = arith.addi %mul3A_615, %add3A_616 : i32
      %dma_wait3A_618 = arith.constant 0 : i32
      %dma_wait3A_619 = arith.constant 0 : i32
      %dma_wait3A_620 = arith.constant 0 : i32
      %dma_wait3A_621 = tpu.memref_slice %arg11[%dma_wait3A_618, %dma_wait3A_619, %dma_wait3A_620] : memref<2x40x128xf32, #tpu.memory_space<vmem>> -> memref<1x40x128xf32, #tpu.memory_space<vmem>>
      %dma_wait3A_622 = tpu.memref_squeeze %dma_wait3A_621 : memref<1x40x128xf32, #tpu.memory_space<vmem>> -> memref<40x128xf32, #tpu.memory_space<vmem>>
      %dma_wait3A_623 = arith.constant 0 : i32
      %dma_wait3A_624 = tpu.memref_slice %arg12[%add3A_617, %dma_wait3A_623] : memref<10000x128xf32, #tpu.memory_space<vmem_shared>> -> memref<40x128xf32, #tpu.memory_space<vmem_shared>>
      %dma_wait3A_625 = arith.constant 0 : i32
      %dma_wait3A_626 = tpu.memref_slice %arg12[%add3A_617, %dma_wait3A_625] : memref<10000x128xf32, #tpu.memory_space<vmem_shared>> -> memref<40x128xf32, #tpu.memory_space<vmem_shared>>
      %dma_wait3A_627 = arith.constant 0 : i32
      %dma_wait3A_628 = arith.constant 0 : i32
      %dma_wait3A_629 = tpu.memref_slice %arg11[%dma_wait3A_618, %dma_wait3A_627, %dma_wait3A_628] : memref<2x40x128xf32, #tpu.memory_space<vmem>> -> memref<1x40x128xf32, #tpu.memory_space<vmem>>
      %dma_wait3A_630 = tpu.memref_squeeze %dma_wait3A_629 : memref<1x40x128xf32, #tpu.memory_space<vmem>> -> memref<40x128xf32, #tpu.memory_space<vmem>>
      tpu.wait_dma2 semaphore(%arg13 : memref<!tpu.dma_semaphore, #tpu.memory_space<semaphore_mem>>) src(%dma_wait3A_630 : memref<40x128xf32, #tpu.memory_space<vmem>>) dst(%dma_wait3A_626 : memref<40x128xf32, #tpu.memory_space<vmem_shared>>)
      %mul3A_631 = arith.constant 1000 : i32
      %mul3A_632 = arith.muli %arg1, %mul3A_631 : i32
      %add3A_633 = arith.constant 200 : i32
      %add3A_634 = arith.addi %mul3A_632, %add3A_633 : i32
      %dma_wait3A_635 = arith.constant 0 : i32
      %dma_wait3A_636 = arith.constant 0 : i32
      %dma_wait3A_637 = arith.constant 0 : i32
      %dma_wait3A_638 = tpu.memref_slice %arg11[%dma_wait3A_635, %dma_wait3A_636, %dma_wait3A_637] : memref<2x40x128xf32, #tpu.memory_space<vmem>> -> memref<1x40x128xf32, #tpu.memory_space<vmem>>
      %dma_wait3A_639 = tpu.memref_squeeze %dma_wait3A_638 : memref<1x40x128xf32, #tpu.memory_space<vmem>> -> memref<40x128xf32, #tpu.memory_space<vmem>>
      %dma_wait3A_640 = arith.constant 0 : i32
      %dma_wait3A_641 = tpu.memref_slice %arg12[%add3A_634, %dma_wait3A_640] : memref<10000x128xf32, #tpu.memory_space<vmem_shared>> -> memref<40x128xf32, #tpu.memory_space<vmem_shared>>
      %dma_wait3A_642 = arith.constant 0 : i32
      %dma_wait3A_643 = tpu.memref_slice %arg12[%add3A_634, %dma_wait3A_642] : memref<10000x128xf32, #tpu.memory_space<vmem_shared>> -> memref<40x128xf32, #tpu.memory_space<vmem_shared>>
      %dma_wait3A_644 = arith.constant 0 : i32
      %dma_wait3A_645 = arith.constant 0 : i32
      %dma_wait3A_646 = tpu.memref_slice %arg11[%dma_wait3A_635, %dma_wait3A_644, %dma_wait3A_645] : memref<2x40x128xf32, #tpu.memory_space<vmem>> -> memref<1x40x128xf32, #tpu.memory_space<vmem>>
      %dma_wait3A_647 = tpu.memref_squeeze %dma_wait3A_646 : memref<1x40x128xf32, #tpu.memory_space<vmem>> -> memref<40x128xf32, #tpu.memory_space<vmem>>
      tpu.wait_dma2 semaphore(%arg13 : memref<!tpu.dma_semaphore, #tpu.memory_space<semaphore_mem>>) src(%dma_wait3A_647 : memref<40x128xf32, #tpu.memory_space<vmem>>) dst(%dma_wait3A_643 : memref<40x128xf32, #tpu.memory_space<vmem_shared>>)
      %mul3A_648 = arith.constant 1000 : i32
      %mul3A_649 = arith.muli %arg1, %mul3A_648 : i32
      %add3A_650 = arith.constant 240 : i32
      %add3A_651 = arith.addi %mul3A_649, %add3A_650 : i32
      %dma_wait3A_652 = arith.constant 0 : i32
      %dma_wait3A_653 = arith.constant 0 : i32
      %dma_wait3A_654 = arith.constant 0 : i32
      %dma_wait3A_655 = tpu.memref_slice %arg11[%dma_wait3A_652, %dma_wait3A_653, %dma_wait3A_654] : memref<2x40x128xf32, #tpu.memory_space<vmem>> -> memref<1x40x128xf32, #tpu.memory_space<vmem>>
      %dma_wait3A_656 = tpu.memref_squeeze %dma_wait3A_655 : memref<1x40x128xf32, #tpu.memory_space<vmem>> -> memref<40x128xf32, #tpu.memory_space<vmem>>
      %dma_wait3A_657 = arith.constant 0 : i32
      %dma_wait3A_658 = tpu.memref_slice %arg12[%add3A_651, %dma_wait3A_657] : memref<10000x128xf32, #tpu.memory_space<vmem_shared>> -> memref<40x128xf32, #tpu.memory_space<vmem_shared>>
      %dma_wait3A_659 = arith.constant 0 : i32
      %dma_wait3A_660 = tpu.memref_slice %arg12[%add3A_651, %dma_wait3A_659] : memref<10000x128xf32, #tpu.memory_space<vmem_shared>> -> memref<40x128xf32, #tpu.memory_space<vmem_shared>>
      %dma_wait3A_661 = arith.constant 0 : i32
      %dma_wait3A_662 = arith.constant 0 : i32
      %dma_wait3A_663 = tpu.memref_slice %arg11[%dma_wait3A_652, %dma_wait3A_661, %dma_wait3A_662] : memref<2x40x128xf32, #tpu.memory_space<vmem>> -> memref<1x40x128xf32, #tpu.memory_space<vmem>>
      %dma_wait3A_664 = tpu.memref_squeeze %dma_wait3A_663 : memref<1x40x128xf32, #tpu.memory_space<vmem>> -> memref<40x128xf32, #tpu.memory_space<vmem>>
      tpu.wait_dma2 semaphore(%arg13 : memref<!tpu.dma_semaphore, #tpu.memory_space<semaphore_mem>>) src(%dma_wait3A_664 : memref<40x128xf32, #tpu.memory_space<vmem>>) dst(%dma_wait3A_660 : memref<40x128xf32, #tpu.memory_space<vmem_shared>>)
      %mul3A_665 = arith.constant 1000 : i32
      %mul3A_666 = arith.muli %arg1, %mul3A_665 : i32
      %add3A_667 = arith.constant 280 : i32
      %add3A_668 = arith.addi %mul3A_666, %add3A_667 : i32
      %dma_wait3A_669 = arith.constant 0 : i32
      %dma_wait3A_670 = arith.constant 0 : i32
      %dma_wait3A_671 = arith.constant 0 : i32
      %dma_wait3A_672 = tpu.memref_slice %arg11[%dma_wait3A_669, %dma_wait3A_670, %dma_wait3A_671] : memref<2x40x128xf32, #tpu.memory_space<vmem>> -> memref<1x40x128xf32, #tpu.memory_space<vmem>>
      %dma_wait3A_673 = tpu.memref_squeeze %dma_wait3A_672 : memref<1x40x128xf32, #tpu.memory_space<vmem>> -> memref<40x128xf32, #tpu.memory_space<vmem>>
      %dma_wait3A_674 = arith.constant 0 : i32
      %dma_wait3A_675 = tpu.memref_slice %arg12[%add3A_668, %dma_wait3A_674] : memref<10000x128xf32, #tpu.memory_space<vmem_shared>> -> memref<40x128xf32, #tpu.memory_space<vmem_shared>>
      %dma_wait3A_676 = arith.constant 0 : i32
      %dma_wait3A_677 = tpu.memref_slice %arg12[%add3A_668, %dma_wait3A_676] : memref<10000x128xf32, #tpu.memory_space<vmem_shared>> -> memref<40x128xf32, #tpu.memory_space<vmem_shared>>
      %dma_wait3A_678 = arith.constant 0 : i32
      %dma_wait3A_679 = arith.constant 0 : i32
      %dma_wait3A_680 = tpu.memref_slice %arg11[%dma_wait3A_669, %dma_wait3A_678, %dma_wait3A_679] : memref<2x40x128xf32, #tpu.memory_space<vmem>> -> memref<1x40x128xf32, #tpu.memory_space<vmem>>
      %dma_wait3A_681 = tpu.memref_squeeze %dma_wait3A_680 : memref<1x40x128xf32, #tpu.memory_space<vmem>> -> memref<40x128xf32, #tpu.memory_space<vmem>>
      tpu.wait_dma2 semaphore(%arg13 : memref<!tpu.dma_semaphore, #tpu.memory_space<semaphore_mem>>) src(%dma_wait3A_681 : memref<40x128xf32, #tpu.memory_space<vmem>>) dst(%dma_wait3A_677 : memref<40x128xf32, #tpu.memory_space<vmem_shared>>)
      %mul3A_682 = arith.constant 1000 : i32
      %mul3A_683 = arith.muli %arg1, %mul3A_682 : i32
      %add3A_684 = arith.constant 320 : i32
      %add3A_685 = arith.addi %mul3A_683, %add3A_684 : i32
      %dma_wait3A_686 = arith.constant 0 : i32
      %dma_wait3A_687 = arith.constant 0 : i32
      %dma_wait3A_688 = arith.constant 0 : i32
      %dma_wait3A_689 = tpu.memref_slice %arg11[%dma_wait3A_686, %dma_wait3A_687, %dma_wait3A_688] : memref<2x40x128xf32, #tpu.memory_space<vmem>> -> memref<1x40x128xf32, #tpu.memory_space<vmem>>
      %dma_wait3A_690 = tpu.memref_squeeze %dma_wait3A_689 : memref<1x40x128xf32, #tpu.memory_space<vmem>> -> memref<40x128xf32, #tpu.memory_space<vmem>>
      %dma_wait3A_691 = arith.constant 0 : i32
      %dma_wait3A_692 = tpu.memref_slice %arg12[%add3A_685, %dma_wait3A_691] : memref<10000x128xf32, #tpu.memory_space<vmem_shared>> -> memref<40x128xf32, #tpu.memory_space<vmem_shared>>
      %dma_wait3A_693 = arith.constant 0 : i32
      %dma_wait3A_694 = tpu.memref_slice %arg12[%add3A_685, %dma_wait3A_693] : memref<10000x128xf32, #tpu.memory_space<vmem_shared>> -> memref<40x128xf32, #tpu.memory_space<vmem_shared>>
      %dma_wait3A_695 = arith.constant 0 : i32
      %dma_wait3A_696 = arith.constant 0 : i32
      %dma_wait3A_697 = tpu.memref_slice %arg11[%dma_wait3A_686, %dma_wait3A_695, %dma_wait3A_696] : memref<2x40x128xf32, #tpu.memory_space<vmem>> -> memref<1x40x128xf32, #tpu.memory_space<vmem>>
      %dma_wait3A_698 = tpu.memref_squeeze %dma_wait3A_697 : memref<1x40x128xf32, #tpu.memory_space<vmem>> -> memref<40x128xf32, #tpu.memory_space<vmem>>
      tpu.wait_dma2 semaphore(%arg13 : memref<!tpu.dma_semaphore, #tpu.memory_space<semaphore_mem>>) src(%dma_wait3A_698 : memref<40x128xf32, #tpu.memory_space<vmem>>) dst(%dma_wait3A_694 : memref<40x128xf32, #tpu.memory_space<vmem_shared>>)
      %mul3A_699 = arith.constant 1000 : i32
      %mul3A_700 = arith.muli %arg1, %mul3A_699 : i32
      %add3A_701 = arith.constant 360 : i32
      %add3A_702 = arith.addi %mul3A_700, %add3A_701 : i32
      %dma_wait3A_703 = arith.constant 0 : i32
      %dma_wait3A_704 = arith.constant 0 : i32
      %dma_wait3A_705 = arith.constant 0 : i32
      %dma_wait3A_706 = tpu.memref_slice %arg11[%dma_wait3A_703, %dma_wait3A_704, %dma_wait3A_705] : memref<2x40x128xf32, #tpu.memory_space<vmem>> -> memref<1x40x128xf32, #tpu.memory_space<vmem>>
      %dma_wait3A_707 = tpu.memref_squeeze %dma_wait3A_706 : memref<1x40x128xf32, #tpu.memory_space<vmem>> -> memref<40x128xf32, #tpu.memory_space<vmem>>
      %dma_wait3A_708 = arith.constant 0 : i32
      %dma_wait3A_709 = tpu.memref_slice %arg12[%add3A_702, %dma_wait3A_708] : memref<10000x128xf32, #tpu.memory_space<vmem_shared>> -> memref<40x128xf32, #tpu.memory_space<vmem_shared>>
      %dma_wait3A_710 = arith.constant 0 : i32
      %dma_wait3A_711 = tpu.memref_slice %arg12[%add3A_702, %dma_wait3A_710] : memref<10000x128xf32, #tpu.memory_space<vmem_shared>> -> memref<40x128xf32, #tpu.memory_space<vmem_shared>>
      %dma_wait3A_712 = arith.constant 0 : i32
      %dma_wait3A_713 = arith.constant 0 : i32
      %dma_wait3A_714 = tpu.memref_slice %arg11[%dma_wait3A_703, %dma_wait3A_712, %dma_wait3A_713] : memref<2x40x128xf32, #tpu.memory_space<vmem>> -> memref<1x40x128xf32, #tpu.memory_space<vmem>>
      %dma_wait3A_715 = tpu.memref_squeeze %dma_wait3A_714 : memref<1x40x128xf32, #tpu.memory_space<vmem>> -> memref<40x128xf32, #tpu.memory_space<vmem>>
      tpu.wait_dma2 semaphore(%arg13 : memref<!tpu.dma_semaphore, #tpu.memory_space<semaphore_mem>>) src(%dma_wait3A_715 : memref<40x128xf32, #tpu.memory_space<vmem>>) dst(%dma_wait3A_711 : memref<40x128xf32, #tpu.memory_space<vmem_shared>>)
      %mul3A_716 = arith.constant 1000 : i32
      %mul3A_717 = arith.muli %arg1, %mul3A_716 : i32
      %add3A_718 = arith.constant 400 : i32
      %add3A_719 = arith.addi %mul3A_717, %add3A_718 : i32
      %dma_wait3A_720 = arith.constant 0 : i32
      %dma_wait3A_721 = arith.constant 0 : i32
      %dma_wait3A_722 = arith.constant 0 : i32
      %dma_wait3A_723 = tpu.memref_slice %arg11[%dma_wait3A_720, %dma_wait3A_721, %dma_wait3A_722] : memref<2x40x128xf32, #tpu.memory_space<vmem>> -> memref<1x40x128xf32, #tpu.memory_space<vmem>>
      %dma_wait3A_724 = tpu.memref_squeeze %dma_wait3A_723 : memref<1x40x128xf32, #tpu.memory_space<vmem>> -> memref<40x128xf32, #tpu.memory_space<vmem>>
      %dma_wait3A_725 = arith.constant 0 : i32
      %dma_wait3A_726 = tpu.memref_slice %arg12[%add3A_719, %dma_wait3A_725] : memref<10000x128xf32, #tpu.memory_space<vmem_shared>> -> memref<40x128xf32, #tpu.memory_space<vmem_shared>>
      %dma_wait3A_727 = arith.constant 0 : i32
      %dma_wait3A_728 = tpu.memref_slice %arg12[%add3A_719, %dma_wait3A_727] : memref<10000x128xf32, #tpu.memory_space<vmem_shared>> -> memref<40x128xf32, #tpu.memory_space<vmem_shared>>
      %dma_wait3A_729 = arith.constant 0 : i32
      %dma_wait3A_730 = arith.constant 0 : i32
      %dma_wait3A_731 = tpu.memref_slice %arg11[%dma_wait3A_720, %dma_wait3A_729, %dma_wait3A_730] : memref<2x40x128xf32, #tpu.memory_space<vmem>> -> memref<1x40x128xf32, #tpu.memory_space<vmem>>
      %dma_wait3A_732 = tpu.memref_squeeze %dma_wait3A_731 : memref<1x40x128xf32, #tpu.memory_space<vmem>> -> memref<40x128xf32, #tpu.memory_space<vmem>>
      tpu.wait_dma2 semaphore(%arg13 : memref<!tpu.dma_semaphore, #tpu.memory_space<semaphore_mem>>) src(%dma_wait3A_732 : memref<40x128xf32, #tpu.memory_space<vmem>>) dst(%dma_wait3A_728 : memref<40x128xf32, #tpu.memory_space<vmem_shared>>)
      %mul3A_733 = arith.constant 1000 : i32
      %mul3A_734 = arith.muli %arg1, %mul3A_733 : i32
      %add3A_735 = arith.constant 440 : i32
      %add3A_736 = arith.addi %mul3A_734, %add3A_735 : i32
      %dma_wait3A_737 = arith.constant 0 : i32
      %dma_wait3A_738 = arith.constant 0 : i32
      %dma_wait3A_739 = arith.constant 0 : i32
      %dma_wait3A_740 = tpu.memref_slice %arg11[%dma_wait3A_737, %dma_wait3A_738, %dma_wait3A_739] : memref<2x40x128xf32, #tpu.memory_space<vmem>> -> memref<1x40x128xf32, #tpu.memory_space<vmem>>
      %dma_wait3A_741 = tpu.memref_squeeze %dma_wait3A_740 : memref<1x40x128xf32, #tpu.memory_space<vmem>> -> memref<40x128xf32, #tpu.memory_space<vmem>>
      %dma_wait3A_742 = arith.constant 0 : i32
      %dma_wait3A_743 = tpu.memref_slice %arg12[%add3A_736, %dma_wait3A_742] : memref<10000x128xf32, #tpu.memory_space<vmem_shared>> -> memref<40x128xf32, #tpu.memory_space<vmem_shared>>
      %dma_wait3A_744 = arith.constant 0 : i32
      %dma_wait3A_745 = tpu.memref_slice %arg12[%add3A_736, %dma_wait3A_744] : memref<10000x128xf32, #tpu.memory_space<vmem_shared>> -> memref<40x128xf32, #tpu.memory_space<vmem_shared>>
      %dma_wait3A_746 = arith.constant 0 : i32
      %dma_wait3A_747 = arith.constant 0 : i32
      %dma_wait3A_748 = tpu.memref_slice %arg11[%dma_wait3A_737, %dma_wait3A_746, %dma_wait3A_747] : memref<2x40x128xf32, #tpu.memory_space<vmem>> -> memref<1x40x128xf32, #tpu.memory_space<vmem>>
      %dma_wait3A_749 = tpu.memref_squeeze %dma_wait3A_748 : memref<1x40x128xf32, #tpu.memory_space<vmem>> -> memref<40x128xf32, #tpu.memory_space<vmem>>
      tpu.wait_dma2 semaphore(%arg13 : memref<!tpu.dma_semaphore, #tpu.memory_space<semaphore_mem>>) src(%dma_wait3A_749 : memref<40x128xf32, #tpu.memory_space<vmem>>) dst(%dma_wait3A_745 : memref<40x128xf32, #tpu.memory_space<vmem_shared>>)
      %mul3A_750 = arith.constant 1000 : i32
      %mul3A_751 = arith.muli %arg1, %mul3A_750 : i32
      %add3A_752 = arith.constant 480 : i32
      %add3A_753 = arith.addi %mul3A_751, %add3A_752 : i32
      %dma_wait3A_754 = arith.constant 0 : i32
      %dma_wait3A_755 = arith.constant 0 : i32
      %dma_wait3A_756 = arith.constant 0 : i32
      %dma_wait3A_757 = tpu.memref_slice %arg11[%dma_wait3A_754, %dma_wait3A_755, %dma_wait3A_756] : memref<2x40x128xf32, #tpu.memory_space<vmem>> -> memref<1x40x128xf32, #tpu.memory_space<vmem>>
      %dma_wait3A_758 = tpu.memref_squeeze %dma_wait3A_757 : memref<1x40x128xf32, #tpu.memory_space<vmem>> -> memref<40x128xf32, #tpu.memory_space<vmem>>
      %dma_wait3A_759 = arith.constant 0 : i32
      %dma_wait3A_760 = tpu.memref_slice %arg12[%add3A_753, %dma_wait3A_759] : memref<10000x128xf32, #tpu.memory_space<vmem_shared>> -> memref<40x128xf32, #tpu.memory_space<vmem_shared>>
      %dma_wait3A_761 = arith.constant 0 : i32
      %dma_wait3A_762 = tpu.memref_slice %arg12[%add3A_753, %dma_wait3A_761] : memref<10000x128xf32, #tpu.memory_space<vmem_shared>> -> memref<40x128xf32, #tpu.memory_space<vmem_shared>>
      %dma_wait3A_763 = arith.constant 0 : i32
      %dma_wait3A_764 = arith.constant 0 : i32
      %dma_wait3A_765 = tpu.memref_slice %arg11[%dma_wait3A_754, %dma_wait3A_763, %dma_wait3A_764] : memref<2x40x128xf32, #tpu.memory_space<vmem>> -> memref<1x40x128xf32, #tpu.memory_space<vmem>>
      %dma_wait3A_766 = tpu.memref_squeeze %dma_wait3A_765 : memref<1x40x128xf32, #tpu.memory_space<vmem>> -> memref<40x128xf32, #tpu.memory_space<vmem>>
      tpu.wait_dma2 semaphore(%arg13 : memref<!tpu.dma_semaphore, #tpu.memory_space<semaphore_mem>>) src(%dma_wait3A_766 : memref<40x128xf32, #tpu.memory_space<vmem>>) dst(%dma_wait3A_762 : memref<40x128xf32, #tpu.memory_space<vmem_shared>>)
      %mul3A_767 = arith.constant 1000 : i32
      %mul3A_768 = arith.muli %arg1, %mul3A_767 : i32
      %add3A_769 = arith.constant 520 : i32
      %add3A_770 = arith.addi %mul3A_768, %add3A_769 : i32
      %dma_wait3A_771 = arith.constant 0 : i32
      %dma_wait3A_772 = arith.constant 0 : i32
      %dma_wait3A_773 = arith.constant 0 : i32
      %dma_wait3A_774 = tpu.memref_slice %arg11[%dma_wait3A_771, %dma_wait3A_772, %dma_wait3A_773] : memref<2x40x128xf32, #tpu.memory_space<vmem>> -> memref<1x40x128xf32, #tpu.memory_space<vmem>>
      %dma_wait3A_775 = tpu.memref_squeeze %dma_wait3A_774 : memref<1x40x128xf32, #tpu.memory_space<vmem>> -> memref<40x128xf32, #tpu.memory_space<vmem>>
      %dma_wait3A_776 = arith.constant 0 : i32
      %dma_wait3A_777 = tpu.memref_slice %arg12[%add3A_770, %dma_wait3A_776] : memref<10000x128xf32, #tpu.memory_space<vmem_shared>> -> memref<40x128xf32, #tpu.memory_space<vmem_shared>>
      %dma_wait3A_778 = arith.constant 0 : i32
      %dma_wait3A_779 = tpu.memref_slice %arg12[%add3A_770, %dma_wait3A_778] : memref<10000x128xf32, #tpu.memory_space<vmem_shared>> -> memref<40x128xf32, #tpu.memory_space<vmem_shared>>
      %dma_wait3A_780 = arith.constant 0 : i32
      %dma_wait3A_781 = arith.constant 0 : i32
      %dma_wait3A_782 = tpu.memref_slice %arg11[%dma_wait3A_771, %dma_wait3A_780, %dma_wait3A_781] : memref<2x40x128xf32, #tpu.memory_space<vmem>> -> memref<1x40x128xf32, #tpu.memory_space<vmem>>
      %dma_wait3A_783 = tpu.memref_squeeze %dma_wait3A_782 : memref<1x40x128xf32, #tpu.memory_space<vmem>> -> memref<40x128xf32, #tpu.memory_space<vmem>>
      tpu.wait_dma2 semaphore(%arg13 : memref<!tpu.dma_semaphore, #tpu.memory_space<semaphore_mem>>) src(%dma_wait3A_783 : memref<40x128xf32, #tpu.memory_space<vmem>>) dst(%dma_wait3A_779 : memref<40x128xf32, #tpu.memory_space<vmem_shared>>)
      %mul3A_784 = arith.constant 1000 : i32
      %mul3A_785 = arith.muli %arg1, %mul3A_784 : i32
      %add3A_786 = arith.constant 560 : i32
      %add3A_787 = arith.addi %mul3A_785, %add3A_786 : i32
      %dma_wait3A_788 = arith.constant 0 : i32
      %dma_wait3A_789 = arith.constant 0 : i32
      %dma_wait3A_790 = arith.constant 0 : i32
      %dma_wait3A_791 = tpu.memref_slice %arg11[%dma_wait3A_788, %dma_wait3A_789, %dma_wait3A_790] : memref<2x40x128xf32, #tpu.memory_space<vmem>> -> memref<1x40x128xf32, #tpu.memory_space<vmem>>
      %dma_wait3A_792 = tpu.memref_squeeze %dma_wait3A_791 : memref<1x40x128xf32, #tpu.memory_space<vmem>> -> memref<40x128xf32, #tpu.memory_space<vmem>>
      %dma_wait3A_793 = arith.constant 0 : i32
      %dma_wait3A_794 = tpu.memref_slice %arg12[%add3A_787, %dma_wait3A_793] : memref<10000x128xf32, #tpu.memory_space<vmem_shared>> -> memref<40x128xf32, #tpu.memory_space<vmem_shared>>
      %dma_wait3A_795 = arith.constant 0 : i32
      %dma_wait3A_796 = tpu.memref_slice %arg12[%add3A_787, %dma_wait3A_795] : memref<10000x128xf32, #tpu.memory_space<vmem_shared>> -> memref<40x128xf32, #tpu.memory_space<vmem_shared>>
      %dma_wait3A_797 = arith.constant 0 : i32
      %dma_wait3A_798 = arith.constant 0 : i32
      %dma_wait3A_799 = tpu.memref_slice %arg11[%dma_wait3A_788, %dma_wait3A_797, %dma_wait3A_798] : memref<2x40x128xf32, #tpu.memory_space<vmem>> -> memref<1x40x128xf32, #tpu.memory_space<vmem>>
      %dma_wait3A_800 = tpu.memref_squeeze %dma_wait3A_799 : memref<1x40x128xf32, #tpu.memory_space<vmem>> -> memref<40x128xf32, #tpu.memory_space<vmem>>
      tpu.wait_dma2 semaphore(%arg13 : memref<!tpu.dma_semaphore, #tpu.memory_space<semaphore_mem>>) src(%dma_wait3A_800 : memref<40x128xf32, #tpu.memory_space<vmem>>) dst(%dma_wait3A_796 : memref<40x128xf32, #tpu.memory_space<vmem_shared>>)
      %mul3A_801 = arith.constant 1000 : i32
      %mul3A_802 = arith.muli %arg1, %mul3A_801 : i32
      %add3A_803 = arith.constant 600 : i32
      %add3A_804 = arith.addi %mul3A_802, %add3A_803 : i32
      %dma_wait3A_805 = arith.constant 0 : i32
      %dma_wait3A_806 = arith.constant 0 : i32
      %dma_wait3A_807 = arith.constant 0 : i32
      %dma_wait3A_808 = tpu.memref_slice %arg11[%dma_wait3A_805, %dma_wait3A_806, %dma_wait3A_807] : memref<2x40x128xf32, #tpu.memory_space<vmem>> -> memref<1x40x128xf32, #tpu.memory_space<vmem>>
      %dma_wait3A_809 = tpu.memref_squeeze %dma_wait3A_808 : memref<1x40x128xf32, #tpu.memory_space<vmem>> -> memref<40x128xf32, #tpu.memory_space<vmem>>
      %dma_wait3A_810 = arith.constant 0 : i32
      %dma_wait3A_811 = tpu.memref_slice %arg12[%add3A_804, %dma_wait3A_810] : memref<10000x128xf32, #tpu.memory_space<vmem_shared>> -> memref<40x128xf32, #tpu.memory_space<vmem_shared>>
      %dma_wait3A_812 = arith.constant 0 : i32
      %dma_wait3A_813 = tpu.memref_slice %arg12[%add3A_804, %dma_wait3A_812] : memref<10000x128xf32, #tpu.memory_space<vmem_shared>> -> memref<40x128xf32, #tpu.memory_space<vmem_shared>>
      %dma_wait3A_814 = arith.constant 0 : i32
      %dma_wait3A_815 = arith.constant 0 : i32
      %dma_wait3A_816 = tpu.memref_slice %arg11[%dma_wait3A_805, %dma_wait3A_814, %dma_wait3A_815] : memref<2x40x128xf32, #tpu.memory_space<vmem>> -> memref<1x40x128xf32, #tpu.memory_space<vmem>>
      %dma_wait3A_817 = tpu.memref_squeeze %dma_wait3A_816 : memref<1x40x128xf32, #tpu.memory_space<vmem>> -> memref<40x128xf32, #tpu.memory_space<vmem>>
      tpu.wait_dma2 semaphore(%arg13 : memref<!tpu.dma_semaphore, #tpu.memory_space<semaphore_mem>>) src(%dma_wait3A_817 : memref<40x128xf32, #tpu.memory_space<vmem>>) dst(%dma_wait3A_813 : memref<40x128xf32, #tpu.memory_space<vmem_shared>>)
      %mul3A_818 = arith.constant 1000 : i32
      %mul3A_819 = arith.muli %arg1, %mul3A_818 : i32
      %add3A_820 = arith.constant 640 : i32
      %add3A_821 = arith.addi %mul3A_819, %add3A_820 : i32
      %dma_wait3A_822 = arith.constant 0 : i32
      %dma_wait3A_823 = arith.constant 0 : i32
      %dma_wait3A_824 = arith.constant 0 : i32
      %dma_wait3A_825 = tpu.memref_slice %arg11[%dma_wait3A_822, %dma_wait3A_823, %dma_wait3A_824] : memref<2x40x128xf32, #tpu.memory_space<vmem>> -> memref<1x40x128xf32, #tpu.memory_space<vmem>>
      %dma_wait3A_826 = tpu.memref_squeeze %dma_wait3A_825 : memref<1x40x128xf32, #tpu.memory_space<vmem>> -> memref<40x128xf32, #tpu.memory_space<vmem>>
      %dma_wait3A_827 = arith.constant 0 : i32
      %dma_wait3A_828 = tpu.memref_slice %arg12[%add3A_821, %dma_wait3A_827] : memref<10000x128xf32, #tpu.memory_space<vmem_shared>> -> memref<40x128xf32, #tpu.memory_space<vmem_shared>>
      %dma_wait3A_829 = arith.constant 0 : i32
      %dma_wait3A_830 = tpu.memref_slice %arg12[%add3A_821, %dma_wait3A_829] : memref<10000x128xf32, #tpu.memory_space<vmem_shared>> -> memref<40x128xf32, #tpu.memory_space<vmem_shared>>
      %dma_wait3A_831 = arith.constant 0 : i32
      %dma_wait3A_832 = arith.constant 0 : i32
      %dma_wait3A_833 = tpu.memref_slice %arg11[%dma_wait3A_822, %dma_wait3A_831, %dma_wait3A_832] : memref<2x40x128xf32, #tpu.memory_space<vmem>> -> memref<1x40x128xf32, #tpu.memory_space<vmem>>
      %dma_wait3A_834 = tpu.memref_squeeze %dma_wait3A_833 : memref<1x40x128xf32, #tpu.memory_space<vmem>> -> memref<40x128xf32, #tpu.memory_space<vmem>>
      tpu.wait_dma2 semaphore(%arg13 : memref<!tpu.dma_semaphore, #tpu.memory_space<semaphore_mem>>) src(%dma_wait3A_834 : memref<40x128xf32, #tpu.memory_space<vmem>>) dst(%dma_wait3A_830 : memref<40x128xf32, #tpu.memory_space<vmem_shared>>)
      %mul3A_835 = arith.constant 1000 : i32
      %mul3A_836 = arith.muli %arg1, %mul3A_835 : i32
      %add3A_837 = arith.constant 680 : i32
      %add3A_838 = arith.addi %mul3A_836, %add3A_837 : i32
      %dma_wait3A_839 = arith.constant 0 : i32
      %dma_wait3A_840 = arith.constant 0 : i32
      %dma_wait3A_841 = arith.constant 0 : i32
      %dma_wait3A_842 = tpu.memref_slice %arg11[%dma_wait3A_839, %dma_wait3A_840, %dma_wait3A_841] : memref<2x40x128xf32, #tpu.memory_space<vmem>> -> memref<1x40x128xf32, #tpu.memory_space<vmem>>
      %dma_wait3A_843 = tpu.memref_squeeze %dma_wait3A_842 : memref<1x40x128xf32, #tpu.memory_space<vmem>> -> memref<40x128xf32, #tpu.memory_space<vmem>>
      %dma_wait3A_844 = arith.constant 0 : i32
      %dma_wait3A_845 = tpu.memref_slice %arg12[%add3A_838, %dma_wait3A_844] : memref<10000x128xf32, #tpu.memory_space<vmem_shared>> -> memref<40x128xf32, #tpu.memory_space<vmem_shared>>
      %dma_wait3A_846 = arith.constant 0 : i32
      %dma_wait3A_847 = tpu.memref_slice %arg12[%add3A_838, %dma_wait3A_846] : memref<10000x128xf32, #tpu.memory_space<vmem_shared>> -> memref<40x128xf32, #tpu.memory_space<vmem_shared>>
      %dma_wait3A_848 = arith.constant 0 : i32
      %dma_wait3A_849 = arith.constant 0 : i32
      %dma_wait3A_850 = tpu.memref_slice %arg11[%dma_wait3A_839, %dma_wait3A_848, %dma_wait3A_849] : memref<2x40x128xf32, #tpu.memory_space<vmem>> -> memref<1x40x128xf32, #tpu.memory_space<vmem>>
      %dma_wait3A_851 = tpu.memref_squeeze %dma_wait3A_850 : memref<1x40x128xf32, #tpu.memory_space<vmem>> -> memref<40x128xf32, #tpu.memory_space<vmem>>
      tpu.wait_dma2 semaphore(%arg13 : memref<!tpu.dma_semaphore, #tpu.memory_space<semaphore_mem>>) src(%dma_wait3A_851 : memref<40x128xf32, #tpu.memory_space<vmem>>) dst(%dma_wait3A_847 : memref<40x128xf32, #tpu.memory_space<vmem_shared>>)
      %mul3A_852 = arith.constant 1000 : i32
      %mul3A_853 = arith.muli %arg1, %mul3A_852 : i32
      %add3A_854 = arith.constant 720 : i32
      %add3A_855 = arith.addi %mul3A_853, %add3A_854 : i32
      %dma_wait3A_856 = arith.constant 0 : i32
      %dma_wait3A_857 = arith.constant 0 : i32
      %dma_wait3A_858 = arith.constant 0 : i32
      %dma_wait3A_859 = tpu.memref_slice %arg11[%dma_wait3A_856, %dma_wait3A_857, %dma_wait3A_858] : memref<2x40x128xf32, #tpu.memory_space<vmem>> -> memref<1x40x128xf32, #tpu.memory_space<vmem>>
      %dma_wait3A_860 = tpu.memref_squeeze %dma_wait3A_859 : memref<1x40x128xf32, #tpu.memory_space<vmem>> -> memref<40x128xf32, #tpu.memory_space<vmem>>
      %dma_wait3A_861 = arith.constant 0 : i32
      %dma_wait3A_862 = tpu.memref_slice %arg12[%add3A_855, %dma_wait3A_861] : memref<10000x128xf32, #tpu.memory_space<vmem_shared>> -> memref<40x128xf32, #tpu.memory_space<vmem_shared>>
      %dma_wait3A_863 = arith.constant 0 : i32
      %dma_wait3A_864 = tpu.memref_slice %arg12[%add3A_855, %dma_wait3A_863] : memref<10000x128xf32, #tpu.memory_space<vmem_shared>> -> memref<40x128xf32, #tpu.memory_space<vmem_shared>>
      %dma_wait3A_865 = arith.constant 0 : i32
      %dma_wait3A_866 = arith.constant 0 : i32
      %dma_wait3A_867 = tpu.memref_slice %arg11[%dma_wait3A_856, %dma_wait3A_865, %dma_wait3A_866] : memref<2x40x128xf32, #tpu.memory_space<vmem>> -> memref<1x40x128xf32, #tpu.memory_space<vmem>>
      %dma_wait3A_868 = tpu.memref_squeeze %dma_wait3A_867 : memref<1x40x128xf32, #tpu.memory_space<vmem>> -> memref<40x128xf32, #tpu.memory_space<vmem>>
      tpu.wait_dma2 semaphore(%arg13 : memref<!tpu.dma_semaphore, #tpu.memory_space<semaphore_mem>>) src(%dma_wait3A_868 : memref<40x128xf32, #tpu.memory_space<vmem>>) dst(%dma_wait3A_864 : memref<40x128xf32, #tpu.memory_space<vmem_shared>>)
      %mul3A_869 = arith.constant 1000 : i32
      %mul3A_870 = arith.muli %arg1, %mul3A_869 : i32
      %add3A_871 = arith.constant 760 : i32
      %add3A_872 = arith.addi %mul3A_870, %add3A_871 : i32
      %dma_wait3A_873 = arith.constant 0 : i32
      %dma_wait3A_874 = arith.constant 0 : i32
      %dma_wait3A_875 = arith.constant 0 : i32
      %dma_wait3A_876 = tpu.memref_slice %arg11[%dma_wait3A_873, %dma_wait3A_874, %dma_wait3A_875] : memref<2x40x128xf32, #tpu.memory_space<vmem>> -> memref<1x40x128xf32, #tpu.memory_space<vmem>>
      %dma_wait3A_877 = tpu.memref_squeeze %dma_wait3A_876 : memref<1x40x128xf32, #tpu.memory_space<vmem>> -> memref<40x128xf32, #tpu.memory_space<vmem>>
      %dma_wait3A_878 = arith.constant 0 : i32
      %dma_wait3A_879 = tpu.memref_slice %arg12[%add3A_872, %dma_wait3A_878] : memref<10000x128xf32, #tpu.memory_space<vmem_shared>> -> memref<40x128xf32, #tpu.memory_space<vmem_shared>>
      %dma_wait3A_880 = arith.constant 0 : i32
      %dma_wait3A_881 = tpu.memref_slice %arg12[%add3A_872, %dma_wait3A_880] : memref<10000x128xf32, #tpu.memory_space<vmem_shared>> -> memref<40x128xf32, #tpu.memory_space<vmem_shared>>
      %dma_wait3A_882 = arith.constant 0 : i32
      %dma_wait3A_883 = arith.constant 0 : i32
      %dma_wait3A_884 = tpu.memref_slice %arg11[%dma_wait3A_873, %dma_wait3A_882, %dma_wait3A_883] : memref<2x40x128xf32, #tpu.memory_space<vmem>> -> memref<1x40x128xf32, #tpu.memory_space<vmem>>
      %dma_wait3A_885 = tpu.memref_squeeze %dma_wait3A_884 : memref<1x40x128xf32, #tpu.memory_space<vmem>> -> memref<40x128xf32, #tpu.memory_space<vmem>>
      tpu.wait_dma2 semaphore(%arg13 : memref<!tpu.dma_semaphore, #tpu.memory_space<semaphore_mem>>) src(%dma_wait3A_885 : memref<40x128xf32, #tpu.memory_space<vmem>>) dst(%dma_wait3A_881 : memref<40x128xf32, #tpu.memory_space<vmem_shared>>)
      %mul3A_886 = arith.constant 1000 : i32
      %mul3A_887 = arith.muli %arg1, %mul3A_886 : i32
      %add3A_888 = arith.constant 800 : i32
      %add3A_889 = arith.addi %mul3A_887, %add3A_888 : i32
      %dma_wait3A_890 = arith.constant 0 : i32
      %dma_wait3A_891 = arith.constant 0 : i32
      %dma_wait3A_892 = arith.constant 0 : i32
      %dma_wait3A_893 = tpu.memref_slice %arg11[%dma_wait3A_890, %dma_wait3A_891, %dma_wait3A_892] : memref<2x40x128xf32, #tpu.memory_space<vmem>> -> memref<1x40x128xf32, #tpu.memory_space<vmem>>
      %dma_wait3A_894 = tpu.memref_squeeze %dma_wait3A_893 : memref<1x40x128xf32, #tpu.memory_space<vmem>> -> memref<40x128xf32, #tpu.memory_space<vmem>>
      %dma_wait3A_895 = arith.constant 0 : i32
      %dma_wait3A_896 = tpu.memref_slice %arg12[%add3A_889, %dma_wait3A_895] : memref<10000x128xf32, #tpu.memory_space<vmem_shared>> -> memref<40x128xf32, #tpu.memory_space<vmem_shared>>
      %dma_wait3A_897 = arith.constant 0 : i32
      %dma_wait3A_898 = tpu.memref_slice %arg12[%add3A_889, %dma_wait3A_897] : memref<10000x128xf32, #tpu.memory_space<vmem_shared>> -> memref<40x128xf32, #tpu.memory_space<vmem_shared>>
      %dma_wait3A_899 = arith.constant 0 : i32
      %dma_wait3A_900 = arith.constant 0 : i32
      %dma_wait3A_901 = tpu.memref_slice %arg11[%dma_wait3A_890, %dma_wait3A_899, %dma_wait3A_900] : memref<2x40x128xf32, #tpu.memory_space<vmem>> -> memref<1x40x128xf32, #tpu.memory_space<vmem>>
      %dma_wait3A_902 = tpu.memref_squeeze %dma_wait3A_901 : memref<1x40x128xf32, #tpu.memory_space<vmem>> -> memref<40x128xf32, #tpu.memory_space<vmem>>
      tpu.wait_dma2 semaphore(%arg13 : memref<!tpu.dma_semaphore, #tpu.memory_space<semaphore_mem>>) src(%dma_wait3A_902 : memref<40x128xf32, #tpu.memory_space<vmem>>) dst(%dma_wait3A_898 : memref<40x128xf32, #tpu.memory_space<vmem_shared>>)
      %mul3A_903 = arith.constant 1000 : i32
      %mul3A_904 = arith.muli %arg1, %mul3A_903 : i32
      %add3A_905 = arith.constant 840 : i32
      %add3A_906 = arith.addi %mul3A_904, %add3A_905 : i32
      %dma_wait3A_907 = arith.constant 0 : i32
      %dma_wait3A_908 = arith.constant 0 : i32
      %dma_wait3A_909 = arith.constant 0 : i32
      %dma_wait3A_910 = tpu.memref_slice %arg11[%dma_wait3A_907, %dma_wait3A_908, %dma_wait3A_909] : memref<2x40x128xf32, #tpu.memory_space<vmem>> -> memref<1x40x128xf32, #tpu.memory_space<vmem>>
      %dma_wait3A_911 = tpu.memref_squeeze %dma_wait3A_910 : memref<1x40x128xf32, #tpu.memory_space<vmem>> -> memref<40x128xf32, #tpu.memory_space<vmem>>
      %dma_wait3A_912 = arith.constant 0 : i32
      %dma_wait3A_913 = tpu.memref_slice %arg12[%add3A_906, %dma_wait3A_912] : memref<10000x128xf32, #tpu.memory_space<vmem_shared>> -> memref<40x128xf32, #tpu.memory_space<vmem_shared>>
      %dma_wait3A_914 = arith.constant 0 : i32
      %dma_wait3A_915 = tpu.memref_slice %arg12[%add3A_906, %dma_wait3A_914] : memref<10000x128xf32, #tpu.memory_space<vmem_shared>> -> memref<40x128xf32, #tpu.memory_space<vmem_shared>>
      %dma_wait3A_916 = arith.constant 0 : i32
      %dma_wait3A_917 = arith.constant 0 : i32
      %dma_wait3A_918 = tpu.memref_slice %arg11[%dma_wait3A_907, %dma_wait3A_916, %dma_wait3A_917] : memref<2x40x128xf32, #tpu.memory_space<vmem>> -> memref<1x40x128xf32, #tpu.memory_space<vmem>>
      %dma_wait3A_919 = tpu.memref_squeeze %dma_wait3A_918 : memref<1x40x128xf32, #tpu.memory_space<vmem>> -> memref<40x128xf32, #tpu.memory_space<vmem>>
      tpu.wait_dma2 semaphore(%arg13 : memref<!tpu.dma_semaphore, #tpu.memory_space<semaphore_mem>>) src(%dma_wait3A_919 : memref<40x128xf32, #tpu.memory_space<vmem>>) dst(%dma_wait3A_915 : memref<40x128xf32, #tpu.memory_space<vmem_shared>>)
      %mul3A_920 = arith.constant 1000 : i32
      %mul3A_921 = arith.muli %arg1, %mul3A_920 : i32
      %add3A_922 = arith.constant 880 : i32
      %add3A_923 = arith.addi %mul3A_921, %add3A_922 : i32
      %dma_wait3A_924 = arith.constant 0 : i32
      %dma_wait3A_925 = arith.constant 0 : i32
      %dma_wait3A_926 = arith.constant 0 : i32
      %dma_wait3A_927 = tpu.memref_slice %arg11[%dma_wait3A_924, %dma_wait3A_925, %dma_wait3A_926] : memref<2x40x128xf32, #tpu.memory_space<vmem>> -> memref<1x40x128xf32, #tpu.memory_space<vmem>>
      %dma_wait3A_928 = tpu.memref_squeeze %dma_wait3A_927 : memref<1x40x128xf32, #tpu.memory_space<vmem>> -> memref<40x128xf32, #tpu.memory_space<vmem>>
      %dma_wait3A_929 = arith.constant 0 : i32
      %dma_wait3A_930 = tpu.memref_slice %arg12[%add3A_923, %dma_wait3A_929] : memref<10000x128xf32, #tpu.memory_space<vmem_shared>> -> memref<40x128xf32, #tpu.memory_space<vmem_shared>>
      %dma_wait3A_931 = arith.constant 0 : i32
      %dma_wait3A_932 = tpu.memref_slice %arg12[%add3A_923, %dma_wait3A_931] : memref<10000x128xf32, #tpu.memory_space<vmem_shared>> -> memref<40x128xf32, #tpu.memory_space<vmem_shared>>
      %dma_wait3A_933 = arith.constant 0 : i32
      %dma_wait3A_934 = arith.constant 0 : i32
      %dma_wait3A_935 = tpu.memref_slice %arg11[%dma_wait3A_924, %dma_wait3A_933, %dma_wait3A_934] : memref<2x40x128xf32, #tpu.memory_space<vmem>> -> memref<1x40x128xf32, #tpu.memory_space<vmem>>
      %dma_wait3A_936 = tpu.memref_squeeze %dma_wait3A_935 : memref<1x40x128xf32, #tpu.memory_space<vmem>> -> memref<40x128xf32, #tpu.memory_space<vmem>>
      tpu.wait_dma2 semaphore(%arg13 : memref<!tpu.dma_semaphore, #tpu.memory_space<semaphore_mem>>) src(%dma_wait3A_936 : memref<40x128xf32, #tpu.memory_space<vmem>>) dst(%dma_wait3A_932 : memref<40x128xf32, #tpu.memory_space<vmem_shared>>)
      %mul3A_937 = arith.constant 1000 : i32
      %mul3A_938 = arith.muli %arg1, %mul3A_937 : i32
      %add3A_939 = arith.constant 920 : i32
      %add3A_940 = arith.addi %mul3A_938, %add3A_939 : i32
      %dma_wait3A_941 = arith.constant 0 : i32
      %dma_wait3A_942 = arith.constant 0 : i32
      %dma_wait3A_943 = arith.constant 0 : i32
      %dma_wait3A_944 = tpu.memref_slice %arg11[%dma_wait3A_941, %dma_wait3A_942, %dma_wait3A_943] : memref<2x40x128xf32, #tpu.memory_space<vmem>> -> memref<1x40x128xf32, #tpu.memory_space<vmem>>
      %dma_wait3A_945 = tpu.memref_squeeze %dma_wait3A_944 : memref<1x40x128xf32, #tpu.memory_space<vmem>> -> memref<40x128xf32, #tpu.memory_space<vmem>>
      %dma_wait3A_946 = arith.constant 0 : i32
      %dma_wait3A_947 = tpu.memref_slice %arg12[%add3A_940, %dma_wait3A_946] : memref<10000x128xf32, #tpu.memory_space<vmem_shared>> -> memref<40x128xf32, #tpu.memory_space<vmem_shared>>
      %dma_wait3A_948 = arith.constant 0 : i32
      %dma_wait3A_949 = tpu.memref_slice %arg12[%add3A_940, %dma_wait3A_948] : memref<10000x128xf32, #tpu.memory_space<vmem_shared>> -> memref<40x128xf32, #tpu.memory_space<vmem_shared>>
      %dma_wait3A_950 = arith.constant 0 : i32
      %dma_wait3A_951 = arith.constant 0 : i32
      %dma_wait3A_952 = tpu.memref_slice %arg11[%dma_wait3A_941, %dma_wait3A_950, %dma_wait3A_951] : memref<2x40x128xf32, #tpu.memory_space<vmem>> -> memref<1x40x128xf32, #tpu.memory_space<vmem>>
      %dma_wait3A_953 = tpu.memref_squeeze %dma_wait3A_952 : memref<1x40x128xf32, #tpu.memory_space<vmem>> -> memref<40x128xf32, #tpu.memory_space<vmem>>
      tpu.wait_dma2 semaphore(%arg13 : memref<!tpu.dma_semaphore, #tpu.memory_space<semaphore_mem>>) src(%dma_wait3A_953 : memref<40x128xf32, #tpu.memory_space<vmem>>) dst(%dma_wait3A_949 : memref<40x128xf32, #tpu.memory_space<vmem_shared>>)
      %mul3A_954 = arith.constant 1000 : i32
      %mul3A_955 = arith.muli %arg1, %mul3A_954 : i32
      %add3A_956 = arith.constant 960 : i32
      %add3A_957 = arith.addi %mul3A_955, %add3A_956 : i32
      %dma_wait3A_958 = arith.constant 0 : i32
      %dma_wait3A_959 = arith.constant 0 : i32
      %dma_wait3A_960 = arith.constant 0 : i32
      %dma_wait3A_961 = tpu.memref_slice %arg11[%dma_wait3A_958, %dma_wait3A_959, %dma_wait3A_960] : memref<2x40x128xf32, #tpu.memory_space<vmem>> -> memref<1x40x128xf32, #tpu.memory_space<vmem>>
      %dma_wait3A_962 = tpu.memref_squeeze %dma_wait3A_961 : memref<1x40x128xf32, #tpu.memory_space<vmem>> -> memref<40x128xf32, #tpu.memory_space<vmem>>
      %dma_wait3A_963 = arith.constant 0 : i32
      %dma_wait3A_964 = tpu.memref_slice %arg12[%add3A_957, %dma_wait3A_963] : memref<10000x128xf32, #tpu.memory_space<vmem_shared>> -> memref<40x128xf32, #tpu.memory_space<vmem_shared>>
      %dma_wait3A_965 = arith.constant 0 : i32
      %dma_wait3A_966 = tpu.memref_slice %arg12[%add3A_957, %dma_wait3A_965] : memref<10000x128xf32, #tpu.memory_space<vmem_shared>> -> memref<40x128xf32, #tpu.memory_space<vmem_shared>>
      %dma_wait3A_967 = arith.constant 0 : i32
      %dma_wait3A_968 = arith.constant 0 : i32
      %dma_wait3A_969 = tpu.memref_slice %arg11[%dma_wait3A_958, %dma_wait3A_967, %dma_wait3A_968] : memref<2x40x128xf32, #tpu.memory_space<vmem>> -> memref<1x40x128xf32, #tpu.memory_space<vmem>>
      %dma_wait3A_970 = tpu.memref_squeeze %dma_wait3A_969 : memref<1x40x128xf32, #tpu.memory_space<vmem>> -> memref<40x128xf32, #tpu.memory_space<vmem>>
      tpu.wait_dma2 semaphore(%arg13 : memref<!tpu.dma_semaphore, #tpu.memory_space<semaphore_mem>>) src(%dma_wait3A_970 : memref<40x128xf32, #tpu.memory_space<vmem>>) dst(%dma_wait3A_966 : memref<40x128xf32, #tpu.memory_space<vmem_shared>>)
    } else {
    }
    %multiple_of3A = tpu.assume_multiple %mul3A_2, 8 : i32
    "tpu.region"() ({
      %run_scoped3A = tpu.sem_alloc : memref<!tpu.dma_semaphore, #tpu.memory_space<semaphore_mem>>
      %dma_start3A_121 = tpu.memref_slice %arg5[%multiple_of3A] : memref<320000xi32, #tpu.memory_space<hbm>> -> memref<10000xi32, #tpu.memory_space<hbm>>
      %dma_start3A_122 = tpu.memref_slice %arg5[%multiple_of3A] : memref<320000xi32, #tpu.memory_space<hbm>> -> memref<10000xi32, #tpu.memory_space<hbm>>
      tpu.enqueue_dma source(%dma_start3A_122 : memref<10000xi32, #tpu.memory_space<hbm>>) target(%arg7 : memref<10000xi32, #tpu.memory_space<vmem>>) target_semaphore(%run_scoped3A : memref<!tpu.dma_semaphore, #tpu.memory_space<semaphore_mem>>)
      %dma_wait3A_123 = tpu.memref_slice %arg5[%multiple_of3A] : memref<320000xi32, #tpu.memory_space<hbm>> -> memref<10000xi32, #tpu.memory_space<hbm>>
      %dma_wait3A_124 = tpu.memref_slice %arg5[%multiple_of3A] : memref<320000xi32, #tpu.memory_space<hbm>> -> memref<10000xi32, #tpu.memory_space<hbm>>
      tpu.wait_dma2 semaphore(%run_scoped3A : memref<!tpu.dma_semaphore, #tpu.memory_space<semaphore_mem>>) src(%dma_wait3A_124 : memref<10000xi32, #tpu.memory_space<hbm>>) dst(%arg7 : memref<10000xi32, #tpu.memory_space<vmem>>)
      tpu.yield
    }) : () -> ()
    %barrier3A = arith.constant 0 : index
    tpu.barrier barrier_id(%barrier3A)
    %dma_start3A = arith.constant 0 : i32
    %dma_start3A_11 = arith.constant 0 : i32
    %dma_start3A_12 = arith.constant 0 : i32
    %dma_start3A_13 = tpu.memref_slice %arg9[%dma_start3A, %dma_start3A_11, %dma_start3A_12] : memref<2x40x128xf32, #tpu.memory_space<vmem>> -> memref<1x40x128xf32, #tpu.memory_space<vmem>>
    %dma_start3A_14 = tpu.memref_squeeze %dma_start3A_13 : memref<1x40x128xf32, #tpu.memory_space<vmem>> -> memref<40x128xf32, #tpu.memory_space<vmem>>
    %dma_start3A_15 = arith.constant 0 : i32
    %dma_start3A_16 = tpu.memref_slice %arg7[%dma_start3A_15] : memref<10000xi32, #tpu.memory_space<vmem>> -> memref<40xi32, #tpu.memory_space<vmem>>
    %dma_start3A_17 = arith.constant 0 : i32
    %dma_start3A_18 = arith.constant 0 : i32
    %dma_start3A_19 = tpu.memref_slice %arg3[%dma_start3A_17, %dma_start3A_18] : memref<10000x128xf32, #tpu.memory_space<hbm>> -> memref<10000x128xf32, #tpu.memory_space<hbm>>
    tpu.enqueue_indirect_dma source(%dma_start3A_19 : memref<10000x128xf32, #tpu.memory_space<hbm>>) target(%dma_start3A_14 : memref<40x128xf32, #tpu.memory_space<vmem>>) offsets(%dma_start3A_16 : memref<40xi32, #tpu.memory_space<vmem>>) semaphore(%arg13 : memref<!tpu.dma_semaphore, #tpu.memory_space<semaphore_mem>>)
    %add3A_20 = arith.constant 0 : i32
    %add3A_21 = arith.addi %mul3A_2, %add3A_20 : i32
    %multiple_of3A_22 = tpu.assume_multiple %add3A_21, 8 : i32
    %dma_start3A_23 = arith.constant 0 : i32
    %dma_start3A_24 = arith.constant 0 : i32
    %dma_start3A_25 = arith.constant 0 : i32
    %dma_start3A_26 = tpu.memref_slice %arg10[%dma_start3A_23, %dma_start3A_24, %dma_start3A_25] : memref<2x40x64xi32, #tpu.memory_space<vmem>> -> memref<1x40x64xi32, #tpu.memory_space<vmem>>
    %dma_start3A_27 = tpu.memref_squeeze %dma_start3A_26 : memref<1x40x64xi32, #tpu.memory_space<vmem>> -> memref<40x64xi32, #tpu.memory_space<vmem>>
    %dma_start3A_28 = arith.constant 0 : i32
    %dma_start3A_29 = tpu.memref_slice %arg2[%multiple_of3A_22, %dma_start3A_28] : memref<320000x64xi32, #tpu.memory_space<hbm>> -> memref<40x64xi32, #tpu.memory_space<hbm>>
    %dma_start3A_30 = arith.constant 0 : i32
    %dma_start3A_31 = arith.constant 0 : i32
    %dma_start3A_32 = tpu.memref_slice %arg10[%dma_start3A_23, %dma_start3A_30, %dma_start3A_31] : memref<2x40x64xi32, #tpu.memory_space<vmem>> -> memref<1x40x64xi32, #tpu.memory_space<vmem>>
    %dma_start3A_33 = tpu.memref_squeeze %dma_start3A_32 : memref<1x40x64xi32, #tpu.memory_space<vmem>> -> memref<40x64xi32, #tpu.memory_space<vmem>>
    %dma_start3A_34 = arith.constant 0 : i32
    %dma_start3A_35 = tpu.memref_slice %arg2[%multiple_of3A_22, %dma_start3A_34] : memref<320000x64xi32, #tpu.memory_space<hbm>> -> memref<40x64xi32, #tpu.memory_space<hbm>>
    tpu.enqueue_dma source(%dma_start3A_35 : memref<40x64xi32, #tpu.memory_space<hbm>>) target(%dma_start3A_33 : memref<40x64xi32, #tpu.memory_space<vmem>>) target_semaphore(%arg15 : memref<!tpu.dma_semaphore, #tpu.memory_space<semaphore_mem>>)
    %dma_start3A_36 = arith.constant 1 : i32
    %dma_start3A_37 = arith.constant 0 : i32
    %dma_start3A_38 = arith.constant 0 : i32
    %dma_start3A_39 = tpu.memref_slice %arg9[%dma_start3A_36, %dma_start3A_37, %dma_start3A_38] : memref<2x40x128xf32, #tpu.memory_space<vmem>> -> memref<1x40x128xf32, #tpu.memory_space<vmem>>
    %dma_start3A_40 = tpu.memref_squeeze %dma_start3A_39 : memref<1x40x128xf32, #tpu.memory_space<vmem>> -> memref<40x128xf32, #tpu.memory_space<vmem>>
    %dma_start3A_41 = arith.constant 40 : i32
    %dma_start3A_42 = tpu.memref_slice %arg7[%dma_start3A_41] : memref<10000xi32, #tpu.memory_space<vmem>> -> memref<40xi32, #tpu.memory_space<vmem>>
    %dma_start3A_43 = arith.constant 0 : i32
    %dma_start3A_44 = arith.constant 0 : i32
    %dma_start3A_45 = tpu.memref_slice %arg3[%dma_start3A_43, %dma_start3A_44] : memref<10000x128xf32, #tpu.memory_space<hbm>> -> memref<10000x128xf32, #tpu.memory_space<hbm>>
    tpu.enqueue_indirect_dma source(%dma_start3A_45 : memref<10000x128xf32, #tpu.memory_space<hbm>>) target(%dma_start3A_40 : memref<40x128xf32, #tpu.memory_space<vmem>>) offsets(%dma_start3A_42 : memref<40xi32, #tpu.memory_space<vmem>>) semaphore(%arg14 : memref<!tpu.dma_semaphore, #tpu.memory_space<semaphore_mem>>)
    %add3A_46 = arith.constant 40 : i32
    %add3A_47 = arith.addi %mul3A_2, %add3A_46 : i32
    %multiple_of3A_48 = tpu.assume_multiple %add3A_47, 8 : i32
    %dma_start3A_49 = arith.constant 1 : i32
    %dma_start3A_50 = arith.constant 0 : i32
    %dma_start3A_51 = arith.constant 0 : i32
    %dma_start3A_52 = tpu.memref_slice %arg10[%dma_start3A_49, %dma_start3A_50, %dma_start3A_51] : memref<2x40x64xi32, #tpu.memory_space<vmem>> -> memref<1x40x64xi32, #tpu.memory_space<vmem>>
    %dma_start3A_53 = tpu.memref_squeeze %dma_start3A_52 : memref<1x40x64xi32, #tpu.memory_space<vmem>> -> memref<40x64xi32, #tpu.memory_space<vmem>>
    %dma_start3A_54 = arith.constant 0 : i32
    %dma_start3A_55 = tpu.memref_slice %arg2[%multiple_of3A_48, %dma_start3A_54] : memref<320000x64xi32, #tpu.memory_space<hbm>> -> memref<40x64xi32, #tpu.memory_space<hbm>>
    %dma_start3A_56 = arith.constant 0 : i32
    %dma_start3A_57 = arith.constant 0 : i32
    %dma_start3A_58 = tpu.memref_slice %arg10[%dma_start3A_49, %dma_start3A_56, %dma_start3A_57] : memref<2x40x64xi32, #tpu.memory_space<vmem>> -> memref<1x40x64xi32, #tpu.memory_space<vmem>>
    %dma_start3A_59 = tpu.memref_squeeze %dma_start3A_58 : memref<1x40x64xi32, #tpu.memory_space<vmem>> -> memref<40x64xi32, #tpu.memory_space<vmem>>
    %dma_start3A_60 = arith.constant 0 : i32
    %dma_start3A_61 = tpu.memref_slice %arg2[%multiple_of3A_48, %dma_start3A_60] : memref<320000x64xi32, #tpu.memory_space<hbm>> -> memref<40x64xi32, #tpu.memory_space<hbm>>
    tpu.enqueue_dma source(%dma_start3A_61 : memref<40x64xi32, #tpu.memory_space<hbm>>) target(%dma_start3A_59 : memref<40x64xi32, #tpu.memory_space<vmem>>) target_semaphore(%arg16 : memref<!tpu.dma_semaphore, #tpu.memory_space<semaphore_mem>>)
    %add3A_62 = arith.constant 0 : i32
    %add3A_63 = arith.addi %mul3A_2, %add3A_62 : i32
    %multiple_of3A_64 = tpu.assume_multiple %add3A_63, 8 : i32
    %dma_start3A_65 = arith.constant 0 : i32
    %dma_start3A_66 = arith.constant 0 : i32
    %dma_start3A_67 = tpu.memref_slice %arg8[%dma_start3A_65, %dma_start3A_66] : memref<2x40xi32, #tpu.memory_space<vmem>> -> memref<1x40xi32, #tpu.memory_space<vmem>>
    %dma_start3A_68 = tpu.memref_squeeze %dma_start3A_67 : memref<1x40xi32, #tpu.memory_space<vmem>> -> memref<40xi32, #tpu.memory_space<vmem>>
    %dma_start3A_69 = tpu.memref_slice %arg4[%multiple_of3A_64] : memref<320000xi32, #tpu.memory_space<hbm>> -> memref<40xi32, #tpu.memory_space<hbm>>
    %dma_start3A_70 = arith.constant 0 : i32
    %dma_start3A_71 = tpu.memref_slice %arg8[%dma_start3A_65, %dma_start3A_70] : memref<2x40xi32, #tpu.memory_space<vmem>> -> memref<1x40xi32, #tpu.memory_space<vmem>>
    %dma_start3A_72 = tpu.memref_squeeze %dma_start3A_71 : memref<1x40xi32, #tpu.memory_space<vmem>> -> memref<40xi32, #tpu.memory_space<vmem>>
    %dma_start3A_73 = tpu.memref_slice %arg4[%multiple_of3A_64] : memref<320000xi32, #tpu.memory_space<hbm>> -> memref<40xi32, #tpu.memory_space<hbm>>
    tpu.enqueue_dma source(%dma_start3A_73 : memref<40xi32, #tpu.memory_space<hbm>>) target(%dma_start3A_72 : memref<40xi32, #tpu.memory_space<vmem>>) target_semaphore(%arg19 : memref<!tpu.dma_semaphore, #tpu.memory_space<semaphore_mem>>)
    %add3A_74 = arith.constant 40 : i32
    %add3A_75 = arith.addi %mul3A_2, %add3A_74 : i32
    %multiple_of3A_76 = tpu.assume_multiple %add3A_75, 8 : i32
    %dma_start3A_77 = arith.constant 1 : i32
    %dma_start3A_78 = arith.constant 0 : i32
    %dma_start3A_79 = tpu.memref_slice %arg8[%dma_start3A_77, %dma_start3A_78] : memref<2x40xi32, #tpu.memory_space<vmem>> -> memref<1x40xi32, #tpu.memory_space<vmem>>
    %dma_start3A_80 = tpu.memref_squeeze %dma_start3A_79 : memref<1x40xi32, #tpu.memory_space<vmem>> -> memref<40xi32, #tpu.memory_space<vmem>>
    %dma_start3A_81 = tpu.memref_slice %arg4[%multiple_of3A_76] : memref<320000xi32, #tpu.memory_space<hbm>> -> memref<40xi32, #tpu.memory_space<hbm>>
    %dma_start3A_82 = arith.constant 0 : i32
    %dma_start3A_83 = tpu.memref_slice %arg8[%dma_start3A_77, %dma_start3A_82] : memref<2x40xi32, #tpu.memory_space<vmem>> -> memref<1x40xi32, #tpu.memory_space<vmem>>
    %dma_start3A_84 = tpu.memref_squeeze %dma_start3A_83 : memref<1x40xi32, #tpu.memory_space<vmem>> -> memref<40xi32, #tpu.memory_space<vmem>>
    %dma_start3A_85 = tpu.memref_slice %arg4[%multiple_of3A_76] : memref<320000xi32, #tpu.memory_space<hbm>> -> memref<40xi32, #tpu.memory_space<hbm>>
    tpu.enqueue_dma source(%dma_start3A_85 : memref<40xi32, #tpu.memory_space<hbm>>) target(%dma_start3A_84 : memref<40xi32, #tpu.memory_space<vmem>>) target_semaphore(%arg20 : memref<!tpu.dma_semaphore, #tpu.memory_space<semaphore_mem>>)
    %scan3A_86 = arith.constant 0 : i32
    %scan3A_87 = arith.constant 0 : i32
    %scan3A_88 = arith.constant 125 : i32
    %scan3A_89 = arith.addi %scan3A_87, %scan3A_88 : i32
    %scan3A_90 = arith.constant 1 : i32
    scf.for %scan3A_121 = %scan3A_87 to %scan3A_89 step %scan3A_90  : i32 {
      %mul3A_122 = arith.constant 2 : i32
      %mul3A_123 = arith.muli %scan3A_121, %mul3A_122 : i32
      %add3A_124 = arith.constant 0 : i32
      %add3A_125 = arith.addi %mul3A_123, %add3A_124 : i32
      %mul3A_126 = arith.constant 40 : i32
      %mul3A_127 = arith.muli %add3A_125, %mul3A_126 : i32
      %dma_wait3A_128 = arith.constant 0 : i32
      %dma_wait3A_129 = arith.constant 0 : i32
      %dma_wait3A_130 = arith.constant 0 : i32
      %dma_wait3A_131 = tpu.memref_slice %arg9[%dma_wait3A_128, %dma_wait3A_129, %dma_wait3A_130] : memref<2x40x128xf32, #tpu.memory_space<vmem>> -> memref<1x40x128xf32, #tpu.memory_space<vmem>>
      %dma_wait3A_132 = tpu.memref_squeeze %dma_wait3A_131 : memref<1x40x128xf32, #tpu.memory_space<vmem>> -> memref<40x128xf32, #tpu.memory_space<vmem>>
      %dma_wait3A_133 = tpu.memref_slice %arg7[%mul3A_127] : memref<10000xi32, #tpu.memory_space<vmem>> -> memref<40xi32, #tpu.memory_space<vmem>>
      %dma_wait3A_134 = arith.constant 0 : i32
      %dma_wait3A_135 = arith.constant 0 : i32
      %dma_wait3A_136 = tpu.memref_slice %arg3[%dma_wait3A_134, %dma_wait3A_135] : memref<10000x128xf32, #tpu.memory_space<hbm>> -> memref<10000x128xf32, #tpu.memory_space<hbm>>
      tpu.wait_indirect_dma semaphore(%arg13 : memref<!tpu.dma_semaphore, #tpu.memory_space<semaphore_mem>>) src(%dma_wait3A_136 : memref<10000x128xf32, #tpu.memory_space<hbm>>) dst(%dma_wait3A_132 : memref<40x128xf32, #tpu.memory_space<vmem>>)
      %mul3A_137 = arith.constant 40 : i32
      %mul3A_138 = arith.muli %add3A_125, %mul3A_137 : i32
      %add3A_139 = arith.addi %mul3A_2, %mul3A_138 : i32
      %multiple_of3A_140 = tpu.assume_multiple %add3A_139, 8 : i32
      %dma_wait3A_141 = arith.constant 0 : i32
      %dma_wait3A_142 = arith.constant 0 : i32
      %dma_wait3A_143 = arith.constant 0 : i32
      %dma_wait3A_144 = tpu.memref_slice %arg10[%dma_wait3A_141, %dma_wait3A_142, %dma_wait3A_143] : memref<2x40x64xi32, #tpu.memory_space<vmem>> -> memref<1x40x64xi32, #tpu.memory_space<vmem>>
      %dma_wait3A_145 = tpu.memref_squeeze %dma_wait3A_144 : memref<1x40x64xi32, #tpu.memory_space<vmem>> -> memref<40x64xi32, #tpu.memory_space<vmem>>
      %dma_wait3A_146 = arith.constant 0 : i32
      %dma_wait3A_147 = tpu.memref_slice %arg2[%multiple_of3A_140, %dma_wait3A_146] : memref<320000x64xi32, #tpu.memory_space<hbm>> -> memref<40x64xi32, #tpu.memory_space<hbm>>
      %dma_wait3A_148 = arith.constant 0 : i32
      %dma_wait3A_149 = arith.constant 0 : i32
      %dma_wait3A_150 = tpu.memref_slice %arg10[%dma_wait3A_141, %dma_wait3A_148, %dma_wait3A_149] : memref<2x40x64xi32, #tpu.memory_space<vmem>> -> memref<1x40x64xi32, #tpu.memory_space<vmem>>
      %dma_wait3A_151 = tpu.memref_squeeze %dma_wait3A_150 : memref<1x40x64xi32, #tpu.memory_space<vmem>> -> memref<40x64xi32, #tpu.memory_space<vmem>>
      %dma_wait3A_152 = arith.constant 0 : i32
      %dma_wait3A_153 = tpu.memref_slice %arg2[%multiple_of3A_140, %dma_wait3A_152] : memref<320000x64xi32, #tpu.memory_space<hbm>> -> memref<40x64xi32, #tpu.memory_space<hbm>>
      tpu.wait_dma2 semaphore(%arg15 : memref<!tpu.dma_semaphore, #tpu.memory_space<semaphore_mem>>) src(%dma_wait3A_153 : memref<40x64xi32, #tpu.memory_space<hbm>>) dst(%dma_wait3A_151 : memref<40x64xi32, #tpu.memory_space<vmem>>)
      %ge3A = arith.constant 2 : i32
      %ge3A_154 = arith.cmpi sge, %add3A_125, %ge3A : i32
      %convert_element_type3A_155 = arith.extui %ge3A_154 : i1 to i32
      %cond3A_156 = arith.constant 0 : i32
      %cond3A_157 = arith.cmpi ne, %convert_element_type3A_155, %cond3A_156 : i32
      scf.if %cond3A_157 {
        %dma_wait3A_262 = arith.constant 0 : i32
        %dma_wait3A_263 = arith.constant 0 : i32
        %dma_wait3A_264 = arith.constant 0 : i32
        %dma_wait3A_265 = arith.constant 0 : i32
        %dma_wait3A_266 = tpu.memref_slice %arg11[%dma_wait3A_262, %dma_wait3A_264, %dma_wait3A_265] : memref<2x40x128xf32, #tpu.memory_space<vmem>> -> memref<1x40x128xf32, #tpu.memory_space<vmem>>
        %dma_wait3A_267 = tpu.memref_squeeze %dma_wait3A_266 : memref<1x40x128xf32, #tpu.memory_space<vmem>> -> memref<40x128xf32, #tpu.memory_space<vmem>>
        %dma_wait3A_268 = arith.constant 0 : i32
        %dma_wait3A_269 = tpu.memref_slice %arg8[%dma_wait3A_263, %dma_wait3A_268] : memref<2x40xi32, #tpu.memory_space<vmem>> -> memref<1x40xi32, #tpu.memory_space<vmem>>
        %dma_wait3A_270 = tpu.memref_squeeze %dma_wait3A_269 : memref<1x40xi32, #tpu.memory_space<vmem>> -> memref<40xi32, #tpu.memory_space<vmem>>
        %dma_wait3A_271 = arith.constant 0 : i32
        %dma_wait3A_272 = arith.constant 0 : i32
        %dma_wait3A_273 = tpu.memref_slice %arg12[%dma_wait3A_271, %dma_wait3A_272] : memref<10000x128xf32, #tpu.memory_space<vmem_shared>> -> memref<10000x128xf32, #tpu.memory_space<vmem_shared>>
        tpu.wait_indirect_dma semaphore(%arg17 : memref<!tpu.dma_semaphore, #tpu.memory_space<semaphore_mem>>) src(%dma_wait3A_267 : memref<40x128xf32, #tpu.memory_space<vmem>>) dst(%dma_wait3A_273 : memref<10000x128xf32, #tpu.memory_space<vmem_shared>>)
        %mul3A_274 = arith.constant 40 : i32
        %mul3A_275 = arith.muli %add3A_125, %mul3A_274 : i32
        %add3A_276 = arith.addi %mul3A_2, %mul3A_275 : i32
        %multiple_of3A_277 = tpu.assume_multiple %add3A_276, 8 : i32
        %dma_start3A_278 = arith.constant 0 : i32
        %dma_start3A_279 = arith.constant 0 : i32
        %dma_start3A_280 = tpu.memref_slice %arg8[%dma_start3A_278, %dma_start3A_279] : memref<2x40xi32, #tpu.memory_space<vmem>> -> memref<1x40xi32, #tpu.memory_space<vmem>>
        %dma_start3A_281 = tpu.memref_squeeze %dma_start3A_280 : memref<1x40xi32, #tpu.memory_space<vmem>> -> memref<40xi32, #tpu.memory_space<vmem>>
        %dma_start3A_282 = tpu.memref_slice %arg4[%multiple_of3A_277] : memref<320000xi32, #tpu.memory_space<hbm>> -> memref<40xi32, #tpu.memory_space<hbm>>
        %dma_start3A_283 = arith.constant 0 : i32
        %dma_start3A_284 = tpu.memref_slice %arg8[%dma_start3A_278, %dma_start3A_283] : memref<2x40xi32, #tpu.memory_space<vmem>> -> memref<1x40xi32, #tpu.memory_space<vmem>>
        %dma_start3A_285 = tpu.memref_squeeze %dma_start3A_284 : memref<1x40xi32, #tpu.memory_space<vmem>> -> memref<40xi32, #tpu.memory_space<vmem>>
        %dma_start3A_286 = tpu.memref_slice %arg4[%multiple_of3A_277] : memref<320000xi32, #tpu.memory_space<hbm>> -> memref<40xi32, #tpu.memory_space<hbm>>
        tpu.enqueue_dma source(%dma_start3A_286 : memref<40xi32, #tpu.memory_space<hbm>>) target(%dma_start3A_285 : memref<40xi32, #tpu.memory_space<vmem>>) target_semaphore(%arg19 : memref<!tpu.dma_semaphore, #tpu.memory_space<semaphore_mem>>)
      } else {
      }
      %parallel_loop3A = arith.constant 0 : i32
      %parallel_loop3A_158 = arith.constant 40 : i32
      %parallel_loop3A_159 = arith.constant 1 : i32
      scf.for %parallel_loop3A_262 = %parallel_loop3A to %parallel_loop3A_158 step %parallel_loop3A_159  : i32 {
        %parallel_loop3A_263 = arith.constant 0 : i32
        %parallel_loop3A_264 = arith.index_cast %parallel_loop3A_263 : i32 to index
        %parallel_loop3A_265 = arith.index_cast %parallel_loop3A_262 : i32 to index
        %parallel_loop3A_266 = arith.constant 0 : index
        %parallel_loop3A_267 = tpu.vector_load %arg10[%parallel_loop3A_264, %parallel_loop3A_265, %parallel_loop3A_266] {strides = array<i32>} : memref<2x40x64xi32, #tpu.memory_space<vmem>>, vector<1x1x16xi32>,
        %parallel_loop3A_268 = vector.shape_cast %parallel_loop3A_267 : vector<1x1x16xi32> to vector<16xi32>
        %parallel_loop3A_269 = arith.constant 16 : i32
        %parallel_loop3A_270 = vector.broadcast %parallel_loop3A_269 : i32 to vector<16xi32>
        %parallel_loop3A_271 = arith.shli %parallel_loop3A_268, %parallel_loop3A_270 : vector<16xi32>
        %parallel_loop3A_272 = tpu.bitcast %parallel_loop3A_271 : vector<16xi32> -> vector<16xf32>
        %parallel_loop3A_273 = arith.constant -65536 : i32
        %parallel_loop3A_274 = vector.broadcast %parallel_loop3A_273 : i32 to vector<16xi32>
        %parallel_loop3A_275 = arith.andi %parallel_loop3A_268, %parallel_loop3A_274 : vector<16xi32>
        %parallel_loop3A_276 = tpu.bitcast %parallel_loop3A_275 : vector<16xi32> -> vector<16xf32>
        %parallel_loop3A_277 = arith.constant 0 : i32
        %parallel_loop3A_278 = arith.index_cast %parallel_loop3A_277 : i32 to index
        %parallel_loop3A_279 = arith.index_cast %parallel_loop3A_262 : i32 to index
        %parallel_loop3A_280 = arith.constant 0 : index
        %parallel_loop3A_281 = tpu.vector_load %arg9[%parallel_loop3A_278, %parallel_loop3A_279, %parallel_loop3A_280] {strides = array<i32>} : memref<2x40x128xf32, #tpu.memory_space<vmem>>, vector<1x1x16xf32>,
        %parallel_loop3A_282 = vector.shape_cast %parallel_loop3A_281 : vector<1x1x16xf32> to vector<16xf32>
        %parallel_loop3A_283 = arith.constant 0 : i32
        %parallel_loop3A_284 = arith.index_cast %parallel_loop3A_283 : i32 to index
        %parallel_loop3A_285 = arith.index_cast %parallel_loop3A_262 : i32 to index
        %parallel_loop3A_286 = arith.constant 16 : index
        %parallel_loop3A_287 = tpu.vector_load %arg9[%parallel_loop3A_284, %parallel_loop3A_285, %parallel_loop3A_286] {strides = array<i32>} : memref<2x40x128xf32, #tpu.memory_space<vmem>>, vector<1x1x16xf32>,
        %parallel_loop3A_288 = vector.shape_cast %parallel_loop3A_287 : vector<1x1x16xf32> to vector<16xf32>
        %parallel_loop3A_289 = arith.mulf %parallel_loop3A_272, %parallel_loop3A_282 : vector<16xf32>
        %parallel_loop3A_290 = arith.constant 0 : i32
        %parallel_loop3A_291 = arith.index_cast %parallel_loop3A_290 : i32 to index
        %parallel_loop3A_292 = arith.index_cast %parallel_loop3A_262 : i32 to index
        %parallel_loop3A_293 = arith.constant 0 : index
        %parallel_loop3A_294 = tpu.vector_load %arg11[%parallel_loop3A_291, %parallel_loop3A_292, %parallel_loop3A_293] {strides = array<i32>} : memref<2x40x128xf32, #tpu.memory_space<vmem>>, vector<1x1x16xf32>,
        %parallel_loop3A_295 = vector.shape_cast %parallel_loop3A_294 : vector<1x1x16xf32> to vector<16xf32>
        %parallel_loop3A_296 = vector.shape_cast %parallel_loop3A_289 : vector<16xf32> to vector<1x1x16xf32>
        tpu.vector_store %arg11[%parallel_loop3A_291, %parallel_loop3A_292, %parallel_loop3A_293], %parallel_loop3A_296 {strides = array<i32>} : memref<2x40x128xf32, #tpu.memory_space<vmem>>, vector<1x1x16xf32>,
        %parallel_loop3A_297 = arith.mulf %parallel_loop3A_276, %parallel_loop3A_288 : vector<16xf32>
        %parallel_loop3A_298 = arith.constant 0 : i32
        %parallel_loop3A_299 = arith.index_cast %parallel_loop3A_298 : i32 to index
        %parallel_loop3A_300 = arith.index_cast %parallel_loop3A_262 : i32 to index
        %parallel_loop3A_301 = arith.constant 16 : index
        %parallel_loop3A_302 = tpu.vector_load %arg11[%parallel_loop3A_299, %parallel_loop3A_300, %parallel_loop3A_301] {strides = array<i32>} : memref<2x40x128xf32, #tpu.memory_space<vmem>>, vector<1x1x16xf32>,
        %parallel_loop3A_303 = vector.shape_cast %parallel_loop3A_302 : vector<1x1x16xf32> to vector<16xf32>
        %parallel_loop3A_304 = vector.shape_cast %parallel_loop3A_297 : vector<16xf32> to vector<1x1x16xf32>
        tpu.vector_store %arg11[%parallel_loop3A_299, %parallel_loop3A_300, %parallel_loop3A_301], %parallel_loop3A_304 {strides = array<i32>} : memref<2x40x128xf32, #tpu.memory_space<vmem>>, vector<1x1x16xf32>,
        %parallel_loop3A_305 = arith.constant 0 : i32
        %parallel_loop3A_306 = arith.index_cast %parallel_loop3A_305 : i32 to index
        %parallel_loop3A_307 = arith.index_cast %parallel_loop3A_262 : i32 to index
        %parallel_loop3A_308 = arith.constant 16 : index
        %parallel_loop3A_309 = tpu.vector_load %arg10[%parallel_loop3A_306, %parallel_loop3A_307, %parallel_loop3A_308] {strides = array<i32>} : memref<2x40x64xi32, #tpu.memory_space<vmem>>, vector<1x1x16xi32>,
        %parallel_loop3A_310 = vector.shape_cast %parallel_loop3A_309 : vector<1x1x16xi32> to vector<16xi32>
        %parallel_loop3A_311 = arith.constant 16 : i32
        %parallel_loop3A_312 = vector.broadcast %parallel_loop3A_311 : i32 to vector<16xi32>
        %parallel_loop3A_313 = arith.shli %parallel_loop3A_310, %parallel_loop3A_312 : vector<16xi32>
        %parallel_loop3A_314 = tpu.bitcast %parallel_loop3A_313 : vector<16xi32> -> vector<16xf32>
        %parallel_loop3A_315 = arith.constant -65536 : i32
        %parallel_loop3A_316 = vector.broadcast %parallel_loop3A_315 : i32 to vector<16xi32>
        %parallel_loop3A_317 = arith.andi %parallel_loop3A_310, %parallel_loop3A_316 : vector<16xi32>
        %parallel_loop3A_318 = tpu.bitcast %parallel_loop3A_317 : vector<16xi32> -> vector<16xf32>
        %parallel_loop3A_319 = arith.constant 0 : i32
        %parallel_loop3A_320 = arith.index_cast %parallel_loop3A_319 : i32 to index
        %parallel_loop3A_321 = arith.index_cast %parallel_loop3A_262 : i32 to index
        %parallel_loop3A_322 = arith.constant 32 : index
        %parallel_loop3A_323 = tpu.vector_load %arg9[%parallel_loop3A_320, %parallel_loop3A_321, %parallel_loop3A_322] {strides = array<i32>} : memref<2x40x128xf32, #tpu.memory_space<vmem>>, vector<1x1x16xf32>,
        %parallel_loop3A_324 = vector.shape_cast %parallel_loop3A_323 : vector<1x1x16xf32> to vector<16xf32>
        %parallel_loop3A_325 = arith.constant 0 : i32
        %parallel_loop3A_326 = arith.index_cast %parallel_loop3A_325 : i32 to index
        %parallel_loop3A_327 = arith.index_cast %parallel_loop3A_262 : i32 to index
        %parallel_loop3A_328 = arith.constant 48 : index
        %parallel_loop3A_329 = tpu.vector_load %arg9[%parallel_loop3A_326, %parallel_loop3A_327, %parallel_loop3A_328] {strides = array<i32>} : memref<2x40x128xf32, #tpu.memory_space<vmem>>, vector<1x1x16xf32>,
        %parallel_loop3A_330 = vector.shape_cast %parallel_loop3A_329 : vector<1x1x16xf32> to vector<16xf32>
        %parallel_loop3A_331 = arith.mulf %parallel_loop3A_314, %parallel_loop3A_324 : vector<16xf32>
        %parallel_loop3A_332 = arith.constant 0 : i32
        %parallel_loop3A_333 = arith.index_cast %parallel_loop3A_332 : i32 to index
        %parallel_loop3A_334 = arith.index_cast %parallel_loop3A_262 : i32 to index
        %parallel_loop3A_335 = arith.constant 32 : index
        %parallel_loop3A_336 = tpu.vector_load %arg11[%parallel_loop3A_333, %parallel_loop3A_334, %parallel_loop3A_335] {strides = array<i32>} : memref<2x40x128xf32, #tpu.memory_space<vmem>>, vector<1x1x16xf32>,
        %parallel_loop3A_337 = vector.shape_cast %parallel_loop3A_336 : vector<1x1x16xf32> to vector<16xf32>
        %parallel_loop3A_338 = vector.shape_cast %parallel_loop3A_331 : vector<16xf32> to vector<1x1x16xf32>
        tpu.vector_store %arg11[%parallel_loop3A_333, %parallel_loop3A_334, %parallel_loop3A_335], %parallel_loop3A_338 {strides = array<i32>} : memref<2x40x128xf32, #tpu.memory_space<vmem>>, vector<1x1x16xf32>,
        %parallel_loop3A_339 = arith.mulf %parallel_loop3A_318, %parallel_loop3A_330 : vector<16xf32>
        %parallel_loop3A_340 = arith.constant 0 : i32
        %parallel_loop3A_341 = arith.index_cast %parallel_loop3A_340 : i32 to index
        %parallel_loop3A_342 = arith.index_cast %parallel_loop3A_262 : i32 to index
        %parallel_loop3A_343 = arith.constant 48 : index
        %parallel_loop3A_344 = tpu.vector_load %arg11[%parallel_loop3A_341, %parallel_loop3A_342, %parallel_loop3A_343] {strides = array<i32>} : memref<2x40x128xf32, #tpu.memory_space<vmem>>, vector<1x1x16xf32>,
        %parallel_loop3A_345 = vector.shape_cast %parallel_loop3A_344 : vector<1x1x16xf32> to vector<16xf32>
        %parallel_loop3A_346 = vector.shape_cast %parallel_loop3A_339 : vector<16xf32> to vector<1x1x16xf32>
        tpu.vector_store %arg11[%parallel_loop3A_341, %parallel_loop3A_342, %parallel_loop3A_343], %parallel_loop3A_346 {strides = array<i32>} : memref<2x40x128xf32, #tpu.memory_space<vmem>>, vector<1x1x16xf32>,
        %parallel_loop3A_347 = arith.constant 0 : i32
        %parallel_loop3A_348 = arith.index_cast %parallel_loop3A_347 : i32 to index
        %parallel_loop3A_349 = arith.index_cast %parallel_loop3A_262 : i32 to index
        %parallel_loop3A_350 = arith.constant 32 : index
        %parallel_loop3A_351 = tpu.vector_load %arg10[%parallel_loop3A_348, %parallel_loop3A_349, %parallel_loop3A_350] {strides = array<i32>} : memref<2x40x64xi32, #tpu.memory_space<vmem>>, vector<1x1x16xi32>,
        %parallel_loop3A_352 = vector.shape_cast %parallel_loop3A_351 : vector<1x1x16xi32> to vector<16xi32>
        %parallel_loop3A_353 = arith.constant 16 : i32
        %parallel_loop3A_354 = vector.broadcast %parallel_loop3A_353 : i32 to vector<16xi32>
        %parallel_loop3A_355 = arith.shli %parallel_loop3A_352, %parallel_loop3A_354 : vector<16xi32>
        %parallel_loop3A_356 = tpu.bitcast %parallel_loop3A_355 : vector<16xi32> -> vector<16xf32>
        %parallel_loop3A_357 = arith.constant -65536 : i32
        %parallel_loop3A_358 = vector.broadcast %parallel_loop3A_357 : i32 to vector<16xi32>
        %parallel_loop3A_359 = arith.andi %parallel_loop3A_352, %parallel_loop3A_358 : vector<16xi32>
        %parallel_loop3A_360 = tpu.bitcast %parallel_loop3A_359 : vector<16xi32> -> vector<16xf32>
        %parallel_loop3A_361 = arith.constant 0 : i32
        %parallel_loop3A_362 = arith.index_cast %parallel_loop3A_361 : i32 to index
        %parallel_loop3A_363 = arith.index_cast %parallel_loop3A_262 : i32 to index
        %parallel_loop3A_364 = arith.constant 64 : index
        %parallel_loop3A_365 = tpu.vector_load %arg9[%parallel_loop3A_362, %parallel_loop3A_363, %parallel_loop3A_364] {strides = array<i32>} : memref<2x40x128xf32, #tpu.memory_space<vmem>>, vector<1x1x16xf32>,
        %parallel_loop3A_366 = vector.shape_cast %parallel_loop3A_365 : vector<1x1x16xf32> to vector<16xf32>
        %parallel_loop3A_367 = arith.constant 0 : i32
        %parallel_loop3A_368 = arith.index_cast %parallel_loop3A_367 : i32 to index
        %parallel_loop3A_369 = arith.index_cast %parallel_loop3A_262 : i32 to index
        %parallel_loop3A_370 = arith.constant 80 : index
        %parallel_loop3A_371 = tpu.vector_load %arg9[%parallel_loop3A_368, %parallel_loop3A_369, %parallel_loop3A_370] {strides = array<i32>} : memref<2x40x128xf32, #tpu.memory_space<vmem>>, vector<1x1x16xf32>,
        %parallel_loop3A_372 = vector.shape_cast %parallel_loop3A_371 : vector<1x1x16xf32> to vector<16xf32>
        %parallel_loop3A_373 = arith.mulf %parallel_loop3A_356, %parallel_loop3A_366 : vector<16xf32>
        %parallel_loop3A_374 = arith.constant 0 : i32
        %parallel_loop3A_375 = arith.index_cast %parallel_loop3A_374 : i32 to index
        %parallel_loop3A_376 = arith.index_cast %parallel_loop3A_262 : i32 to index
        %parallel_loop3A_377 = arith.constant 64 : index
        %parallel_loop3A_378 = tpu.vector_load %arg11[%parallel_loop3A_375, %parallel_loop3A_376, %parallel_loop3A_377] {strides = array<i32>} : memref<2x40x128xf32, #tpu.memory_space<vmem>>, vector<1x1x16xf32>,
        %parallel_loop3A_379 = vector.shape_cast %parallel_loop3A_378 : vector<1x1x16xf32> to vector<16xf32>
        %parallel_loop3A_380 = vector.shape_cast %parallel_loop3A_373 : vector<16xf32> to vector<1x1x16xf32>
        tpu.vector_store %arg11[%parallel_loop3A_375, %parallel_loop3A_376, %parallel_loop3A_377], %parallel_loop3A_380 {strides = array<i32>} : memref<2x40x128xf32, #tpu.memory_space<vmem>>, vector<1x1x16xf32>,
        %parallel_loop3A_381 = arith.mulf %parallel_loop3A_360, %parallel_loop3A_372 : vector<16xf32>
        %parallel_loop3A_382 = arith.constant 0 : i32
        %parallel_loop3A_383 = arith.index_cast %parallel_loop3A_382 : i32 to index
        %parallel_loop3A_384 = arith.index_cast %parallel_loop3A_262 : i32 to index
        %parallel_loop3A_385 = arith.constant 80 : index
        %parallel_loop3A_386 = tpu.vector_load %arg11[%parallel_loop3A_383, %parallel_loop3A_384, %parallel_loop3A_385] {strides = array<i32>} : memref<2x40x128xf32, #tpu.memory_space<vmem>>, vector<1x1x16xf32>,
        %parallel_loop3A_387 = vector.shape_cast %parallel_loop3A_386 : vector<1x1x16xf32> to vector<16xf32>
        %parallel_loop3A_388 = vector.shape_cast %parallel_loop3A_381 : vector<16xf32> to vector<1x1x16xf32>
        tpu.vector_store %arg11[%parallel_loop3A_383, %parallel_loop3A_384, %parallel_loop3A_385], %parallel_loop3A_388 {strides = array<i32>} : memref<2x40x128xf32, #tpu.memory_space<vmem>>, vector<1x1x16xf32>,
        %parallel_loop3A_389 = arith.constant 0 : i32
        %parallel_loop3A_390 = arith.index_cast %parallel_loop3A_389 : i32 to index
        %parallel_loop3A_391 = arith.index_cast %parallel_loop3A_262 : i32 to index
        %parallel_loop3A_392 = arith.constant 48 : index
        %parallel_loop3A_393 = tpu.vector_load %arg10[%parallel_loop3A_390, %parallel_loop3A_391, %parallel_loop3A_392] {strides = array<i32>} : memref<2x40x64xi32, #tpu.memory_space<vmem>>, vector<1x1x16xi32>,
        %parallel_loop3A_394 = vector.shape_cast %parallel_loop3A_393 : vector<1x1x16xi32> to vector<16xi32>
        %parallel_loop3A_395 = arith.constant 16 : i32
        %parallel_loop3A_396 = vector.broadcast %parallel_loop3A_395 : i32 to vector<16xi32>
        %parallel_loop3A_397 = arith.shli %parallel_loop3A_394, %parallel_loop3A_396 : vector<16xi32>
        %parallel_loop3A_398 = tpu.bitcast %parallel_loop3A_397 : vector<16xi32> -> vector<16xf32>
        %parallel_loop3A_399 = arith.constant -65536 : i32
        %parallel_loop3A_400 = vector.broadcast %parallel_loop3A_399 : i32 to vector<16xi32>
        %parallel_loop3A_401 = arith.andi %parallel_loop3A_394, %parallel_loop3A_400 : vector<16xi32>
        %parallel_loop3A_402 = tpu.bitcast %parallel_loop3A_401 : vector<16xi32> -> vector<16xf32>
        %parallel_loop3A_403 = arith.constant 0 : i32
        %parallel_loop3A_404 = arith.index_cast %parallel_loop3A_403 : i32 to index
        %parallel_loop3A_405 = arith.index_cast %parallel_loop3A_262 : i32 to index
        %parallel_loop3A_406 = arith.constant 96 : index
        %parallel_loop3A_407 = tpu.vector_load %arg9[%parallel_loop3A_404, %parallel_loop3A_405, %parallel_loop3A_406] {strides = array<i32>} : memref<2x40x128xf32, #tpu.memory_space<vmem>>, vector<1x1x16xf32>,
        %parallel_loop3A_408 = vector.shape_cast %parallel_loop3A_407 : vector<1x1x16xf32> to vector<16xf32>
        %parallel_loop3A_409 = arith.constant 0 : i32
        %parallel_loop3A_410 = arith.index_cast %parallel_loop3A_409 : i32 to index
        %parallel_loop3A_411 = arith.index_cast %parallel_loop3A_262 : i32 to index
        %parallel_loop3A_412 = arith.constant 112 : index
        %parallel_loop3A_413 = tpu.vector_load %arg9[%parallel_loop3A_410, %parallel_loop3A_411, %parallel_loop3A_412] {strides = array<i32>} : memref<2x40x128xf32, #tpu.memory_space<vmem>>, vector<1x1x16xf32>,
        %parallel_loop3A_414 = vector.shape_cast %parallel_loop3A_413 : vector<1x1x16xf32> to vector<16xf32>
        %parallel_loop3A_415 = arith.mulf %parallel_loop3A_398, %parallel_loop3A_408 : vector<16xf32>
        %parallel_loop3A_416 = arith.constant 0 : i32
        %parallel_loop3A_417 = arith.index_cast %parallel_loop3A_416 : i32 to index
        %parallel_loop3A_418 = arith.index_cast %parallel_loop3A_262 : i32 to index
        %parallel_loop3A_419 = arith.constant 96 : index
        %parallel_loop3A_420 = tpu.vector_load %arg11[%parallel_loop3A_417, %parallel_loop3A_418, %parallel_loop3A_419] {strides = array<i32>} : memref<2x40x128xf32, #tpu.memory_space<vmem>>, vector<1x1x16xf32>,
        %parallel_loop3A_421 = vector.shape_cast %parallel_loop3A_420 : vector<1x1x16xf32> to vector<16xf32>
        %parallel_loop3A_422 = vector.shape_cast %parallel_loop3A_415 : vector<16xf32> to vector<1x1x16xf32>
        tpu.vector_store %arg11[%parallel_loop3A_417, %parallel_loop3A_418, %parallel_loop3A_419], %parallel_loop3A_422 {strides = array<i32>} : memref<2x40x128xf32, #tpu.memory_space<vmem>>, vector<1x1x16xf32>,
        %parallel_loop3A_423 = arith.mulf %parallel_loop3A_402, %parallel_loop3A_414 : vector<16xf32>
        %parallel_loop3A_424 = arith.constant 0 : i32
        %parallel_loop3A_425 = arith.index_cast %parallel_loop3A_424 : i32 to index
        %parallel_loop3A_426 = arith.index_cast %parallel_loop3A_262 : i32 to index
        %parallel_loop3A_427 = arith.constant 112 : index
        %parallel_loop3A_428 = tpu.vector_load %arg11[%parallel_loop3A_425, %parallel_loop3A_426, %parallel_loop3A_427] {strides = array<i32>} : memref<2x40x128xf32, #tpu.memory_space<vmem>>, vector<1x1x16xf32>,
        %parallel_loop3A_429 = vector.shape_cast %parallel_loop3A_428 : vector<1x1x16xf32> to vector<16xf32>
        %parallel_loop3A_430 = vector.shape_cast %parallel_loop3A_423 : vector<16xf32> to vector<1x1x16xf32>
        tpu.vector_store %arg11[%parallel_loop3A_425, %parallel_loop3A_426, %parallel_loop3A_427], %parallel_loop3A_430 {strides = array<i32>} : memref<2x40x128xf32, #tpu.memory_space<vmem>>, vector<1x1x16xf32>,
      } {sc.loop_unroll_factor = 1 : i64, sc.parallel_access}
      %add3A_160 = arith.constant 2 : i32
      %add3A_161 = arith.addi %add3A_125, %add3A_160 : i32
      %lt3A_162 = arith.constant 250 : i32
      %lt3A_163 = arith.cmpi slt, %add3A_161, %lt3A_162 : i32
      %convert_element_type3A_164 = arith.extui %lt3A_163 : i1 to i32
      %cond3A_165 = arith.constant 0 : i32
      %cond3A_166 = arith.cmpi ne, %convert_element_type3A_164, %cond3A_165 : i32
      scf.if %cond3A_166 {
        %add3A_262 = arith.constant 2 : i32
        %add3A_263 = arith.addi %add3A_125, %add3A_262 : i32
        %mul3A_264 = arith.constant 40 : i32
        %mul3A_265 = arith.muli %add3A_263, %mul3A_264 : i32
        %dma_start3A_266 = arith.constant 0 : i32
        %dma_start3A_267 = arith.constant 0 : i32
        %dma_start3A_268 = arith.constant 0 : i32
        %dma_start3A_269 = tpu.memref_slice %arg9[%dma_start3A_266, %dma_start3A_267, %dma_start3A_268] : memref<2x40x128xf32, #tpu.memory_space<vmem>> -> memref<1x40x128xf32, #tpu.memory_space<vmem>>
        %dma_start3A_270 = tpu.memref_squeeze %dma_start3A_269 : memref<1x40x128xf32, #tpu.memory_space<vmem>> -> memref<40x128xf32, #tpu.memory_space<vmem>>
        %dma_start3A_271 = tpu.memref_slice %arg7[%mul3A_265] : memref<10000xi32, #tpu.memory_space<vmem>> -> memref<40xi32, #tpu.memory_space<vmem>>
        %dma_start3A_272 = arith.constant 0 : i32
        %dma_start3A_273 = arith.constant 0 : i32
        %dma_start3A_274 = tpu.memref_slice %arg3[%dma_start3A_272, %dma_start3A_273] : memref<10000x128xf32, #tpu.memory_space<hbm>> -> memref<10000x128xf32, #tpu.memory_space<hbm>>
        tpu.enqueue_indirect_dma source(%dma_start3A_274 : memref<10000x128xf32, #tpu.memory_space<hbm>>) target(%dma_start3A_270 : memref<40x128xf32, #tpu.memory_space<vmem>>) offsets(%dma_start3A_271 : memref<40xi32, #tpu.memory_space<vmem>>) semaphore(%arg13 : memref<!tpu.dma_semaphore, #tpu.memory_space<semaphore_mem>>)
        %mul3A_275 = arith.constant 40 : i32
        %mul3A_276 = arith.muli %add3A_263, %mul3A_275 : i32
        %add3A_277 = arith.addi %mul3A_2, %mul3A_276 : i32
        %multiple_of3A_278 = tpu.assume_multiple %add3A_277, 8 : i32
        %dma_start3A_279 = arith.constant 0 : i32
        %dma_start3A_280 = arith.constant 0 : i32
        %dma_start3A_281 = arith.constant 0 : i32
        %dma_start3A_282 = tpu.memref_slice %arg10[%dma_start3A_279, %dma_start3A_280, %dma_start3A_281] : memref<2x40x64xi32, #tpu.memory_space<vmem>> -> memref<1x40x64xi32, #tpu.memory_space<vmem>>
        %dma_start3A_283 = tpu.memref_squeeze %dma_start3A_282 : memref<1x40x64xi32, #tpu.memory_space<vmem>> -> memref<40x64xi32, #tpu.memory_space<vmem>>
        %dma_start3A_284 = arith.constant 0 : i32
        %dma_start3A_285 = tpu.memref_slice %arg2[%multiple_of3A_278, %dma_start3A_284] : memref<320000x64xi32, #tpu.memory_space<hbm>> -> memref<40x64xi32, #tpu.memory_space<hbm>>
        %dma_start3A_286 = arith.constant 0 : i32
        %dma_start3A_287 = arith.constant 0 : i32
        %dma_start3A_288 = tpu.memref_slice %arg10[%dma_start3A_279, %dma_start3A_286, %dma_start3A_287] : memref<2x40x64xi32, #tpu.memory_space<vmem>> -> memref<1x40x64xi32, #tpu.memory_space<vmem>>
        %dma_start3A_289 = tpu.memref_squeeze %dma_start3A_288 : memref<1x40x64xi32, #tpu.memory_space<vmem>> -> memref<40x64xi32, #tpu.memory_space<vmem>>
        %dma_start3A_290 = arith.constant 0 : i32
        %dma_start3A_291 = tpu.memref_slice %arg2[%multiple_of3A_278, %dma_start3A_290] : memref<320000x64xi32, #tpu.memory_space<hbm>> -> memref<40x64xi32, #tpu.memory_space<hbm>>
        tpu.enqueue_dma source(%dma_start3A_291 : memref<40x64xi32, #tpu.memory_space<hbm>>) target(%dma_start3A_289 : memref<40x64xi32, #tpu.memory_space<vmem>>) target_semaphore(%arg15 : memref<!tpu.dma_semaphore, #tpu.memory_space<semaphore_mem>>)
      } else {
      }
      %mul3A_167 = arith.constant 40 : i32
      %mul3A_168 = arith.muli %add3A_125, %mul3A_167 : i32
      %add3A_169 = arith.addi %mul3A_2, %mul3A_168 : i32
      %multiple_of3A_170 = tpu.assume_multiple %add3A_169, 8 : i32
      %dma_wait3A_171 = arith.constant 0 : i32
      %dma_wait3A_172 = arith.constant 0 : i32
      %dma_wait3A_173 = tpu.memref_slice %arg8[%dma_wait3A_171, %dma_wait3A_172] : memref<2x40xi32, #tpu.memory_space<vmem>> -> memref<1x40xi32, #tpu.memory_space<vmem>>
      %dma_wait3A_174 = tpu.memref_squeeze %dma_wait3A_173 : memref<1x40xi32, #tpu.memory_space<vmem>> -> memref<40xi32, #tpu.memory_space<vmem>>
      %dma_wait3A_175 = tpu.memref_slice %arg4[%multiple_of3A_170] : memref<320000xi32, #tpu.memory_space<hbm>> -> memref<40xi32, #tpu.memory_space<hbm>>
      %dma_wait3A_176 = arith.constant 0 : i32
      %dma_wait3A_177 = tpu.memref_slice %arg8[%dma_wait3A_171, %dma_wait3A_176] : memref<2x40xi32, #tpu.memory_space<vmem>> -> memref<1x40xi32, #tpu.memory_space<vmem>>
      %dma_wait3A_178 = tpu.memref_squeeze %dma_wait3A_177 : memref<1x40xi32, #tpu.memory_space<vmem>> -> memref<40xi32, #tpu.memory_space<vmem>>
      %dma_wait3A_179 = tpu.memref_slice %arg4[%multiple_of3A_170] : memref<320000xi32, #tpu.memory_space<hbm>> -> memref<40xi32, #tpu.memory_space<hbm>>
      tpu.wait_dma2 semaphore(%arg19 : memref<!tpu.dma_semaphore, #tpu.memory_space<semaphore_mem>>) src(%dma_wait3A_179 : memref<40xi32, #tpu.memory_space<hbm>>) dst(%dma_wait3A_178 : memref<40xi32, #tpu.memory_space<vmem>>)
      %dma_start3A_180 = arith.constant 0 : i32
      %dma_start3A_181 = arith.constant 0 : i32
      %dma_start3A_182 = arith.constant 0 : i32
      %dma_start3A_183 = arith.constant 0 : i32
      %dma_start3A_184 = tpu.memref_slice %arg11[%dma_start3A_180, %dma_start3A_182, %dma_start3A_183] : memref<2x40x128xf32, #tpu.memory_space<vmem>> -> memref<1x40x128xf32, #tpu.memory_space<vmem>>
      %dma_start3A_185 = tpu.memref_squeeze %dma_start3A_184 : memref<1x40x128xf32, #tpu.memory_space<vmem>> -> memref<40x128xf32, #tpu.memory_space<vmem>>
      %dma_start3A_186 = arith.constant 0 : i32
      %dma_start3A_187 = tpu.memref_slice %arg8[%dma_start3A_181, %dma_start3A_186] : memref<2x40xi32, #tpu.memory_space<vmem>> -> memref<1x40xi32, #tpu.memory_space<vmem>>
      %dma_start3A_188 = tpu.memref_squeeze %dma_start3A_187 : memref<1x40xi32, #tpu.memory_space<vmem>> -> memref<40xi32, #tpu.memory_space<vmem>>
      %dma_start3A_189 = arith.constant 0 : i32
      %dma_start3A_190 = arith.constant 0 : i32
      %dma_start3A_191 = tpu.memref_slice %arg12[%dma_start3A_189, %dma_start3A_190] : memref<10000x128xf32, #tpu.memory_space<vmem_shared>> -> memref<10000x128xf32, #tpu.memory_space<vmem_shared>>
      tpu.enqueue_indirect_dma source(%dma_start3A_185 : memref<40x128xf32, #tpu.memory_space<vmem>>) target(%dma_start3A_191 : memref<10000x128xf32, #tpu.memory_space<vmem_shared>>) offsets(%dma_start3A_188 : memref<40xi32, #tpu.memory_space<vmem>>) semaphore(%arg17 : memref<!tpu.dma_semaphore, #tpu.memory_space<semaphore_mem>>) {add = true}
      %add3A_192 = arith.constant 1 : i32
      %add3A_193 = arith.addi %mul3A_123, %add3A_192 : i32
      %mul3A_194 = arith.constant 40 : i32
      %mul3A_195 = arith.muli %add3A_193, %mul3A_194 : i32
      %dma_wait3A_196 = arith.constant 1 : i32
      %dma_wait3A_197 = arith.constant 0 : i32
      %dma_wait3A_198 = arith.constant 0 : i32
      %dma_wait3A_199 = tpu.memref_slice %arg9[%dma_wait3A_196, %dma_wait3A_197, %dma_wait3A_198] : memref<2x40x128xf32, #tpu.memory_space<vmem>> -> memref<1x40x128xf32, #tpu.memory_space<vmem>>
      %dma_wait3A_200 = tpu.memref_squeeze %dma_wait3A_199 : memref<1x40x128xf32, #tpu.memory_space<vmem>> -> memref<40x128xf32, #tpu.memory_space<vmem>>
      %dma_wait3A_201 = tpu.memref_slice %arg7[%mul3A_195] : memref<10000xi32, #tpu.memory_space<vmem>> -> memref<40xi32, #tpu.memory_space<vmem>>
      %dma_wait3A_202 = arith.constant 0 : i32
      %dma_wait3A_203 = arith.constant 0 : i32
      %dma_wait3A_204 = tpu.memref_slice %arg3[%dma_wait3A_202, %dma_wait3A_203] : memref<10000x128xf32, #tpu.memory_space<hbm>> -> memref<10000x128xf32, #tpu.memory_space<hbm>>
      tpu.wait_indirect_dma semaphore(%arg14 : memref<!tpu.dma_semaphore, #tpu.memory_space<semaphore_mem>>) src(%dma_wait3A_204 : memref<10000x128xf32, #tpu.memory_space<hbm>>) dst(%dma_wait3A_200 : memref<40x128xf32, #tpu.memory_space<vmem>>)
      %mul3A_205 = arith.constant 40 : i32
      %mul3A_206 = arith.muli %add3A_193, %mul3A_205 : i32
      %add3A_207 = arith.addi %mul3A_2, %mul3A_206 : i32
      %multiple_of3A_208 = tpu.assume_multiple %add3A_207, 8 : i32
      %dma_wait3A_209 = arith.constant 1 : i32
      %dma_wait3A_210 = arith.constant 0 : i32
      %dma_wait3A_211 = arith.constant 0 : i32
      %dma_wait3A_212 = tpu.memref_slice %arg10[%dma_wait3A_209, %dma_wait3A_210, %dma_wait3A_211] : memref<2x40x64xi32, #tpu.memory_space<vmem>> -> memref<1x40x64xi32, #tpu.memory_space<vmem>>
      %dma_wait3A_213 = tpu.memref_squeeze %dma_wait3A_212 : memref<1x40x64xi32, #tpu.memory_space<vmem>> -> memref<40x64xi32, #tpu.memory_space<vmem>>
      %dma_wait3A_214 = arith.constant 0 : i32
      %dma_wait3A_215 = tpu.memref_slice %arg2[%multiple_of3A_208, %dma_wait3A_214] : memref<320000x64xi32, #tpu.memory_space<hbm>> -> memref<40x64xi32, #tpu.memory_space<hbm>>
      %dma_wait3A_216 = arith.constant 0 : i32
      %dma_wait3A_217 = arith.constant 0 : i32
      %dma_wait3A_218 = tpu.memref_slice %arg10[%dma_wait3A_209, %dma_wait3A_216, %dma_wait3A_217] : memref<2x40x64xi32, #tpu.memory_space<vmem>> -> memref<1x40x64xi32, #tpu.memory_space<vmem>>
      %dma_wait3A_219 = tpu.memref_squeeze %dma_wait3A_218 : memref<1x40x64xi32, #tpu.memory_space<vmem>> -> memref<40x64xi32, #tpu.memory_space<vmem>>
      %dma_wait3A_220 = arith.constant 0 : i32
      %dma_wait3A_221 = tpu.memref_slice %arg2[%multiple_of3A_208, %dma_wait3A_220] : memref<320000x64xi32, #tpu.memory_space<hbm>> -> memref<40x64xi32, #tpu.memory_space<hbm>>
      tpu.wait_dma2 semaphore(%arg16 : memref<!tpu.dma_semaphore, #tpu.memory_space<semaphore_mem>>) src(%dma_wait3A_221 : memref<40x64xi32, #tpu.memory_space<hbm>>) dst(%dma_wait3A_219 : memref<40x64xi32, #tpu.memory_space<vmem>>)
      %ge3A_222 = arith.constant 2 : i32
      %ge3A_223 = arith.cmpi sge, %add3A_193, %ge3A_222 : i32
      %convert_element_type3A_224 = arith.extui %ge3A_223 : i1 to i32
      %cond3A_225 = arith.constant 0 : i32
      %cond3A_226 = arith.cmpi ne, %convert_element_type3A_224, %cond3A_225 : i32
      scf.if %cond3A_226 {
        %dma_wait3A_262 = arith.constant 1 : i32
        %dma_wait3A_263 = arith.constant 1 : i32
        %dma_wait3A_264 = arith.constant 0 : i32
        %dma_wait3A_265 = arith.constant 0 : i32
        %dma_wait3A_266 = tpu.memref_slice %arg11[%dma_wait3A_262, %dma_wait3A_264, %dma_wait3A_265] : memref<2x40x128xf32, #tpu.memory_space<vmem>> -> memref<1x40x128xf32, #tpu.memory_space<vmem>>
        %dma_wait3A_267 = tpu.memref_squeeze %dma_wait3A_266 : memref<1x40x128xf32, #tpu.memory_space<vmem>> -> memref<40x128xf32, #tpu.memory_space<vmem>>
        %dma_wait3A_268 = arith.constant 0 : i32
        %dma_wait3A_269 = tpu.memref_slice %arg8[%dma_wait3A_263, %dma_wait3A_268] : memref<2x40xi32, #tpu.memory_space<vmem>> -> memref<1x40xi32, #tpu.memory_space<vmem>>
        %dma_wait3A_270 = tpu.memref_squeeze %dma_wait3A_269 : memref<1x40xi32, #tpu.memory_space<vmem>> -> memref<40xi32, #tpu.memory_space<vmem>>
        %dma_wait3A_271 = arith.constant 0 : i32
        %dma_wait3A_272 = arith.constant 0 : i32
        %dma_wait3A_273 = tpu.memref_slice %arg12[%dma_wait3A_271, %dma_wait3A_272] : memref<10000x128xf32, #tpu.memory_space<vmem_shared>> -> memref<10000x128xf32, #tpu.memory_space<vmem_shared>>
        tpu.wait_indirect_dma semaphore(%arg18 : memref<!tpu.dma_semaphore, #tpu.memory_space<semaphore_mem>>) src(%dma_wait3A_267 : memref<40x128xf32, #tpu.memory_space<vmem>>) dst(%dma_wait3A_273 : memref<10000x128xf32, #tpu.memory_space<vmem_shared>>)
        %mul3A_274 = arith.constant 40 : i32
        %mul3A_275 = arith.muli %add3A_193, %mul3A_274 : i32
        %add3A_276 = arith.addi %mul3A_2, %mul3A_275 : i32
        %multiple_of3A_277 = tpu.assume_multiple %add3A_276, 8 : i32
        %dma_start3A_278 = arith.constant 1 : i32
        %dma_start3A_279 = arith.constant 0 : i32
        %dma_start3A_280 = tpu.memref_slice %arg8[%dma_start3A_278, %dma_start3A_279] : memref<2x40xi32, #tpu.memory_space<vmem>> -> memref<1x40xi32, #tpu.memory_space<vmem>>
        %dma_start3A_281 = tpu.memref_squeeze %dma_start3A_280 : memref<1x40xi32, #tpu.memory_space<vmem>> -> memref<40xi32, #tpu.memory_space<vmem>>
        %dma_start3A_282 = tpu.memref_slice %arg4[%multiple_of3A_277] : memref<320000xi32, #tpu.memory_space<hbm>> -> memref<40xi32, #tpu.memory_space<hbm>>
        %dma_start3A_283 = arith.constant 0 : i32
        %dma_start3A_284 = tpu.memref_slice %arg8[%dma_start3A_278, %dma_start3A_283] : memref<2x40xi32, #tpu.memory_space<vmem>> -> memref<1x40xi32, #tpu.memory_space<vmem>>
        %dma_start3A_285 = tpu.memref_squeeze %dma_start3A_284 : memref<1x40xi32, #tpu.memory_space<vmem>> -> memref<40xi32, #tpu.memory_space<vmem>>
        %dma_start3A_286 = tpu.memref_slice %arg4[%multiple_of3A_277] : memref<320000xi32, #tpu.memory_space<hbm>> -> memref<40xi32, #tpu.memory_space<hbm>>
        tpu.enqueue_dma source(%dma_start3A_286 : memref<40xi32, #tpu.memory_space<hbm>>) target(%dma_start3A_285 : memref<40xi32, #tpu.memory_space<vmem>>) target_semaphore(%arg20 : memref<!tpu.dma_semaphore, #tpu.memory_space<semaphore_mem>>)
      } else {
      }
      %parallel_loop3A_227 = arith.constant 0 : i32
      %parallel_loop3A_228 = arith.constant 40 : i32
      %parallel_loop3A_229 = arith.constant 1 : i32
      scf.for %parallel_loop3A_262 = %parallel_loop3A_227 to %parallel_loop3A_228 step %parallel_loop3A_229  : i32 {
        %parallel_loop3A_263 = arith.constant 1 : i32
        %parallel_loop3A_264 = arith.index_cast %parallel_loop3A_263 : i32 to index
        %parallel_loop3A_265 = arith.index_cast %parallel_loop3A_262 : i32 to index
        %parallel_loop3A_266 = arith.constant 0 : index
        %parallel_loop3A_267 = tpu.vector_load %arg10[%parallel_loop3A_264, %parallel_loop3A_265, %parallel_loop3A_266] {strides = array<i32>} : memref<2x40x64xi32, #tpu.memory_space<vmem>>, vector<1x1x16xi32>,
        %parallel_loop3A_268 = vector.shape_cast %parallel_loop3A_267 : vector<1x1x16xi32> to vector<16xi32>
        %parallel_loop3A_269 = arith.constant 16 : i32
        %parallel_loop3A_270 = vector.broadcast %parallel_loop3A_269 : i32 to vector<16xi32>
        %parallel_loop3A_271 = arith.shli %parallel_loop3A_268, %parallel_loop3A_270 : vector<16xi32>
        %parallel_loop3A_272 = tpu.bitcast %parallel_loop3A_271 : vector<16xi32> -> vector<16xf32>
        %parallel_loop3A_273 = arith.constant -65536 : i32
        %parallel_loop3A_274 = vector.broadcast %parallel_loop3A_273 : i32 to vector<16xi32>
        %parallel_loop3A_275 = arith.andi %parallel_loop3A_268, %parallel_loop3A_274 : vector<16xi32>
        %parallel_loop3A_276 = tpu.bitcast %parallel_loop3A_275 : vector<16xi32> -> vector<16xf32>
        %parallel_loop3A_277 = arith.constant 1 : i32
        %parallel_loop3A_278 = arith.index_cast %parallel_loop3A_277 : i32 to index
        %parallel_loop3A_279 = arith.index_cast %parallel_loop3A_262 : i32 to index
        %parallel_loop3A_280 = arith.constant 0 : index
        %parallel_loop3A_281 = tpu.vector_load %arg9[%parallel_loop3A_278, %parallel_loop3A_279, %parallel_loop3A_280] {strides = array<i32>} : memref<2x40x128xf32, #tpu.memory_space<vmem>>, vector<1x1x16xf32>,
        %parallel_loop3A_282 = vector.shape_cast %parallel_loop3A_281 : vector<1x1x16xf32> to vector<16xf32>
        %parallel_loop3A_283 = arith.constant 1 : i32
        %parallel_loop3A_284 = arith.index_cast %parallel_loop3A_283 : i32 to index
        %parallel_loop3A_285 = arith.index_cast %parallel_loop3A_262 : i32 to index
        %parallel_loop3A_286 = arith.constant 16 : index
        %parallel_loop3A_287 = tpu.vector_load %arg9[%parallel_loop3A_284, %parallel_loop3A_285, %parallel_loop3A_286] {strides = array<i32>} : memref<2x40x128xf32, #tpu.memory_space<vmem>>, vector<1x1x16xf32>,
        %parallel_loop3A_288 = vector.shape_cast %parallel_loop3A_287 : vector<1x1x16xf32> to vector<16xf32>
        %parallel_loop3A_289 = arith.mulf %parallel_loop3A_272, %parallel_loop3A_282 : vector<16xf32>
        %parallel_loop3A_290 = arith.constant 1 : i32
        %parallel_loop3A_291 = arith.index_cast %parallel_loop3A_290 : i32 to index
        %parallel_loop3A_292 = arith.index_cast %parallel_loop3A_262 : i32 to index
        %parallel_loop3A_293 = arith.constant 0 : index
        %parallel_loop3A_294 = tpu.vector_load %arg11[%parallel_loop3A_291, %parallel_loop3A_292, %parallel_loop3A_293] {strides = array<i32>} : memref<2x40x128xf32, #tpu.memory_space<vmem>>, vector<1x1x16xf32>,
        %parallel_loop3A_295 = vector.shape_cast %parallel_loop3A_294 : vector<1x1x16xf32> to vector<16xf32>
        %parallel_loop3A_296 = vector.shape_cast %parallel_loop3A_289 : vector<16xf32> to vector<1x1x16xf32>
        tpu.vector_store %arg11[%parallel_loop3A_291, %parallel_loop3A_292, %parallel_loop3A_293], %parallel_loop3A_296 {strides = array<i32>} : memref<2x40x128xf32, #tpu.memory_space<vmem>>, vector<1x1x16xf32>,
        %parallel_loop3A_297 = arith.mulf %parallel_loop3A_276, %parallel_loop3A_288 : vector<16xf32>
        %parallel_loop3A_298 = arith.constant 1 : i32
        %parallel_loop3A_299 = arith.index_cast %parallel_loop3A_298 : i32 to index
        %parallel_loop3A_300 = arith.index_cast %parallel_loop3A_262 : i32 to index
        %parallel_loop3A_301 = arith.constant 16 : index
        %parallel_loop3A_302 = tpu.vector_load %arg11[%parallel_loop3A_299, %parallel_loop3A_300, %parallel_loop3A_301] {strides = array<i32>} : memref<2x40x128xf32, #tpu.memory_space<vmem>>, vector<1x1x16xf32>,
        %parallel_loop3A_303 = vector.shape_cast %parallel_loop3A_302 : vector<1x1x16xf32> to vector<16xf32>
        %parallel_loop3A_304 = vector.shape_cast %parallel_loop3A_297 : vector<16xf32> to vector<1x1x16xf32>
        tpu.vector_store %arg11[%parallel_loop3A_299, %parallel_loop3A_300, %parallel_loop3A_301], %parallel_loop3A_304 {strides = array<i32>} : memref<2x40x128xf32, #tpu.memory_space<vmem>>, vector<1x1x16xf32>,
        %parallel_loop3A_305 = arith.constant 1 : i32
        %parallel_loop3A_306 = arith.index_cast %parallel_loop3A_305 : i32 to index
        %parallel_loop3A_307 = arith.index_cast %parallel_loop3A_262 : i32 to index
        %parallel_loop3A_308 = arith.constant 16 : index
        %parallel_loop3A_309 = tpu.vector_load %arg10[%parallel_loop3A_306, %parallel_loop3A_307, %parallel_loop3A_308] {strides = array<i32>} : memref<2x40x64xi32, #tpu.memory_space<vmem>>, vector<1x1x16xi32>,
        %parallel_loop3A_310 = vector.shape_cast %parallel_loop3A_309 : vector<1x1x16xi32> to vector<16xi32>
        %parallel_loop3A_311 = arith.constant 16 : i32
        %parallel_loop3A_312 = vector.broadcast %parallel_loop3A_311 : i32 to vector<16xi32>
        %parallel_loop3A_313 = arith.shli %parallel_loop3A_310, %parallel_loop3A_312 : vector<16xi32>
        %parallel_loop3A_314 = tpu.bitcast %parallel_loop3A_313 : vector<16xi32> -> vector<16xf32>
        %parallel_loop3A_315 = arith.constant -65536 : i32
        %parallel_loop3A_316 = vector.broadcast %parallel_loop3A_315 : i32 to vector<16xi32>
        %parallel_loop3A_317 = arith.andi %parallel_loop3A_310, %parallel_loop3A_316 : vector<16xi32>
        %parallel_loop3A_318 = tpu.bitcast %parallel_loop3A_317 : vector<16xi32> -> vector<16xf32>
        %parallel_loop3A_319 = arith.constant 1 : i32
        %parallel_loop3A_320 = arith.index_cast %parallel_loop3A_319 : i32 to index
        %parallel_loop3A_321 = arith.index_cast %parallel_loop3A_262 : i32 to index
        %parallel_loop3A_322 = arith.constant 32 : index
        %parallel_loop3A_323 = tpu.vector_load %arg9[%parallel_loop3A_320, %parallel_loop3A_321, %parallel_loop3A_322] {strides = array<i32>} : memref<2x40x128xf32, #tpu.memory_space<vmem>>, vector<1x1x16xf32>,
        %parallel_loop3A_324 = vector.shape_cast %parallel_loop3A_323 : vector<1x1x16xf32> to vector<16xf32>
        %parallel_loop3A_325 = arith.constant 1 : i32
        %parallel_loop3A_326 = arith.index_cast %parallel_loop3A_325 : i32 to index
        %parallel_loop3A_327 = arith.index_cast %parallel_loop3A_262 : i32 to index
        %parallel_loop3A_328 = arith.constant 48 : index
        %parallel_loop3A_329 = tpu.vector_load %arg9[%parallel_loop3A_326, %parallel_loop3A_327, %parallel_loop3A_328] {strides = array<i32>} : memref<2x40x128xf32, #tpu.memory_space<vmem>>, vector<1x1x16xf32>,
        %parallel_loop3A_330 = vector.shape_cast %parallel_loop3A_329 : vector<1x1x16xf32> to vector<16xf32>
        %parallel_loop3A_331 = arith.mulf %parallel_loop3A_314, %parallel_loop3A_324 : vector<16xf32>
        %parallel_loop3A_332 = arith.constant 1 : i32
        %parallel_loop3A_333 = arith.index_cast %parallel_loop3A_332 : i32 to index
        %parallel_loop3A_334 = arith.index_cast %parallel_loop3A_262 : i32 to index
        %parallel_loop3A_335 = arith.constant 32 : index
        %parallel_loop3A_336 = tpu.vector_load %arg11[%parallel_loop3A_333, %parallel_loop3A_334, %parallel_loop3A_335] {strides = array<i32>} : memref<2x40x128xf32, #tpu.memory_space<vmem>>, vector<1x1x16xf32>,
        %parallel_loop3A_337 = vector.shape_cast %parallel_loop3A_336 : vector<1x1x16xf32> to vector<16xf32>
        %parallel_loop3A_338 = vector.shape_cast %parallel_loop3A_331 : vector<16xf32> to vector<1x1x16xf32>
        tpu.vector_store %arg11[%parallel_loop3A_333, %parallel_loop3A_334, %parallel_loop3A_335], %parallel_loop3A_338 {strides = array<i32>} : memref<2x40x128xf32, #tpu.memory_space<vmem>>, vector<1x1x16xf32>,
        %parallel_loop3A_339 = arith.mulf %parallel_loop3A_318, %parallel_loop3A_330 : vector<16xf32>
        %parallel_loop3A_340 = arith.constant 1 : i32
        %parallel_loop3A_341 = arith.index_cast %parallel_loop3A_340 : i32 to index
        %parallel_loop3A_342 = arith.index_cast %parallel_loop3A_262 : i32 to index
        %parallel_loop3A_343 = arith.constant 48 : index
        %parallel_loop3A_344 = tpu.vector_load %arg11[%parallel_loop3A_341, %parallel_loop3A_342, %parallel_loop3A_343] {strides = array<i32>} : memref<2x40x128xf32, #tpu.memory_space<vmem>>, vector<1x1x16xf32>,
        %parallel_loop3A_345 = vector.shape_cast %parallel_loop3A_344 : vector<1x1x16xf32> to vector<16xf32>
        %parallel_loop3A_346 = vector.shape_cast %parallel_loop3A_339 : vector<16xf32> to vector<1x1x16xf32>
        tpu.vector_store %arg11[%parallel_loop3A_341, %parallel_loop3A_342, %parallel_loop3A_343], %parallel_loop3A_346 {strides = array<i32>} : memref<2x40x128xf32, #tpu.memory_space<vmem>>, vector<1x1x16xf32>,
        %parallel_loop3A_347 = arith.constant 1 : i32
        %parallel_loop3A_348 = arith.index_cast %parallel_loop3A_347 : i32 to index
        %parallel_loop3A_349 = arith.index_cast %parallel_loop3A_262 : i32 to index
        %parallel_loop3A_350 = arith.constant 32 : index
        %parallel_loop3A_351 = tpu.vector_load %arg10[%parallel_loop3A_348, %parallel_loop3A_349, %parallel_loop3A_350] {strides = array<i32>} : memref<2x40x64xi32, #tpu.memory_space<vmem>>, vector<1x1x16xi32>,
        %parallel_loop3A_352 = vector.shape_cast %parallel_loop3A_351 : vector<1x1x16xi32> to vector<16xi32>
        %parallel_loop3A_353 = arith.constant 16 : i32
        %parallel_loop3A_354 = vector.broadcast %parallel_loop3A_353 : i32 to vector<16xi32>
        %parallel_loop3A_355 = arith.shli %parallel_loop3A_352, %parallel_loop3A_354 : vector<16xi32>
        %parallel_loop3A_356 = tpu.bitcast %parallel_loop3A_355 : vector<16xi32> -> vector<16xf32>
        %parallel_loop3A_357 = arith.constant -65536 : i32
        %parallel_loop3A_358 = vector.broadcast %parallel_loop3A_357 : i32 to vector<16xi32>
        %parallel_loop3A_359 = arith.andi %parallel_loop3A_352, %parallel_loop3A_358 : vector<16xi32>
        %parallel_loop3A_360 = tpu.bitcast %parallel_loop3A_359 : vector<16xi32> -> vector<16xf32>
        %parallel_loop3A_361 = arith.constant 1 : i32
        %parallel_loop3A_362 = arith.index_cast %parallel_loop3A_361 : i32 to index
        %parallel_loop3A_363 = arith.index_cast %parallel_loop3A_262 : i32 to index
        %parallel_loop3A_364 = arith.constant 64 : index
        %parallel_loop3A_365 = tpu.vector_load %arg9[%parallel_loop3A_362, %parallel_loop3A_363, %parallel_loop3A_364] {strides = array<i32>} : memref<2x40x128xf32, #tpu.memory_space<vmem>>, vector<1x1x16xf32>,
        %parallel_loop3A_366 = vector.shape_cast %parallel_loop3A_365 : vector<1x1x16xf32> to vector<16xf32>
        %parallel_loop3A_367 = arith.constant 1 : i32
        %parallel_loop3A_368 = arith.index_cast %parallel_loop3A_367 : i32 to index
        %parallel_loop3A_369 = arith.index_cast %parallel_loop3A_262 : i32 to index
        %parallel_loop3A_370 = arith.constant 80 : index
        %parallel_loop3A_371 = tpu.vector_load %arg9[%parallel_loop3A_368, %parallel_loop3A_369, %parallel_loop3A_370] {strides = array<i32>} : memref<2x40x128xf32, #tpu.memory_space<vmem>>, vector<1x1x16xf32>,
        %parallel_loop3A_372 = vector.shape_cast %parallel_loop3A_371 : vector<1x1x16xf32> to vector<16xf32>
        %parallel_loop3A_373 = arith.mulf %parallel_loop3A_356, %parallel_loop3A_366 : vector<16xf32>
        %parallel_loop3A_374 = arith.constant 1 : i32
        %parallel_loop3A_375 = arith.index_cast %parallel_loop3A_374 : i32 to index
        %parallel_loop3A_376 = arith.index_cast %parallel_loop3A_262 : i32 to index
        %parallel_loop3A_377 = arith.constant 64 : index
        %parallel_loop3A_378 = tpu.vector_load %arg11[%parallel_loop3A_375, %parallel_loop3A_376, %parallel_loop3A_377] {strides = array<i32>} : memref<2x40x128xf32, #tpu.memory_space<vmem>>, vector<1x1x16xf32>,
        %parallel_loop3A_379 = vector.shape_cast %parallel_loop3A_378 : vector<1x1x16xf32> to vector<16xf32>
        %parallel_loop3A_380 = vector.shape_cast %parallel_loop3A_373 : vector<16xf32> to vector<1x1x16xf32>
        tpu.vector_store %arg11[%parallel_loop3A_375, %parallel_loop3A_376, %parallel_loop3A_377], %parallel_loop3A_380 {strides = array<i32>} : memref<2x40x128xf32, #tpu.memory_space<vmem>>, vector<1x1x16xf32>,
        %parallel_loop3A_381 = arith.mulf %parallel_loop3A_360, %parallel_loop3A_372 : vector<16xf32>
        %parallel_loop3A_382 = arith.constant 1 : i32
        %parallel_loop3A_383 = arith.index_cast %parallel_loop3A_382 : i32 to index
        %parallel_loop3A_384 = arith.index_cast %parallel_loop3A_262 : i32 to index
        %parallel_loop3A_385 = arith.constant 80 : index
        %parallel_loop3A_386 = tpu.vector_load %arg11[%parallel_loop3A_383, %parallel_loop3A_384, %parallel_loop3A_385] {strides = array<i32>} : memref<2x40x128xf32, #tpu.memory_space<vmem>>, vector<1x1x16xf32>,
        %parallel_loop3A_387 = vector.shape_cast %parallel_loop3A_386 : vector<1x1x16xf32> to vector<16xf32>
        %parallel_loop3A_388 = vector.shape_cast %parallel_loop3A_381 : vector<16xf32> to vector<1x1x16xf32>
        tpu.vector_store %arg11[%parallel_loop3A_383, %parallel_loop3A_384, %parallel_loop3A_385], %parallel_loop3A_388 {strides = array<i32>} : memref<2x40x128xf32, #tpu.memory_space<vmem>>, vector<1x1x16xf32>,
        %parallel_loop3A_389 = arith.constant 1 : i32
        %parallel_loop3A_390 = arith.index_cast %parallel_loop3A_389 : i32 to index
        %parallel_loop3A_391 = arith.index_cast %parallel_loop3A_262 : i32 to index
        %parallel_loop3A_392 = arith.constant 48 : index
        %parallel_loop3A_393 = tpu.vector_load %arg10[%parallel_loop3A_390, %parallel_loop3A_391, %parallel_loop3A_392] {strides = array<i32>} : memref<2x40x64xi32, #tpu.memory_space<vmem>>, vector<1x1x16xi32>,
        %parallel_loop3A_394 = vector.shape_cast %parallel_loop3A_393 : vector<1x1x16xi32> to vector<16xi32>
        %parallel_loop3A_395 = arith.constant 16 : i32
        %parallel_loop3A_396 = vector.broadcast %parallel_loop3A_395 : i32 to vector<16xi32>
        %parallel_loop3A_397 = arith.shli %parallel_loop3A_394, %parallel_loop3A_396 : vector<16xi32>
        %parallel_loop3A_398 = tpu.bitcast %parallel_loop3A_397 : vector<16xi32> -> vector<16xf32>
        %parallel_loop3A_399 = arith.constant -65536 : i32
        %parallel_loop3A_400 = vector.broadcast %parallel_loop3A_399 : i32 to vector<16xi32>
        %parallel_loop3A_401 = arith.andi %parallel_loop3A_394, %parallel_loop3A_400 : vector<16xi32>
        %parallel_loop3A_402 = tpu.bitcast %parallel_loop3A_401 : vector<16xi32> -> vector<16xf32>
        %parallel_loop3A_403 = arith.constant 1 : i32
        %parallel_loop3A_404 = arith.index_cast %parallel_loop3A_403 : i32 to index
        %parallel_loop3A_405 = arith.index_cast %parallel_loop3A_262 : i32 to index
        %parallel_loop3A_406 = arith.constant 96 : index
        %parallel_loop3A_407 = tpu.vector_load %arg9[%parallel_loop3A_404, %parallel_loop3A_405, %parallel_loop3A_406] {strides = array<i32>} : memref<2x40x128xf32, #tpu.memory_space<vmem>>, vector<1x1x16xf32>,
        %parallel_loop3A_408 = vector.shape_cast %parallel_loop3A_407 : vector<1x1x16xf32> to vector<16xf32>
        %parallel_loop3A_409 = arith.constant 1 : i32
        %parallel_loop3A_410 = arith.index_cast %parallel_loop3A_409 : i32 to index
        %parallel_loop3A_411 = arith.index_cast %parallel_loop3A_262 : i32 to index
        %parallel_loop3A_412 = arith.constant 112 : index
        %parallel_loop3A_413 = tpu.vector_load %arg9[%parallel_loop3A_410, %parallel_loop3A_411, %parallel_loop3A_412] {strides = array<i32>} : memref<2x40x128xf32, #tpu.memory_space<vmem>>, vector<1x1x16xf32>,
        %parallel_loop3A_414 = vector.shape_cast %parallel_loop3A_413 : vector<1x1x16xf32> to vector<16xf32>
        %parallel_loop3A_415 = arith.mulf %parallel_loop3A_398, %parallel_loop3A_408 : vector<16xf32>
        %parallel_loop3A_416 = arith.constant 1 : i32
        %parallel_loop3A_417 = arith.index_cast %parallel_loop3A_416 : i32 to index
        %parallel_loop3A_418 = arith.index_cast %parallel_loop3A_262 : i32 to index
        %parallel_loop3A_419 = arith.constant 96 : index
        %parallel_loop3A_420 = tpu.vector_load %arg11[%parallel_loop3A_417, %parallel_loop3A_418, %parallel_loop3A_419] {strides = array<i32>} : memref<2x40x128xf32, #tpu.memory_space<vmem>>, vector<1x1x16xf32>,
        %parallel_loop3A_421 = vector.shape_cast %parallel_loop3A_420 : vector<1x1x16xf32> to vector<16xf32>
        %parallel_loop3A_422 = vector.shape_cast %parallel_loop3A_415 : vector<16xf32> to vector<1x1x16xf32>
        tpu.vector_store %arg11[%parallel_loop3A_417, %parallel_loop3A_418, %parallel_loop3A_419], %parallel_loop3A_422 {strides = array<i32>} : memref<2x40x128xf32, #tpu.memory_space<vmem>>, vector<1x1x16xf32>,
        %parallel_loop3A_423 = arith.mulf %parallel_loop3A_402, %parallel_loop3A_414 : vector<16xf32>
        %parallel_loop3A_424 = arith.constant 1 : i32
        %parallel_loop3A_425 = arith.index_cast %parallel_loop3A_424 : i32 to index
        %parallel_loop3A_426 = arith.index_cast %parallel_loop3A_262 : i32 to index
        %parallel_loop3A_427 = arith.constant 112 : index
        %parallel_loop3A_428 = tpu.vector_load %arg11[%parallel_loop3A_425, %parallel_loop3A_426, %parallel_loop3A_427] {strides = array<i32>} : memref<2x40x128xf32, #tpu.memory_space<vmem>>, vector<1x1x16xf32>,
        %parallel_loop3A_429 = vector.shape_cast %parallel_loop3A_428 : vector<1x1x16xf32> to vector<16xf32>
        %parallel_loop3A_430 = vector.shape_cast %parallel_loop3A_423 : vector<16xf32> to vector<1x1x16xf32>
        tpu.vector_store %arg11[%parallel_loop3A_425, %parallel_loop3A_426, %parallel_loop3A_427], %parallel_loop3A_430 {strides = array<i32>} : memref<2x40x128xf32, #tpu.memory_space<vmem>>, vector<1x1x16xf32>,
      } {sc.loop_unroll_factor = 1 : i64, sc.parallel_access}
      %add3A_230 = arith.constant 2 : i32
      %add3A_231 = arith.addi %add3A_193, %add3A_230 : i32
      %lt3A_232 = arith.constant 250 : i32
      %lt3A_233 = arith.cmpi slt, %add3A_231, %lt3A_232 : i32
      %convert_element_type3A_234 = arith.extui %lt3A_233 : i1 to i32
      %cond3A_235 = arith.constant 0 : i32
      %cond3A_236 = arith.cmpi ne, %convert_element_type3A_234, %cond3A_235 : i32
      scf.if %cond3A_236 {
        %add3A_262 = arith.constant 2 : i32
        %add3A_263 = arith.addi %add3A_193, %add3A_262 : i32
        %mul3A_264 = arith.constant 40 : i32
        %mul3A_265 = arith.muli %add3A_263, %mul3A_264 : i32
        %dma_start3A_266 = arith.constant 1 : i32
        %dma_start3A_267 = arith.constant 0 : i32
        %dma_start3A_268 = arith.constant 0 : i32
        %dma_start3A_269 = tpu.memref_slice %arg9[%dma_start3A_266, %dma_start3A_267, %dma_start3A_268] : memref<2x40x128xf32, #tpu.memory_space<vmem>> -> memref<1x40x128xf32, #tpu.memory_space<vmem>>
        %dma_start3A_270 = tpu.memref_squeeze %dma_start3A_269 : memref<1x40x128xf32, #tpu.memory_space<vmem>> -> memref<40x128xf32, #tpu.memory_space<vmem>>
        %dma_start3A_271 = tpu.memref_slice %arg7[%mul3A_265] : memref<10000xi32, #tpu.memory_space<vmem>> -> memref<40xi32, #tpu.memory_space<vmem>>
        %dma_start3A_272 = arith.constant 0 : i32
        %dma_start3A_273 = arith.constant 0 : i32
        %dma_start3A_274 = tpu.memref_slice %arg3[%dma_start3A_272, %dma_start3A_273] : memref<10000x128xf32, #tpu.memory_space<hbm>> -> memref<10000x128xf32, #tpu.memory_space<hbm>>
        tpu.enqueue_indirect_dma source(%dma_start3A_274 : memref<10000x128xf32, #tpu.memory_space<hbm>>) target(%dma_start3A_270 : memref<40x128xf32, #tpu.memory_space<vmem>>) offsets(%dma_start3A_271 : memref<40xi32, #tpu.memory_space<vmem>>) semaphore(%arg14 : memref<!tpu.dma_semaphore, #tpu.memory_space<semaphore_mem>>)
        %mul3A_275 = arith.constant 40 : i32
        %mul3A_276 = arith.muli %add3A_263, %mul3A_275 : i32
        %add3A_277 = arith.addi %mul3A_2, %mul3A_276 : i32
        %multiple_of3A_278 = tpu.assume_multiple %add3A_277, 8 : i32
        %dma_start3A_279 = arith.constant 1 : i32
        %dma_start3A_280 = arith.constant 0 : i32
        %dma_start3A_281 = arith.constant 0 : i32
        %dma_start3A_282 = tpu.memref_slice %arg10[%dma_start3A_279, %dma_start3A_280, %dma_start3A_281] : memref<2x40x64xi32, #tpu.memory_space<vmem>> -> memref<1x40x64xi32, #tpu.memory_space<vmem>>
        %dma_start3A_283 = tpu.memref_squeeze %dma_start3A_282 : memref<1x40x64xi32, #tpu.memory_space<vmem>> -> memref<40x64xi32, #tpu.memory_space<vmem>>
        %dma_start3A_284 = arith.constant 0 : i32
        %dma_start3A_285 = tpu.memref_slice %arg2[%multiple_of3A_278, %dma_start3A_284] : memref<320000x64xi32, #tpu.memory_space<hbm>> -> memref<40x64xi32, #tpu.memory_space<hbm>>
        %dma_start3A_286 = arith.constant 0 : i32
        %dma_start3A_287 = arith.constant 0 : i32
        %dma_start3A_288 = tpu.memref_slice %arg10[%dma_start3A_279, %dma_start3A_286, %dma_start3A_287] : memref<2x40x64xi32, #tpu.memory_space<vmem>> -> memref<1x40x64xi32, #tpu.memory_space<vmem>>
        %dma_start3A_289 = tpu.memref_squeeze %dma_start3A_288 : memref<1x40x64xi32, #tpu.memory_space<vmem>> -> memref<40x64xi32, #tpu.memory_space<vmem>>
        %dma_start3A_290 = arith.constant 0 : i32
        %dma_start3A_291 = tpu.memref_slice %arg2[%multiple_of3A_278, %dma_start3A_290] : memref<320000x64xi32, #tpu.memory_space<hbm>> -> memref<40x64xi32, #tpu.memory_space<hbm>>
        tpu.enqueue_dma source(%dma_start3A_291 : memref<40x64xi32, #tpu.memory_space<hbm>>) target(%dma_start3A_289 : memref<40x64xi32, #tpu.memory_space<vmem>>) target_semaphore(%arg16 : memref<!tpu.dma_semaphore, #tpu.memory_space<semaphore_mem>>)
      } else {
      }
      %mul3A_237 = arith.constant 40 : i32
      %mul3A_238 = arith.muli %add3A_193, %mul3A_237 : i32
      %add3A_239 = arith.addi %mul3A_2, %mul3A_238 : i32
      %multiple_of3A_240 = tpu.assume_multiple %add3A_239, 8 : i32
      %dma_wait3A_241 = arith.constant 1 : i32
      %dma_wait3A_242 = arith.constant 0 : i32
      %dma_wait3A_243 = tpu.memref_slice %arg8[%dma_wait3A_241, %dma_wait3A_242] : memref<2x40xi32, #tpu.memory_space<vmem>> -> memref<1x40xi32, #tpu.memory_space<vmem>>
      %dma_wait3A_244 = tpu.memref_squeeze %dma_wait3A_243 : memref<1x40xi32, #tpu.memory_space<vmem>> -> memref<40xi32, #tpu.memory_space<vmem>>
      %dma_wait3A_245 = tpu.memref_slice %arg4[%multiple_of3A_240] : memref<320000xi32, #tpu.memory_space<hbm>> -> memref<40xi32, #tpu.memory_space<hbm>>
      %dma_wait3A_246 = arith.constant 0 : i32
      %dma_wait3A_247 = tpu.memref_slice %arg8[%dma_wait3A_241, %dma_wait3A_246] : memref<2x40xi32, #tpu.memory_space<vmem>> -> memref<1x40xi32, #tpu.memory_space<vmem>>
      %dma_wait3A_248 = tpu.memref_squeeze %dma_wait3A_247 : memref<1x40xi32, #tpu.memory_space<vmem>> -> memref<40xi32, #tpu.memory_space<vmem>>
      %dma_wait3A_249 = tpu.memref_slice %arg4[%multiple_of3A_240] : memref<320000xi32, #tpu.memory_space<hbm>> -> memref<40xi32, #tpu.memory_space<hbm>>
      tpu.wait_dma2 semaphore(%arg20 : memref<!tpu.dma_semaphore, #tpu.memory_space<semaphore_mem>>) src(%dma_wait3A_249 : memref<40xi32, #tpu.memory_space<hbm>>) dst(%dma_wait3A_248 : memref<40xi32, #tpu.memory_space<vmem>>)
      %dma_start3A_250 = arith.constant 1 : i32
      %dma_start3A_251 = arith.constant 1 : i32
      %dma_start3A_252 = arith.constant 0 : i32
      %dma_start3A_253 = arith.constant 0 : i32
      %dma_start3A_254 = tpu.memref_slice %arg11[%dma_start3A_250, %dma_start3A_252, %dma_start3A_253] : memref<2x40x128xf32, #tpu.memory_space<vmem>> -> memref<1x40x128xf32, #tpu.memory_space<vmem>>
      %dma_start3A_255 = tpu.memref_squeeze %dma_start3A_254 : memref<1x40x128xf32, #tpu.memory_space<vmem>> -> memref<40x128xf32, #tpu.memory_space<vmem>>
      %dma_start3A_256 = arith.constant 0 : i32
      %dma_start3A_257 = tpu.memref_slice %arg8[%dma_start3A_251, %dma_start3A_256] : memref<2x40xi32, #tpu.memory_space<vmem>> -> memref<1x40xi32, #tpu.memory_space<vmem>>
      %dma_start3A_258 = tpu.memref_squeeze %dma_start3A_257 : memref<1x40xi32, #tpu.memory_space<vmem>> -> memref<40xi32, #tpu.memory_space<vmem>>
      %dma_start3A_259 = arith.constant 0 : i32
      %dma_start3A_260 = arith.constant 0 : i32
      %dma_start3A_261 = tpu.memref_slice %arg12[%dma_start3A_259, %dma_start3A_260] : memref<10000x128xf32, #tpu.memory_space<vmem_shared>> -> memref<10000x128xf32, #tpu.memory_space<vmem_shared>>
      tpu.enqueue_indirect_dma source(%dma_start3A_255 : memref<40x128xf32, #tpu.memory_space<vmem>>) target(%dma_start3A_261 : memref<10000x128xf32, #tpu.memory_space<vmem_shared>>) offsets(%dma_start3A_258 : memref<40xi32, #tpu.memory_space<vmem>>) semaphore(%arg18 : memref<!tpu.dma_semaphore, #tpu.memory_space<semaphore_mem>>) {add = true}
    }
    %scan3A_91 = arith.constant 125 : i32
    %dma_wait3A = arith.constant 0 : i32
    %dma_wait3A_92 = arith.constant 0 : i32
    %dma_wait3A_93 = arith.constant 0 : i32
    %dma_wait3A_94 = arith.constant 0 : i32
    %dma_wait3A_95 = tpu.memref_slice %arg11[%dma_wait3A, %dma_wait3A_93, %dma_wait3A_94] : memref<2x40x128xf32, #tpu.memory_space<vmem>> -> memref<1x40x128xf32, #tpu.memory_space<vmem>>
    %dma_wait3A_96 = tpu.memref_squeeze %dma_wait3A_95 : memref<1x40x128xf32, #tpu.memory_space<vmem>> -> memref<40x128xf32, #tpu.memory_space<vmem>>
    %dma_wait3A_97 = arith.constant 0 : i32
    %dma_wait3A_98 = tpu.memref_slice %arg8[%dma_wait3A_92, %dma_wait3A_97] : memref<2x40xi32, #tpu.memory_space<vmem>> -> memref<1x40xi32, #tpu.memory_space<vmem>>
    %dma_wait3A_99 = tpu.memref_squeeze %dma_wait3A_98 : memref<1x40xi32, #tpu.memory_space<vmem>> -> memref<40xi32, #tpu.memory_space<vmem>>
    %dma_wait3A_100 = arith.constant 0 : i32
    %dma_wait3A_101 = arith.constant 0 : i32
    %dma_wait3A_102 = tpu.memref_slice %arg12[%dma_wait3A_100, %dma_wait3A_101] : memref<10000x128xf32, #tpu.memory_space<vmem_shared>> -> memref<10000x128xf32, #tpu.memory_space<vmem_shared>>
    tpu.wait_indirect_dma semaphore(%arg17 : memref<!tpu.dma_semaphore, #tpu.memory_space<semaphore_mem>>) src(%dma_wait3A_96 : memref<40x128xf32, #tpu.memory_space<vmem>>) dst(%dma_wait3A_102 : memref<10000x128xf32, #tpu.memory_space<vmem_shared>>)
    %dma_wait3A_103 = arith.constant 1 : i32
    %dma_wait3A_104 = arith.constant 1 : i32
    %dma_wait3A_105 = arith.constant 0 : i32
    %dma_wait3A_106 = arith.constant 0 : i32
    %dma_wait3A_107 = tpu.memref_slice %arg11[%dma_wait3A_103, %dma_wait3A_105, %dma_wait3A_106] : memref<2x40x128xf32, #tpu.memory_space<vmem>> -> memref<1x40x128xf32, #tpu.memory_space<vmem>>
    %dma_wait3A_108 = tpu.memref_squeeze %dma_wait3A_107 : memref<1x40x128xf32, #tpu.memory_space<vmem>> -> memref<40x128xf32, #tpu.memory_space<vmem>>
    %dma_wait3A_109 = arith.constant 0 : i32
    %dma_wait3A_110 = tpu.memref_slice %arg8[%dma_wait3A_104, %dma_wait3A_109] : memref<2x40xi32, #tpu.memory_space<vmem>> -> memref<1x40xi32, #tpu.memory_space<vmem>>
    %dma_wait3A_111 = tpu.memref_squeeze %dma_wait3A_110 : memref<1x40xi32, #tpu.memory_space<vmem>> -> memref<40xi32, #tpu.memory_space<vmem>>
    %dma_wait3A_112 = arith.constant 0 : i32
    %dma_wait3A_113 = arith.constant 0 : i32
    %dma_wait3A_114 = tpu.memref_slice %arg12[%dma_wait3A_112, %dma_wait3A_113] : memref<10000x128xf32, #tpu.memory_space<vmem_shared>> -> memref<10000x128xf32, #tpu.memory_space<vmem_shared>>
    tpu.wait_indirect_dma semaphore(%arg18 : memref<!tpu.dma_semaphore, #tpu.memory_space<semaphore_mem>>) src(%dma_wait3A_108 : memref<40x128xf32, #tpu.memory_space<vmem>>) dst(%dma_wait3A_114 : memref<10000x128xf32, #tpu.memory_space<vmem_shared>>)
    %barrier3A_115 = arith.constant 0 : index
    tpu.barrier barrier_id(%barrier3A_115)
    %lt3A_116 = arith.constant 10 : i32
    %lt3A_117 = arith.cmpi slt, %arg1, %lt3A_116 : i32
    %convert_element_type3A_118 = arith.extui %lt3A_117 : i1 to i32
    %cond3A_119 = arith.constant 0 : i32
    %cond3A_120 = arith.cmpi ne, %convert_element_type3A_118, %cond3A_119 : i32
    scf.if %cond3A_120 {
      %mul3A_121 = arith.constant 1000 : i32
      %mul3A_122 = arith.muli %arg1, %mul3A_121 : i32
      %mul3A_123 = arith.constant 1000 : i32
      %mul3A_124 = arith.muli %arg1, %mul3A_123 : i32
      "tpu.region"() ({
        %run_scoped3A = tpu.sem_alloc : memref<!tpu.dma_semaphore, #tpu.memory_space<semaphore_mem>>
        %dma_start3A_125 = arith.constant 0 : i32
        %dma_start3A_126 = tpu.memref_slice %arg6[%arg0, %mul3A_124, %dma_start3A_125] : memref<2x10000x128xf32, #tpu.memory_space<hbm>> -> memref<1x1000x128xf32, #tpu.memory_space<hbm>>
        %dma_start3A_127 = tpu.memref_squeeze %dma_start3A_126 : memref<1x1000x128xf32, #tpu.memory_space<hbm>> -> memref<1000x128xf32, #tpu.memory_space<hbm>>
        %dma_start3A_128 = arith.constant 0 : i32
        %dma_start3A_129 = tpu.memref_slice %arg12[%mul3A_122, %dma_start3A_128] : memref<10000x128xf32, #tpu.memory_space<vmem_shared>> -> memref<1000x128xf32, #tpu.memory_space<vmem_shared>>
        tpu.enqueue_dma source(%dma_start3A_129 : memref<1000x128xf32, #tpu.memory_space<vmem_shared>>) target(%dma_start3A_127 : memref<1000x128xf32, #tpu.memory_space<hbm>>) target_semaphore(%run_scoped3A : memref<!tpu.dma_semaphore, #tpu.memory_space<semaphore_mem>>)
        %dma_wait3A_130 = arith.constant 0 : i32
        %dma_wait3A_131 = tpu.memref_slice %arg6[%arg0, %mul3A_124, %dma_wait3A_130] : memref<2x10000x128xf32, #tpu.memory_space<hbm>> -> memref<1x1000x128xf32, #tpu.memory_space<hbm>>
        %dma_wait3A_132 = tpu.memref_squeeze %dma_wait3A_131 : memref<1x1000x128xf32, #tpu.memory_space<hbm>> -> memref<1000x128xf32, #tpu.memory_space<hbm>>
        %dma_wait3A_133 = arith.constant 0 : i32
        %dma_wait3A_134 = tpu.memref_slice %arg12[%mul3A_122, %dma_wait3A_133] : memref<10000x128xf32, #tpu.memory_space<vmem_shared>> -> memref<1000x128xf32, #tpu.memory_space<vmem_shared>>
        tpu.wait_dma2 semaphore(%run_scoped3A : memref<!tpu.dma_semaphore, #tpu.memory_space<semaphore_mem>>) src(%dma_wait3A_134 : memref<1000x128xf32, #tpu.memory_space<vmem_shared>>) dst(%dma_wait3A_132 : memref<1000x128xf32, #tpu.memory_space<hbm>>)
        tpu.yield
      }) : () -> ()
    } else {
    }
    return
  }
}

module attributes {stable_mosaic.version = 14 : i64} {
  func.func @_g_body(%arg0: i32, %arg1: memref<16000x64xf32, #tpu.memory_space<vmem>>, %arg2: memref<64x64xbf16, #tpu.memory_space<vmem>>, %arg3: memref<64x64xbf16, #tpu.memory_space<vmem>>, %arg4: memref<16000x64xi32, #tpu.memory_space<vmem>>) attributes {dimension_semantics = [#tpu.dimension_semantics<arbitrary>], iteration_bounds = array<i64: 20>, scalar_prefetch = 0 : i64, scratch_operands = 0 : i64, tpu.core_type = #tpu.core_type<tc>, window_params = [{transform_indices = @transform_0, window_bounds = array<i64: 16000, 64>}, {pipeline_mode = #tpu.pipeline_mode<synchronous>, transform_indices = @transform_1, window_bounds = array<i64: 64, 64>}, {pipeline_mode = #tpu.pipeline_mode<synchronous>, transform_indices = @transform_2, window_bounds = array<i64: 64, 64>}, {transform_indices = @transform_3, window_bounds = array<i64: 16000, 64>}]} {
    %get3A = arith.constant 0 : index
    %get3A_0 = arith.constant 0 : index
    %get3A_1 = vector.load %arg1[%get3A, %get3A_0] : memref<16000x64xf32, #tpu.memory_space<vmem>>, vector<16000x64xf32>
    %convert_element_type3A = arith.truncf %get3A_1 : vector<16000x64xf32> to vector<16000x64xbf16>
    %get3A_2 = arith.constant 0 : index
    %get3A_3 = arith.constant 0 : index
    %get3A_4 = vector.load %arg2[%get3A_2, %get3A_3] : memref<64x64xbf16, #tpu.memory_space<vmem>>, vector<64x64xbf16>
    %dot_general3A = arith.constant dense<0.000000e+00> : vector<16000x64xf32>
    %dot_general3A_5 = tpu.matmul %convert_element_type3A, %get3A_4, %dot_general3A {dimension_numbers = #tpu.dot_dimension_numbers<[1], [0], [0], [1], [0, 0, 1, 1], [], []>, transpose_lhs_hint = false} : vector<16000x64xbf16>, vector<64x64xbf16>, vector<16000x64xf32> -> vector<16000x64xf32>
    %get3A_6 = arith.constant 0 : index
    %get3A_7 = arith.constant 0 : index
    %get3A_8 = vector.load %arg3[%get3A_6, %get3A_7] : memref<64x64xbf16, #tpu.memory_space<vmem>>, vector<64x64xbf16>
    %dot_general3A_9 = arith.constant dense<0.000000e+00> : vector<16000x64xf32>
    %dot_general3A_10 = tpu.matmul %convert_element_type3A, %get3A_8, %dot_general3A_9 {dimension_numbers = #tpu.dot_dimension_numbers<[1], [0], [0], [1], [0, 0, 1, 1], [], []>, transpose_lhs_hint = false} : vector<16000x64xbf16>, vector<64x64xbf16>, vector<16000x64xf32> -> vector<16000x64xf32>
    %bitcast_convert_type3A = tpu.bitcast %dot_general3A_5 : vector<16000x64xf32> -> vector<16000x64xi32>
    %bitcast_convert_type3A_11 = tpu.bitcast %dot_general3A_10 : vector<16000x64xf32> -> vector<16000x64xi32>
    %add3A = arith.constant 32768 : i32
    %add3A_12 = vector.broadcast %add3A : i32 to vector<16000x64xi32>
    %add3A_13 = arith.addi %bitcast_convert_type3A, %add3A_12 : vector<16000x64xi32>
    %shift_right_logical3A = arith.constant 16 : i32
    %shift_right_logical3A_14 = vector.broadcast %shift_right_logical3A : i32 to vector<16000x64xi32>
    %shift_right_logical3A_15 = arith.shrui %add3A_13, %shift_right_logical3A_14 : vector<16000x64xi32>
    %add3A_16 = arith.constant 32768 : i32
    %add3A_17 = vector.broadcast %add3A_16 : i32 to vector<16000x64xi32>
    %add3A_18 = arith.addi %bitcast_convert_type3A_11, %add3A_17 : vector<16000x64xi32>
    %and3A = arith.constant -65536 : i32
    %and3A_19 = vector.broadcast %and3A : i32 to vector<16000x64xi32>
    %and3A_20 = arith.andi %add3A_18, %and3A_19 : vector<16000x64xi32>
    %or3A = arith.ori %shift_right_logical3A_15, %and3A_20 : vector<16000x64xi32>
    %bitcast_convert_type3A_21 = tpu.bitcast %or3A : vector<16000x64xi32> -> vector<16000x64xi32>
    %swap3A = arith.constant 0 : index
    %swap3A_22 = arith.constant 0 : index
    %swap3A_23 = vector.load %arg4[%swap3A, %swap3A_22] : memref<16000x64xi32, #tpu.memory_space<vmem>>, vector<16000x64xi32>
    tpu.vector_store %arg4[%swap3A, %swap3A_22], %bitcast_convert_type3A_21 {strides = array<i32>} : memref<16000x64xi32, #tpu.memory_space<vmem>>, vector<16000x64xi32>,
    return
  }
  func.func @transform_0(%arg0: i32) -> (i32, i32) {
    %c0_i32 = arith.constant 0 : i32
    %c0_i32_0 = arith.constant 0 : i32
    return %arg0, %c0_i32 : i32, i32
  }
  func.func @transform_1(%arg0: i32) -> (i32, i32) {
    %c0_i32 = arith.constant 0 : i32
    %c0_i32_0 = arith.constant 0 : i32
    %c0_i32_1 = arith.constant 0 : i32
    return %c0_i32, %c0_i32_0 : i32, i32
  }
  func.func @transform_2(%arg0: i32) -> (i32, i32) {
    %c0_i32 = arith.constant 0 : i32
    %c0_i32_0 = arith.constant 0 : i32
    %c0_i32_1 = arith.constant 0 : i32
    return %c0_i32, %c0_i32_0 : i32, i32
  }
  func.func @transform_3(%arg0: i32) -> (i32, i32) {
    %c0_i32 = arith.constant 0 : i32
    %c0_i32_0 = arith.constant 0 : i32
    return %arg0, %c0_i32 : i32, i32
  }
}

module attributes {stable_mosaic.version = 14 : i64} {
  func.func @_xj_body(%arg0: i32, %arg1: memref<5000x128xf32, #tpu.memory_space<vmem>>, %arg2: memref<128x128xf32, #tpu.memory_space<vmem>>, %arg3: memref<1x128xf32, #tpu.memory_space<vmem>>, %arg4: memref<5000x128xf32, #tpu.memory_space<vmem>>) attributes {dimension_semantics = [#tpu.dimension_semantics<arbitrary>], iteration_bounds = array<i64: 2>, scalar_prefetch = 0 : i64, scratch_operands = 0 : i64, tpu.core_type = #tpu.core_type<tc>, window_params = [{transform_indices = @transform_0, window_bounds = array<i64: 5000, 128>}, {pipeline_mode = #tpu.pipeline_mode<synchronous>, transform_indices = @transform_1, window_bounds = array<i64: 128, 128>}, {pipeline_mode = #tpu.pipeline_mode<synchronous>, transform_indices = @transform_2, window_bounds = array<i64: 1, 128>}, {transform_indices = @transform_3, window_bounds = array<i64: 5000, 128>}]} {
    %get3A = arith.constant 0 : index
    %get3A_0 = arith.constant 0 : index
    %get3A_1 = vector.load %arg1[%get3A, %get3A_0] : memref<5000x128xf32, #tpu.memory_space<vmem>>, vector<5000x128xf32>
    %get3A_2 = arith.constant 0 : index
    %get3A_3 = arith.constant 0 : index
    %get3A_4 = vector.load %arg2[%get3A_2, %get3A_3] : memref<128x128xf32, #tpu.memory_space<vmem>>, vector<128x128xf32>
    %dot_general3A = arith.constant dense<0.000000e+00> : vector<5000x128xf32>
    %dot_general3A_5 = tpu.matmul %get3A_1, %get3A_4, %dot_general3A {dimension_numbers = #tpu.dot_dimension_numbers<[1], [0], [0], [1], [0, 0, 1, 1], [], []>, transpose_lhs_hint = false} : vector<5000x128xf32>, vector<128x128xf32>, vector<5000x128xf32> -> vector<5000x128xf32>
    %get3A_6 = arith.constant 0 : index
    %get3A_7 = arith.constant 0 : index
    %get3A_8 = vector.load %arg3[%get3A_6, %get3A_7] : memref<1x128xf32, #tpu.memory_space<vmem>>, vector<1x128xf32>
    %add3A = vector.broadcast %get3A_8 : vector<1x128xf32> to vector<5000x128xf32>
    %add3A_9 = arith.addf %dot_general3A_5, %add3A : vector<5000x128xf32>
    %swap3A = arith.constant 0 : index
    %swap3A_10 = arith.constant 0 : index
    %swap3A_11 = vector.load %arg4[%swap3A, %swap3A_10] : memref<5000x128xf32, #tpu.memory_space<vmem>>, vector<5000x128xf32>
    tpu.vector_store %arg4[%swap3A, %swap3A_10], %add3A_9 {strides = array<i32>} : memref<5000x128xf32, #tpu.memory_space<vmem>>, vector<5000x128xf32>,
    return
  }
  func.func @transform_0(%arg0: i32) -> (i32, i32) {
    %c0_i32 = arith.constant 0 : i32
    %c0_i32_0 = arith.constant 0 : i32
    return %arg0, %c0_i32 : i32, i32
  }
  func.func @transform_1(%arg0: i32) -> (i32, i32) {
    %c0_i32 = arith.constant 0 : i32
    %c0_i32_0 = arith.constant 0 : i32
    %c0_i32_1 = arith.constant 0 : i32
    return %c0_i32, %c0_i32_0 : i32, i32
  }
  func.func @transform_2(%arg0: i32) -> (i32, i32) {
    %c0_i32 = arith.constant 0 : i32
    %c0_i32_0 = arith.constant 0 : i32
    %c0_i32_1 = arith.constant 0 : i32
    return %c0_i32, %c0_i32_0 : i32, i32
  }
  func.func @transform_3(%arg0: i32) -> (i32, i32) {
    %c0_i32 = arith.constant 0 : i32
    %c0_i32_0 = arith.constant 0 : i32
    return %arg0, %c0_i32 : i32, i32
  }
}

module attributes {stable_mosaic.version = 14 : i64} {
  func.func @_tail_body(%arg0: i32, %arg1: memref<5000x128xf32, #tpu.memory_space<vmem>>, %arg2: memref<2x5000x128xf32, #tpu.memory_space<vmem>>, %arg3: memref<128x128xf32, #tpu.memory_space<vmem>>, %arg4: memref<1x128xf32, #tpu.memory_space<vmem>>, %arg5: memref<2x128x128xf32, #tpu.memory_space<vmem>>, %arg6: memref<2x1x128xf32, #tpu.memory_space<vmem>>, %arg7: memref<2x128x128xf32, #tpu.memory_space<vmem>>, %arg8: memref<2x1x128xf32, #tpu.memory_space<vmem>>, %arg9: memref<128x128xf32, #tpu.memory_space<vmem>>, %arg10: memref<1x128xf32, #tpu.memory_space<vmem>>, %arg11: memref<1x128xf32, #tpu.memory_space<vmem>>, %arg12: memref<5000x128xf32, #tpu.memory_space<vmem>>) attributes {dimension_semantics = [#tpu.dimension_semantics<arbitrary>], iteration_bounds = array<i64: 2>, scalar_prefetch = 0 : i64, scratch_operands = 0 : i64, tpu.core_type = #tpu.core_type<tc>, window_params = [{transform_indices = @transform_0, window_bounds = array<i64: 5000, 128>}, {transform_indices = @transform_1, window_bounds = array<i64: 2, 5000, 128>}, {pipeline_mode = #tpu.pipeline_mode<synchronous>, transform_indices = @transform_2, window_bounds = array<i64: 128, 128>}, {pipeline_mode = #tpu.pipeline_mode<synchronous>, transform_indices = @transform_3, window_bounds = array<i64: 1, 128>}, {pipeline_mode = #tpu.pipeline_mode<synchronous>, transform_indices = @transform_4, window_bounds = array<i64: 2, 128, 128>}, {pipeline_mode = #tpu.pipeline_mode<synchronous>, transform_indices = @transform_5, window_bounds = array<i64: 2, 1, 128>}, {pipeline_mode = #tpu.pipeline_mode<synchronous>, transform_indices = @transform_6, window_bounds = array<i64: 2, 128, 128>}, {pipeline_mode = #tpu.pipeline_mode<synchronous>, transform_indices = @transform_7, window_bounds = array<i64: 2, 1, 128>}, {pipeline_mode = #tpu.pipeline_mode<synchronous>, transform_indices = @transform_8, window_bounds = array<i64: 128, 128>}, {pipeline_mode = #tpu.pipeline_mode<synchronous>, transform_indices = @transform_9, window_bounds = array<i64: 1, 128>}, {pipeline_mode = #tpu.pipeline_mode<synchronous>, transform_indices = @transform_10, window_bounds = array<i64: 1, 128>}, {transform_indices = @transform_11, window_bounds = array<i64: 5000, 128>}]} {
    %get3A = arith.constant 0 : index
    %get3A_0 = arith.constant 0 : index
    %get3A_1 = vector.load %arg1[%get3A, %get3A_0] : memref<5000x128xf32, #tpu.memory_space<vmem>>, vector<5000x128xf32>
    %get3A_2 = arith.constant 0 : index
    %get3A_3 = arith.constant 0 : index
    %get3A_4 = vector.load %arg3[%get3A_2, %get3A_3] : memref<128x128xf32, #tpu.memory_space<vmem>>, vector<128x128xf32>
    %dot_general3A = arith.constant dense<0.000000e+00> : vector<5000x128xf32>
    %dot_general3A_5 = tpu.matmul %get3A_1, %get3A_4, %dot_general3A {dimension_numbers = #tpu.dot_dimension_numbers<[1], [0], [0], [1], [0, 0, 1, 1], [], []>, transpose_lhs_hint = false} : vector<5000x128xf32>, vector<128x128xf32>, vector<5000x128xf32> -> vector<5000x128xf32>
    %get3A_6 = arith.constant 0 : index
    %get3A_7 = arith.constant 0 : index
    %get3A_8 = vector.load %arg4[%get3A_6, %get3A_7] : memref<1x128xf32, #tpu.memory_space<vmem>>, vector<1x128xf32>
    %add3A = vector.broadcast %get3A_8 : vector<1x128xf32> to vector<5000x128xf32>
    %add3A_9 = arith.addf %dot_general3A_5, %add3A : vector<5000x128xf32>
    %get3A_10 = arith.constant 0 : index
    %get3A_11 = arith.constant 0 : index
    %get3A_12 = arith.constant 0 : index
    %get3A_13 = vector.load %arg2[%get3A_10, %get3A_11, %get3A_12] : memref<2x5000x128xf32, #tpu.memory_space<vmem>>, vector<1x5000x128xf32>
    %get3A_14 = vector.shape_cast %get3A_13 : vector<1x5000x128xf32> to vector<5000x128xf32>
    %add3A_15 = arith.addf %add3A_9, %get3A_14 : vector<5000x128xf32>
    %get3A_16 = arith.constant 1 : index
    %get3A_17 = arith.constant 0 : index
    %get3A_18 = arith.constant 0 : index
    %get3A_19 = vector.load %arg2[%get3A_16, %get3A_17, %get3A_18] : memref<2x5000x128xf32, #tpu.memory_space<vmem>>, vector<1x5000x128xf32>
    %get3A_20 = vector.shape_cast %get3A_19 : vector<1x5000x128xf32> to vector<5000x128xf32>
    %add3A_21 = arith.addf %add3A_15, %get3A_20 : vector<5000x128xf32>
    %get3A_22 = arith.constant 0 : index
    %get3A_23 = arith.constant 0 : index
    %get3A_24 = arith.constant 0 : index
    %get3A_25 = vector.load %arg5[%get3A_22, %get3A_23, %get3A_24] : memref<2x128x128xf32, #tpu.memory_space<vmem>>, vector<1x128x128xf32>
    %get3A_26 = vector.shape_cast %get3A_25 : vector<1x128x128xf32> to vector<128x128xf32>
    %dot_general3A_27 = arith.constant dense<0.000000e+00> : vector<5000x128xf32>
    %dot_general3A_28 = tpu.matmul %add3A_21, %get3A_26, %dot_general3A_27 {dimension_numbers = #tpu.dot_dimension_numbers<[1], [0], [0], [1], [0, 0, 1, 1], [], []>, transpose_lhs_hint = false} : vector<5000x128xf32>, vector<128x128xf32>, vector<5000x128xf32> -> vector<5000x128xf32>
    %get3A_29 = arith.constant 0 : index
    %get3A_30 = arith.constant 0 : index
    %get3A_31 = arith.constant 0 : index
    %get3A_32 = vector.load %arg6[%get3A_29, %get3A_30, %get3A_31] : memref<2x1x128xf32, #tpu.memory_space<vmem>>, vector<1x1x128xf32>
    %get3A_33 = vector.shape_cast %get3A_32 : vector<1x1x128xf32> to vector<1x128xf32>
    %add3A_34 = vector.broadcast %get3A_33 : vector<1x128xf32> to vector<5000x128xf32>
    %add3A_35 = arith.addf %dot_general3A_28, %add3A_34 : vector<5000x128xf32>
    %get3A_36 = arith.constant 0 : index
    %get3A_37 = arith.constant 0 : index
    %get3A_38 = arith.constant 0 : index
    %get3A_39 = vector.load %arg7[%get3A_36, %get3A_37, %get3A_38] : memref<2x128x128xf32, #tpu.memory_space<vmem>>, vector<1x128x128xf32>
    %get3A_40 = vector.shape_cast %get3A_39 : vector<1x128x128xf32> to vector<128x128xf32>
    %dot_general3A_41 = arith.constant dense<0.000000e+00> : vector<5000x128xf32>
    %dot_general3A_42 = tpu.matmul %add3A_35, %get3A_40, %dot_general3A_41 {dimension_numbers = #tpu.dot_dimension_numbers<[1], [0], [0], [1], [0, 0, 1, 1], [], []>, transpose_lhs_hint = false} : vector<5000x128xf32>, vector<128x128xf32>, vector<5000x128xf32> -> vector<5000x128xf32>
    %add3A_43 = arith.addf %add3A_21, %dot_general3A_42 : vector<5000x128xf32>
    %get3A_44 = arith.constant 0 : index
    %get3A_45 = arith.constant 0 : index
    %get3A_46 = arith.constant 0 : index
    %get3A_47 = vector.load %arg8[%get3A_44, %get3A_45, %get3A_46] : memref<2x1x128xf32, #tpu.memory_space<vmem>>, vector<1x1x128xf32>
    %get3A_48 = vector.shape_cast %get3A_47 : vector<1x1x128xf32> to vector<1x128xf32>
    %add3A_49 = vector.broadcast %get3A_48 : vector<1x128xf32> to vector<5000x128xf32>
    %add3A_50 = arith.addf %add3A_43, %add3A_49 : vector<5000x128xf32>
    %get3A_51 = arith.constant 1 : index
    %get3A_52 = arith.constant 0 : index
    %get3A_53 = arith.constant 0 : index
    %get3A_54 = vector.load %arg5[%get3A_51, %get3A_52, %get3A_53] : memref<2x128x128xf32, #tpu.memory_space<vmem>>, vector<1x128x128xf32>
    %get3A_55 = vector.shape_cast %get3A_54 : vector<1x128x128xf32> to vector<128x128xf32>
    %dot_general3A_56 = arith.constant dense<0.000000e+00> : vector<5000x128xf32>
    %dot_general3A_57 = tpu.matmul %add3A_50, %get3A_55, %dot_general3A_56 {dimension_numbers = #tpu.dot_dimension_numbers<[1], [0], [0], [1], [0, 0, 1, 1], [], []>, transpose_lhs_hint = false} : vector<5000x128xf32>, vector<128x128xf32>, vector<5000x128xf32> -> vector<5000x128xf32>
    %get3A_58 = arith.constant 1 : index
    %get3A_59 = arith.constant 0 : index
    %get3A_60 = arith.constant 0 : index
    %get3A_61 = vector.load %arg6[%get3A_58, %get3A_59, %get3A_60] : memref<2x1x128xf32, #tpu.memory_space<vmem>>, vector<1x1x128xf32>
    %get3A_62 = vector.shape_cast %get3A_61 : vector<1x1x128xf32> to vector<1x128xf32>
    %add3A_63 = vector.broadcast %get3A_62 : vector<1x128xf32> to vector<5000x128xf32>
    %add3A_64 = arith.addf %dot_general3A_57, %add3A_63 : vector<5000x128xf32>
    %get3A_65 = arith.constant 1 : index
    %get3A_66 = arith.constant 0 : index
    %get3A_67 = arith.constant 0 : index
    %get3A_68 = vector.load %arg7[%get3A_65, %get3A_66, %get3A_67] : memref<2x128x128xf32, #tpu.memory_space<vmem>>, vector<1x128x128xf32>
    %get3A_69 = vector.shape_cast %get3A_68 : vector<1x128x128xf32> to vector<128x128xf32>
    %dot_general3A_70 = arith.constant dense<0.000000e+00> : vector<5000x128xf32>
    %dot_general3A_71 = tpu.matmul %add3A_64, %get3A_69, %dot_general3A_70 {dimension_numbers = #tpu.dot_dimension_numbers<[1], [0], [0], [1], [0, 0, 1, 1], [], []>, transpose_lhs_hint = false} : vector<5000x128xf32>, vector<128x128xf32>, vector<5000x128xf32> -> vector<5000x128xf32>
    %add3A_72 = arith.addf %add3A_50, %dot_general3A_71 : vector<5000x128xf32>
    %get3A_73 = arith.constant 1 : index
    %get3A_74 = arith.constant 0 : index
    %get3A_75 = arith.constant 0 : index
    %get3A_76 = vector.load %arg8[%get3A_73, %get3A_74, %get3A_75] : memref<2x1x128xf32, #tpu.memory_space<vmem>>, vector<1x1x128xf32>
    %get3A_77 = vector.shape_cast %get3A_76 : vector<1x1x128xf32> to vector<1x128xf32>
    %add3A_78 = vector.broadcast %get3A_77 : vector<1x128xf32> to vector<5000x128xf32>
    %add3A_79 = arith.addf %add3A_72, %add3A_78 : vector<5000x128xf32>
    %get3A_80 = arith.constant 0 : index
    %get3A_81 = arith.constant 0 : index
    %get3A_82 = vector.load %arg11[%get3A_80, %get3A_81] : memref<1x128xf32, #tpu.memory_space<vmem>>, vector<1x128xf32>
    %mul3A = vector.broadcast %get3A_82 : vector<1x128xf32> to vector<5000x128xf32>
    %mul3A_83 = arith.mulf %mul3A, %get3A_1 : vector<5000x128xf32>
    %get3A_84 = arith.constant 0 : index
    %get3A_85 = arith.constant 0 : index
    %get3A_86 = vector.load %arg9[%get3A_84, %get3A_85] : memref<128x128xf32, #tpu.memory_space<vmem>>, vector<128x128xf32>
    %dot_general3A_87 = arith.constant dense<0.000000e+00> : vector<5000x128xf32>
    %dot_general3A_88 = tpu.matmul %add3A_79, %get3A_86, %dot_general3A_87 {dimension_numbers = #tpu.dot_dimension_numbers<[1], [0], [0], [1], [0, 0, 1, 1], [], []>, transpose_lhs_hint = false} : vector<5000x128xf32>, vector<128x128xf32>, vector<5000x128xf32> -> vector<5000x128xf32>
    %add3A_89 = arith.addf %mul3A_83, %dot_general3A_88 : vector<5000x128xf32>
    %get3A_90 = arith.constant 0 : index
    %get3A_91 = arith.constant 0 : index
    %get3A_92 = vector.load %arg10[%get3A_90, %get3A_91] : memref<1x128xf32, #tpu.memory_space<vmem>>, vector<1x128xf32>
    %add3A_93 = vector.broadcast %get3A_92 : vector<1x128xf32> to vector<5000x128xf32>
    %add3A_94 = arith.addf %add3A_89, %add3A_93 : vector<5000x128xf32>
    %swap3A = arith.constant 0 : index
    %swap3A_95 = arith.constant 0 : index
    %swap3A_96 = vector.load %arg12[%swap3A, %swap3A_95] : memref<5000x128xf32, #tpu.memory_space<vmem>>, vector<5000x128xf32>
    tpu.vector_store %arg12[%swap3A, %swap3A_95], %add3A_94 {strides = array<i32>} : memref<5000x128xf32, #tpu.memory_space<vmem>>, vector<5000x128xf32>,
    return
  }
  func.func @transform_0(%arg0: i32) -> (i32, i32) {
    %c0_i32 = arith.constant 0 : i32
    %c0_i32_0 = arith.constant 0 : i32
    return %arg0, %c0_i32 : i32, i32
  }
  func.func @transform_1(%arg0: i32) -> (i32, i32, i32) {
    %c0_i32 = arith.constant 0 : i32
    %c0_i32_0 = arith.constant 0 : i32
    %c0_i32_1 = arith.constant 0 : i32
    return %c0_i32, %arg0, %c0_i32_0 : i32, i32, i32
  }
  func.func @transform_2(%arg0: i32) -> (i32, i32) {
    %c0_i32 = arith.constant 0 : i32
    %c0_i32_0 = arith.constant 0 : i32
    %c0_i32_1 = arith.constant 0 : i32
    return %c0_i32, %c0_i32_0 : i32, i32
  }
  func.func @transform_3(%arg0: i32) -> (i32, i32) {
    %c0_i32 = arith.constant 0 : i32
    %c0_i32_0 = arith.constant 0 : i32
    %c0_i32_1 = arith.constant 0 : i32
    return %c0_i32, %c0_i32_0 : i32, i32
  }
  func.func @transform_4(%arg0: i32) -> (i32, i32, i32) {
    %c0_i32 = arith.constant 0 : i32
    %c0_i32_0 = arith.constant 0 : i32
    %c0_i32_1 = arith.constant 0 : i32
    %c0_i32_2 = arith.constant 0 : i32
    return %c0_i32, %c0_i32_0, %c0_i32_1 : i32, i32, i32
  }
  func.func @transform_5(%arg0: i32) -> (i32, i32, i32) {
    %c0_i32 = arith.constant 0 : i32
    %c0_i32_0 = arith.constant 0 : i32
    %c0_i32_1 = arith.constant 0 : i32
    %c0_i32_2 = arith.constant 0 : i32
    return %c0_i32, %c0_i32_0, %c0_i32_1 : i32, i32, i32
  }
  func.func @transform_6(%arg0: i32) -> (i32, i32, i32) {
    %c0_i32 = arith.constant 0 : i32
    %c0_i32_0 = arith.constant 0 : i32
    %c0_i32_1 = arith.constant 0 : i32
    %c0_i32_2 = arith.constant 0 : i32
    return %c0_i32, %c0_i32_0, %c0_i32_1 : i32, i32, i32
  }
  func.func @transform_7(%arg0: i32) -> (i32, i32, i32) {
    %c0_i32 = arith.constant 0 : i32
    %c0_i32_0 = arith.constant 0 : i32
    %c0_i32_1 = arith.constant 0 : i32
    %c0_i32_2 = arith.constant 0 : i32
    return %c0_i32, %c0_i32_0, %c0_i32_1 : i32, i32, i32
  }
  func.func @transform_8(%arg0: i32) -> (i32, i32) {
    %c0_i32 = arith.constant 0 : i32
    %c0_i32_0 = arith.constant 0 : i32
    %c0_i32_1 = arith.constant 0 : i32
    return %c0_i32, %c0_i32_0 : i32, i32
  }
  func.func @transform_9(%arg0: i32) -> (i32, i32) {
    %c0_i32 = arith.constant 0 : i32
    %c0_i32_0 = arith.constant 0 : i32
    %c0_i32_1 = arith.constant 0 : i32
    return %c0_i32, %c0_i32_0 : i32, i32
  }
  func.func @transform_10(%arg0: i32) -> (i32, i32) {
    %c0_i32 = arith.constant 0 : i32
    %c0_i32_0 = arith.constant 0 : i32
    %c0_i32_1 = arith.constant 0 : i32
    return %c0_i32, %c0_i32_0 : i32, i32
  }
  func.func @transform_11(%arg0: i32) -> (i32, i32) {
    %c0_i32 = arith.constant 0 : i32
    %c0_i32_0 = arith.constant 0 : i32
    return %arg0, %c0_i32 : i32, i32
  }
}

</mosaic_0001>

<sc_bundles>
// kernel: kernel.6.cloned.1.call-start
scs
__scs_entry_jumppad:
0x0: {  	(pc) =	sbr.rel $0x88, $3  }
0x1: {  	(tag) =	ssettag $0x0;
	lr =	simm.s32 $0x1  }
0x2: {  	[smem:$0x3F91] =	sst lr;
	_ =	strace $0xD0000000  }
0x3: {  	_ = 	snop  }
0x4: {  	_ = 	snop  }
0x5: {  	_ = 	snop  }
0x6: {  	_ = 	snop  }
0x7: {  	_ = 	snop  }
__scs_overlays_trampoline_lowered:
0x8: {  	[smem:$0x3FA0] =	sst s0  }
0x9: {  	[smem:$0x3FA1] =	sst s1  }
0xa: {  	[smem:$0x3FA2] =	sst s2  }
0xb: {  	[smem:$0x3FA3] =	sst s3  }
0xc: {  	[smem:$0x3FA4] =	sst s4  }
0xd: {  	[smem:$0x3FA5] =	sst s5  }
0xe: {  	[smem:$0x3FA6] =	sst s6  }
0xf: {  	[smem:$0x3FA7] =	sst s7  }
0x10: {  	[smem:$0x3FA8] =	sst s8  }
0x11: {  	[smem:$0x3FA9] =	sst s9;
	s0 =	simm.s32 @!p0 $0x0  }
0x12: {  	s1 =	sld [smem:$0x3F8F];
	s0 =	simm.s32 @p0 $0x1  }
0x13: {  	[smem:$0x3FAA] =	sst s0;
	s0 =	simm.s32 @!p1 $0x0  }
0x14: {  	s2 =	sld [smem:$0x3F8E];
	s0 =	simm.s32 @p1 $0x1  }
0x15: {  	[smem:$0x3FAB] =	sst s0;
	s0 =	simm.s32 @!p2 $0x0  }
0x16: {  	s3 =	sld [smem:$0x3FDB];
	s0 =	simm.s32 @p2 $0x1  }
0x17: {  	s4 =	simm.s32 $0x1BF5;
	[smem:$0x3FAD] =	sst s0  }
0x18: {  	s0 =	sld [smem:$0x3F90];
	_ =	swait.ge [sflag:s4], $0x0  }
0x19: {  	s7 =	sld [smem:$0x3F91]  }
0x1a: {  	s8 =	sadd.s32 $0xFFFFE003, lr  }
0x1b: {  	s9 =	sadd.s32 $0xFFFFFEF7, lr;
	s5 =	simm.s32 $0xFFFFFFFF;
	p2 =	slt.u32 s8, $0xFFFFF086  }
0x1c: {  	p1 =	slt.u32 s9, $0xF7A;
	s5 =	simm.s32 @!p2 $0x0  }
0x1d: {  	s5 =	simm.s32 @p1 $0x1;
	p0 =	seq.s32 s7, s2  }
0x1e: {  	s7 =	smul.u32 @!p0 $0xF7A, s2;
	p2 =	seq.s32 @!p0 s5, $0x0  }
0x1f: {  	s9 =	smul.u32 $0xF7A, s1;
	s8 =	simm.s32 @!p0 $0x1BF5;
	p2 =	por !p2, p0  }
0x20: {  	[sflag:s8] =	ssyncset.s32 @!p0 $0xFFFFF086;
	s6 =	sadd.s32 @!p0 s3, s7;
	s7 =	simm.s32 @!p0 $0x108  }
0x21: {  	s3 =	sadd.s32 s3, s9;
	s6 =	sadd.s32 @!p0 $0x88, s6;
	s7 =	simm.s32 @p2 $0x1082  }
0x22: {  	[simem:s7], [sflag:s8] =	dma.local @!p0 [hbm:s6], $0xF7A  }
0x23: {  	s9 =	sor.u32 $0xD0000000, s2;
	s6 =	simm.s32 $0x108;
	_ =	swait.ge @!p0 [sflag:s8], $0x0  }
0x24: {  	s3 =	sadd.s32 $0x88, s3;
	s6 =	simm.s32 @!p1 $0x1082;
	[sflag:s4] =	ssyncset.s32 $0xFFFFF086  }
0x25: {  	[simem:s6], [sflag:s4] =	dma.local [hbm:s3], $0xF7A  }
0x26: {  	[smem:$0x3F91] =	sst s1;
	(tag) =	ssettag s2;
	_ =	strace s9  }
0x27: {  	s1 =	sld [smem:$0x3FA1]  }
0x28: {  	s2 =	sld [smem:$0x3FA2]  }
0x29: {  	s4 =	sld [smem:$0x3FA4]  }
0x2a: {  	p0 =	seq.s32 s5, $0x0;
	s5 =	sld [smem:$0x3FA5]  }
0x2b: {  	s6 =	sld [smem:$0x3FA6]  }
0x2c: {  	s7 =	sld [smem:$0x3FA7]  }
0x2d: {  	s3 =	simm.s32 $0x108;
	s8 =	sld [smem:$0x3FA8]  }
0x2e: {  	s3 =	simm.s32 @!p0 $0x1082;
	s9 =	sld [smem:$0x3FA9]  }
0x2f: {  	lr =	sadd.s32 s0, s3;
	s0 =	sld [smem:$0x3FA0]  }
0x30: {  	s3 =	sld [smem:$0x3FA3]  }
0x31: {  	[smem:$0x3FAC] =	sst s10  }
0x32: {  	s10 =	sld [smem:$0x3FAA];
	_ =	sdelay $0x3  }
0x33: {  	p0 =	seq.s32 s10, $0x1;
	s10 =	sld [smem:$0x3FAC];
	_ =	sdelay $0x3  }
0x34: {  	[smem:$0x3FAC] =	sst s10  }
0x35: {  	s10 =	sld [smem:$0x3FAB];
	_ =	sdelay $0x3  }
0x36: {  	p1 =	seq.s32 s10, $0x1;
	s10 =	sld [smem:$0x3FAC];
	_ =	sdelay $0x3  }
0x37: {  	[smem:$0x3FAC] =	sst s10  }
0x38: {  	s10 =	sld [smem:$0x3FAD]  }
0x39: {  	_ = 	snop;
	(pc) =	sbr.ind lr, $3  }
0x3a: {  	_ = 	snop  }
0x3b: {  	_ = 	snop  }
0x3c: {  	p2 =	seq.s32 s10, $0x1;
	s10 =	sld [smem:$0x3FAC]  }
0x3d: {  	_ =	shalt  }
0x3e: {  	_ =	shalt  }
0x3f: {  	_ =	shalt  }
0x40: {  	_ =	shalt  }
0x41: {  	_ =	shalt  }
0x42: {  	_ =	shalt  }
0x43: {  	_ =	shalt  }
0x44: {  	_ =	shalt  }
0x45: {  	_ =	shalt  }
0x46: {  	_ =	shalt  }
0x47: {  	_ =	shalt  }
0x48: {  	_ =	shalt  }
0x49: {  	_ =	shalt  }
0x4a: {  	_ =	shalt  }
0x4b: {  	_ =	shalt  }
0x4c: {  	_ =	shalt  }
0x4d: {  	_ =	shalt  }
0x4e: {  	_ =	shalt  }
0x4f: {  	_ =	shalt  }
0x50: {  	_ =	shalt  }
0x51: {  	_ =	shalt  }
0x52: {  	_ =	shalt  }
0x53: {  	_ =	shalt  }
0x54: {  	_ =	shalt  }
0x55: {  	_ =	shalt  }
0x56: {  	_ =	shalt  }
0x57: {  	_ =	shalt  }
0x58: {  	_ =	shalt  }
0x59: {  	_ =	shalt  }
0x5a: {  	_ =	shalt  }
0x5b: {  	_ =	shalt  }
0x5c: {  	_ =	shalt  }
0x5d: {  	_ =	shalt  }
0x5e: {  	_ =	shalt  }
0x5f: {  	_ =	shalt  }
0x60: {  	_ =	shalt  }
0x61: {  	_ =	shalt  }
0x62: {  	_ =	shalt  }
0x63: {  	_ =	shalt  }
0x64: {  	_ =	shalt  }
0x65: {  	_ =	shalt  }
0x66: {  	_ =	shalt  }
0x67: {  	_ =	shalt  }
0x68: {  	_ =	shalt  }
0x69: {  	_ =	shalt  }
0x6a: {  	_ =	shalt  }
0x6b: {  	_ =	shalt  }
0x6c: {  	_ =	shalt  }
0x6d: {  	_ =	shalt  }
0x6e: {  	_ =	shalt  }
0x6f: {  	_ =	shalt  }
0x70: {  	_ =	shalt  }
0x71: {  	_ =	shalt  }
0x72: {  	_ =	shalt  }
0x73: {  	_ =	shalt  }
0x74: {  	_ =	shalt  }
0x75: {  	_ =	shalt  }
0x76: {  	_ =	shalt  }
0x77: {  	_ =	shalt  }
0x78: {  	_ =	shalt  }
0x79: {  	_ =	shalt  }
0x7a: {  	_ =	shalt  }
0x7b: {  	_ =	shalt  }
0x7c: {  	_ =	shalt  }
0x7d: {  	_ =	shalt  }
0x7e: {  	_ =	shalt  }
0x7f: {  	_ =	shalt  }
0x80: {  	_ =	shalt  }
0x81: {  	_ =	shalt  }
0x82: {  	_ =	shalt  }
0x83: {  	_ =	shalt  }
0x84: {  	_ =	shalt  }
0x85: {  	_ =	shalt  }
0x86: {  	_ =	shalt  }
0x87: {  	_ =	shalt  }
.Lfunc_end0:
.L_simem_size_0:
called_computation_lowered:
.L_overlay_start_0:
0x88: {  	s2 =	sld [smem:$0x3FD9]  }
0x89: {  	s3 =	sld [smem:$0x3FFE];
	_ =	sdelay $0x1  }
0x8a: {  	s1 =	srdreg.scid  }
0x8b: {  	s0 =	sand.u32 $0x1, s1  }
0x8c: {  	s17 =	sshll.u32 s0, $0xA;
	s2 =	sadd.s32 s3, s2  }
0x8d: {  	s2 =	sadd.s32 s2, s17  }
0x8e: {  	[smem:$0x3FB8] =	sst s2  }
0x8f: {  	_ = 	snop  }
0x90: {  	s2 =	sld [smem:$0x3FC7]  }
0x91: {  	s18 =	sld [smem:$0x3FC6]  }
0x92: {  	s4 =	sld [smem:$0x3FD0];
	(tm) =	ssettm $0x1  }
0x93: {  	s5 =	sld [smem:$0x3FFB];
	_ =	sdelay $0x3  }
0x94: {  	_ =	strace s5  }
0x95: {  	s5 =	sld [smem:$0x3FFC];
	_ =	sdelay $0x3  }
0x96: {  	_ =	strace s5  }
0x97: {  	s5 =	sld [smem:$0x3FFD];
	_ =	sdelay $0x3  }
0x98: {  	_ =	strace s5  }
0x99: {  	_ =	strace $0x8FFFFFFF  }
0x9a: {  	s19 =	sld [smem:$0x3FDB];
	_ =	sdelay $0x1  }
0x9b: {  	s6 =	simm.s32 $_scs_section_size  }
0x9c: {  	s7 =	simm.s32 $_size__tile_overlayer_lowered;
	s8 =	simm.s32 $_tile_overlayer_lowered  }
0x9d: {  	s22 =	simm.s32 $0x1BFF;
	s21 =	sshll.u32 s8, $0x1;
	s5 =	sadd.s32 s6, s19  }
0x9e: {  	s9 =	simm.s32 $0x0;
	s20 =	sshll.u32 s7, $0x1;
	s7 =	sadd.s32 s21, s5  }
0x9f: {  	[timem:s9], [sflag:s22] =	dma.local [hbm:s7], s20  }
0xa0: {  	_ =	swait.ge [sflag:s22], s20  }
0xa1: {  	s6 =	ssub.s32 $0x0, s20;
	[sflag:s22] =	ssyncset.done $0x0  }
0xa2: {  	[sflag:s22] =	ssyncadd.s32 s6;
	_ =	sdelay $0x1  }
0xa3: {  	s23 =	simm.s32 $0x1B8B  }
0xa4: {  	_ =	swait.ge [sflag:s23], $0x1  }
0xa5: {  	[sflag:s23] =	ssyncset.done $0x0  }
0xa6: {  	s25 =	simm.s32 $0x1B8E;
	s24 =	sld [smem:$0x3FFE];
	[sflag:s23] =	ssyncadd.s32 $0xFFFFFFFF  }
0xa7: {  	s26 =	simm.s32 $execute0_lowered;
	[smem:$0x3FD2] =	sst s25  }
0xa8: {  	s7 =	sshll.u32 s26, $0x1;
	_ =	strace $0x80000046;
	[dreg:$0x1] =	wrdreg $0xFFFFFFFF  }
0xa9: {  	s28 =	simm.s32 $_size_execute0_lowered;
	s5 =	sadd.s32 s5, s7;
	[dreg:$0x0] =	wrdreg $0x0  }
0xaa: {  	s7 =	sshll.u32 s28, $0x1;
	[dreg:$0x2] =	wrdreg s5  }
0xab: {  	[dreg:$0x3] =	wrdreg s7  }
0xac: {  	[dreg:$0x4] =	wrdreg $0xC0  }
0xad: {  	_ =	task [dreg:s9], $0x5FFFF  }
0xae: {  	[dreg:$0x1] =	wrdreg $0xFFFFFFFF  }
0xaf: {  	[dreg:$0x0] =	wrdreg $0x60  }
0xb0: {  	[dreg:$0x2] =	wrdreg s24  }
0xb1: {  	[dreg:$0x3] =	wrdreg s4  }
0xb2: {  	[dreg:$0x4] =	wrdreg s2  }
0xb3: {  	[dreg:$0x5] =	wrdreg s18  }
0xb4: {  	[dreg:$0x6] =	wrdreg $0xA0800  }
0xb5: {  	[dreg:$0x7] =	wrdreg $0x9  }
0xb6: {  	_ =	task.clear_ibuf [dreg:s9], $0x8FFFF;
	_ =	strace $0x90000046  }
0xb7: {  	s29 =	simm.s32 $0x9;
	_ =	strace $0x80000048  }
0xb8: {  	_ =	swait.ge [sflag:s29], $0x1  }
0xb9: {  	[sflag:s29] =	ssyncadd.s32 $0xFFFFFFFF  }
0xba: {  	_ =	strace $0x90000048  }
0xbb: {  	_ =	sfence  }
0xbc: {  	s30 =	sld [smem:$0x0];
	_ =	sdelay $0x2  }
0xbd: {  	s31 =	sshll.u32 s1, $0xD;
	s1 =	sshrl.u32 s1, $0x2  }
0xbe: {  	s3 =	sand.u32 $0x4000, s31;
	s1 =	sadd.s32 s1, s30  }
0xbf: {  	s0 =	sor.u32 s3, s0;
	s1 =	sshll.u32 s1, $0x11  }
0xc0: {  	s0 =	sor.u32 s1, s0  }
0xc1: {  	s0 =	sadd.s32 $0x8F2B, s0  }
0xc2: {  	[sflag:s0] =	ssyncadd.remote.s32 $0x1  }
0xc3: {  	_ =	sfence.sel $0xFFFF  }
0xc4: {  	[dreg:$0x0] =	wrdreg $0xFFFFFFFF;
	(pc) =	sbr.abs _section_cstart, $3  }
0xc5: {  	[dreg:$0x1] =	wrdreg $0xFFFFFFFF  }
0xc6: {  	_ =	task.clear_ibuf [dreg:s9], $0x2FFFF;
	_ =	strace $0x9FFFFFFF  }
0xc7: {  	(tm) =	ssettm $0x7FFFFFFF  }
tec
execute0_lowered:
.L_overlay_start_1:
0x0: {  	(tag) =	ssettag $0x1  }
0x1: {  	s0 =	rddreg [dreg:$0x0]  }
0x2: {  	s1 =	rddreg [dreg:$0x1]  }
0x3: {  	s3 =	srdreg.scid;
	s12 =	stileid.u32  }
0x4: {  	s2 =	rddreg [dreg:$0x2];
	s3 =	sand.u32 $0x1, s3;
	s8 =	smul.u32 $0x7D000, s12  }
0x5: {  	s6 =	smul.u32 $0x138800, s3;
	s10 =	ssub.s32 $0x2, s3;
	s3 =	sshll.u32 s3, $0x4  }
0x6: {  	s9 =	rddreg [dreg:$0x3];
	s7 =	smul.u32 $0x1F400, s12;
	s3 =	sor.u32 s12, s3  }
0x7: {  	s4 =	rddreg [dreg:$0x4];
	s14 =	sshrl.u32 s8, $0x2;
	s8 =	smul.u32 $0x2710, s3  }
0x8: {  	s5 =	simm.s32 $0x0;
	s6 =	sadd.s32 s7, s6;
	s3 =	smul.u32 $0x27100, s3  }
0x9: {  	[smem:$0x7FF] =	sst s5;
	s7 =	sshrl.u32 s6, $0x3;
	s6 =	sadd.s32 $0x4E4A00, s0  }
0xa: {  	s0 =	sadd.s32 s7, s0;
	s7 =	sadd.s32 s14, s4;
	s3 =	sadd.s32 s6, s3  }
0xb: {  	_ =	strace $0x80000047;
	s11 =	sadd.s32 $0x1400, s7;
	[dreg:$0x10] =	wrdreg s3  }
0xc: {  	s16 =	sadd.s32 $0x2800, s7;
	[dreg:$0x6] =	wrdreg s11  }
0xd: {  	s17 =	sadd.s32 $0x3C00, s7;
	[dreg:$0x7] =	wrdreg s16  }
0xe: {  	s18 =	sadd.s32 $0x5000, s7;
	[dreg:$0x8] =	wrdreg s17  }
0xf: {  	s19 =	sadd.s32 $0x6400, s7;
	[dreg:$0x9] =	wrdreg s18  }
0x10: {  	s20 =	sadd.s32 $0x7800, s7;
	[dreg:$0xa] =	wrdreg s19  }
0x11: {  	s21 =	sadd.s32 $0x8C00, s7;
	[dreg:$0xb] =	wrdreg s20  }
0x12: {  	s22 =	sadd.s32 $0xA000, s7;
	[dreg:$0xc] =	wrdreg s21  }
0x13: {  	s23 =	sshrl.u32 s8, $0x3;
	s13 =	sadd.s32 $0xB400, s7;
	[dreg:$0xd] =	wrdreg s22  }
0x14: {  	s9 =	sadd.s32 s9, s23;
	[dreg:$0xe] =	wrdreg s13  }
0x15: {  	s28 =	simm.s32 $0x1;
	s26 =	sadd.s32 $0xC800, s7;
	[dreg:$0xf] =	wrdreg s9  }
0x16: {  	p0 =	sgt.u32 s12, $0x9;
	s12 =	sadd.s32 $0x12C00, s7;
	[dreg:$0x12] =	wrdreg s26  }
0x17: {  	s15 =	sshrl.u32 s10, $0x1;
	s14 =	sadd.s32 $0x15400, s7;
	[dreg:$0x17] =	wrdreg s12  }
0x18: {  	s10 =	ssub.s32 s10, s15;
	s15 =	sadd.s32 $0x16800, s7;
	[dreg:$0x19] =	wrdreg s14  }
0x19: {  	s29 =	simm.s32 $0x9;
	s9 =	sadd.s32 $0xF000, s7;
	[dreg:$0x1a] =	wrdreg s15  }
0x1a: {  	s30 =	simm.s32 $0x28;
	s11 =	sadd.s32 $0x11800, s7;
	[dreg:$0x14] =	wrdreg s9  }
0x1b: {  	s31 =	simm.s32 $0x2800;
	s13 =	sadd.s32 $0x14000, s7;
	[dreg:$0x16] =	wrdreg s11  }
0x1c: {  	s19 =	sadd.s32 $0x28, s8;
	s16 =	sadd.s32 $0x17C00, s7;
	[dreg:$0x18] =	wrdreg s13  }
0x1d: {  	s22 =	sadd.s32 s2, s23;
	s17 =	sadd.s32 $0x19000, s7;
	[dreg:$0x1b] =	wrdreg s16  }
0x1e: {  	s18 =	sadd.s32 $0x1A400, s7;
	s20 =	sadd.s32 $0x1B800, s7;
	[dreg:$0x1c] =	wrdreg s17  }
0x1f: {  	s21 =	sadd.s32 $0x1CC00, s7;
	s26 =	sadd.s32 $0x1E000, s7;
	[dreg:$0x1d] =	wrdreg s18  }
0x20: {  	s12 =	simm.s32 $0x4;
	s14 =	simm.s32 $0x8C80;
	[dreg:$0x1e] =	wrdreg s20  }
0x21: {  	s15 =	simm.s32 $0x5;
	s24 =	sshll.u32 s19, $0x4;
	[dreg:$0x1f] =	wrdreg s21  }
0x22: {  	s25 =	sshrl.u32 s19, $0x3;
	[smem:$0x7FD] =	sst s26;
	s26 =	simm.s32 $0x7880  }
0x23: {  	s9 =	simm.s32 $0x3;
	s11 =	simm.s32 $0x2;
	s13 =	simm.s32 $0x8  }
0x24: {  	s16 =	simm.s32 $0x6;
	s3 =	sadd.s32 s6, s24;
	s23 =	sadd.s32 s2, s25  }
0x25: {  	s25 =	smax.u32 s10, $0x1;
	s10 =	sadd.s32 $0x10400, s7;
	[dreg:$0x11] =	wrdreg s3  }
0x26: {  	s24 =	sadd.s32 $0x2800, s0;
	s3 =	sadd.s32 $0xDC00, s7;
	[dreg:$0x15] =	wrdreg s10  }
0x27: {  	v0 =	vimm.f32 $0.0e+00;
	s10 =	simm.s32 $0x7;
	[dreg:$0x13] =	wrdreg s3;
	s3 =	simm.s32 $0x2780  }
.LBB2_1:
0x28: {  	s0 =	simm.s32 $0x0;
	s17 =	simm.s32 $0x200  }
.LBB2_2:
0x29: {  	p1 =	sne.s32 s17, $0x4E00;
	[tilespmem:s0+$0x78F0] =	vst v0  }
0x2a: {  	[tilespmem:s0+$0x7880] =	vst v0  }
0x2b: {  	[tilespmem:s0+$0x7890] =	vst v0  }
.Ltmp0:
0x2c: {  	[tilespmem:s0+$0x78A0] =	vst v0;
	(pc) =	sbr.rel @p1 .LBB2_2-.Ltmp0, $4  }
0x2d: {  	[tilespmem:s0+$0x78B0] =	vst v0  }
0x2e: {  	[tilespmem:s0+$0x78C0] =	vst v0  }
0x2f: {  	[tilespmem:s0+$0x78D0] =	vst v0  }
0x30: {  	[tilespmem:s0+$0x78E0] =	vst v0;
	s0 =	sshra.s32 s17, $0x2;
	s17 =	sadd.s32 $0x200, s17  }
0x31: {  	[tilespmem:s0+$0x78F0] =	vst v0  }
0x32: {  	[tilespmem:s0+$0x7880] =	vst v0  }
0x33: {  	[tilespmem:s0+$0x7890] =	vst v0  }
.Ltmp1:
0x34: {  	[tilespmem:s0+$0x78A0] =	vst v0;
	(pc) =	sbr.rel @p0 .LBB2_5-.Ltmp1, $4  }
0x35: {  	[tilespmem:s0+$0x78B0] =	vst v0  }
0x36: {  	[tilespmem:s0+$0x78C0] =	vst v0  }
0x37: {  	[tilespmem:s0+$0x78D0] =	vst v0  }
0x38: {  	[tilespmem:s0+$0x78E0] =	vst v0  }
0x39: {  	[spmem:s7] =	stream.linear.scatter [tilespmem:s26], [sflag:$0x1], $0x1400, $0x38;
	[tilespmem:$0x1D900] =	vst v63  }
0x3a: {  	s0 =	rddreg [dreg:$0x6]  }
0x3b: {  	s18 =	rddreg [dreg:$0x7]  }
0x3c: {  	[spmem:s0] =	stream.linear.scatter [tilespmem:s26], [sflag:$0x1], $0x1400, $0x38;
	[tilespmem:$0x1D900] =	vst v63  }
0x3d: {  	s20 =	rddreg [dreg:$0x8]  }
0x3e: {  	[spmem:s18] =	stream.linear.scatter [tilespmem:s26], [sflag:$0x1], $0x1400, $0x38;
	[tilespmem:$0x1D900] =	vst v63  }
0x3f: {  	s21 =	rddreg [dreg:$0x9]  }
0x40: {  	[spmem:s20] =	stream.linear.scatter [tilespmem:s26], [sflag:$0x1], $0x1400, $0x38;
	[tilespmem:$0x1D900] =	vst v63  }
0x41: {  	s17 =	rddreg [dreg:$0xa]  }
0x42: {  	[spmem:s21] =	stream.linear.scatter [tilespmem:s26], [sflag:$0x1], $0x1400, $0x38;
	[tilespmem:$0x1D900] =	vst v63  }
0x43: {  	s18 =	rddreg [dreg:$0xb]  }
0x44: {  	[spmem:s17] =	stream.linear.scatter [tilespmem:s26], [sflag:$0x1], $0x1400, $0x38;
	[tilespmem:$0x1D900] =	vst v63  }
0x45: {  	s20 =	rddreg [dreg:$0xc]  }
0x46: {  	[spmem:s18] =	stream.linear.scatter [tilespmem:s26], [sflag:$0x1], $0x1400, $0x38;
	[tilespmem:$0x1D900] =	vst v63  }
0x47: {  	s21 =	rddreg [dreg:$0xd]  }
0x48: {  	[spmem:s20] =	stream.linear.scatter [tilespmem:s26], [sflag:$0x1], $0x1400, $0x38;
	[tilespmem:$0x1D900] =	vst v63  }
0x49: {  	s17 =	rddreg [dreg:$0xe]  }
0x4a: {  	[spmem:s21] =	stream.linear.scatter [tilespmem:s26], [sflag:$0x1], $0x1400, $0x38;
	[tilespmem:$0x1D900] =	vst v63  }
0x4b: {  	s18 =	rddreg [dreg:$0x12]  }
0x4c: {  	[spmem:s17] =	stream.linear.scatter [tilespmem:s26], [sflag:$0x1], $0x1400, $0x38;
	[tilespmem:$0x1D900] =	vst v63  }
0x4d: {  	s20 =	rddreg [dreg:$0x13]  }
0x4e: {  	[spmem:s18] =	stream.linear.scatter [tilespmem:s26], [sflag:$0x1], $0x1400, $0x38;
	[tilespmem:$0x1D900] =	vst v63  }
0x4f: {  	s21 =	rddreg [dreg:$0x14]  }
0x50: {  	[spmem:s20] =	stream.linear.scatter [tilespmem:s26], [sflag:$0x1], $0x1400, $0x38;
	[tilespmem:$0x1D900] =	vst v63  }
0x51: {  	s17 =	rddreg [dreg:$0x15]  }
0x52: {  	[spmem:s21] =	stream.linear.scatter [tilespmem:s26], [sflag:$0x1], $0x1400, $0x38;
	[tilespmem:$0x1D900] =	vst v63  }
0x53: {  	s18 =	rddreg [dreg:$0x16]  }
0x54: {  	[spmem:s17] =	stream.linear.scatter [tilespmem:s26], [sflag:$0x1], $0x1400, $0x38;
	[tilespmem:$0x1D900] =	vst v63  }
0x55: {  	s20 =	rddreg [dreg:$0x17]  }
0x56: {  	[spmem:s18] =	stream.linear.scatter [tilespmem:s26], [sflag:$0x1], $0x1400, $0x38;
	[tilespmem:$0x1D900] =	vst v63  }
0x57: {  	s21 =	rddreg [dreg:$0x18]  }
0x58: {  	[spmem:s20] =	stream.linear.scatter [tilespmem:s26], [sflag:$0x1], $0x1400, $0x38;
	[tilespmem:$0x1D900] =	vst v63  }
0x59: {  	s17 =	rddreg [dreg:$0x19]  }
0x5a: {  	[spmem:s21] =	stream.linear.scatter [tilespmem:s26], [sflag:$0x1], $0x1400, $0x38;
	[tilespmem:$0x1D900] =	vst v63  }
0x5b: {  	s18 =	rddreg [dreg:$0x1a]  }
0x5c: {  	[spmem:s17] =	stream.linear.scatter [tilespmem:s26], [sflag:$0x1], $0x1400, $0x38;
	[tilespmem:$0x1D900] =	vst v63  }
0x5d: {  	s20 =	rddreg [dreg:$0x1b]  }
0x5e: {  	[spmem:s18] =	stream.linear.scatter [tilespmem:s26], [sflag:$0x1], $0x1400, $0x38;
	[tilespmem:$0x1D900] =	vst v63  }
0x5f: {  	s21 =	rddreg [dreg:$0x1c]  }
0x60: {  	[spmem:s20] =	stream.linear.scatter [tilespmem:s26], [sflag:$0x1], $0x1400, $0x38;
	[tilespmem:$0x1D900] =	vst v63  }
0x61: {  	s17 =	rddreg [dreg:$0x1d]  }
0x62: {  	[spmem:s21] =	stream.linear.scatter [tilespmem:s26], [sflag:$0x1], $0x1400, $0x38;
	[tilespmem:$0x1D900] =	vst v63  }
0x63: {  	s18 =	rddreg [dreg:$0x1e]  }
0x64: {  	[spmem:s17] =	stream.linear.scatter [tilespmem:s26], [sflag:$0x1], $0x1400, $0x38;
	[tilespmem:$0x1D900] =	vst v63  }
0x65: {  	s20 =	rddreg [dreg:$0x1f]  }
0x66: {  	[spmem:s18] =	stream.linear.scatter [tilespmem:s26], [sflag:$0x1], $0x1400, $0x38;
	[tilespmem:$0x1D900] =	vst v63  }
0x67: {  	s21 =	sld [smem:$0x7FD]  }
0x68: {  	[spmem:s20] =	stream.linear.scatter [tilespmem:s26], [sflag:$0x1], $0x1400, $0x38;
	[tilespmem:$0x1D900] =	vst v63  }
0x69: {  	_ = 	snop  }
0x6a: {  	[spmem:s21] =	stream.linear.scatter [tilespmem:s26], [sflag:$0x1], $0x1400, $0x38;
	[tilespmem:$0x1D900] =	vst v63  }
0x6b: {  	_ =	swait.ge [sflag:s28], $0x1400  }
0x6c: {  	[sflag:s28] =	ssyncset.done $0x0  }
0x6d: {  	[sflag:s28] =	ssyncadd.s32 $0xFFFFEC00  }
0x6e: {  	_ =	swait.ge [sflag:s28], $0x1400  }
0x6f: {  	[sflag:s28] =	ssyncset.done $0x0  }
0x70: {  	[sflag:s28] =	ssyncadd.s32 $0xFFFFEC00  }
0x71: {  	_ =	swait.ge [sflag:s28], $0x1400  }
0x72: {  	[sflag:s28] =	ssyncset.done $0x0  }
0x73: {  	[sflag:s28] =	ssyncadd.s32 $0xFFFFEC00  }
0x74: {  	_ =	swait.ge [sflag:s28], $0x1400  }
0x75: {  	[sflag:s28] =	ssyncset.done $0x0  }
0x76: {  	[sflag:s28] =	ssyncadd.s32 $0xFFFFEC00  }
0x77: {  	_ =	swait.ge [sflag:s28], $0x1400  }
0x78: {  	[sflag:s28] =	ssyncset.done $0x0  }
0x79: {  	[sflag:s28] =	ssyncadd.s32 $0xFFFFEC00  }
0x7a: {  	_ =	swait.ge [sflag:s28], $0x1400  }
0x7b: {  	[sflag:s28] =	ssyncset.done $0x0  }
0x7c: {  	[sflag:s28] =	ssyncadd.s32 $0xFFFFEC00  }
0x7d: {  	_ =	swait.ge [sflag:s28], $0x1400  }
0x7e: {  	[sflag:s28] =	ssyncset.done $0x0  }
0x7f: {  	[sflag:s28] =	ssyncadd.s32 $0xFFFFEC00  }
0x80: {  	_ =	swait.ge [sflag:s28], $0x1400  }
0x81: {  	[sflag:s28] =	ssyncset.done $0x0  }
0x82: {  	[sflag:s28] =	ssyncadd.s32 $0xFFFFEC00  }
0x83: {  	_ =	swait.ge [sflag:s28], $0x1400  }
0x84: {  	[sflag:s28] =	ssyncset.done $0x0  }
0x85: {  	[sflag:s28] =	ssyncadd.s32 $0xFFFFEC00  }
0x86: {  	_ =	swait.ge [sflag:s28], $0x1400  }
0x87: {  	[sflag:s28] =	ssyncset.done $0x0  }
0x88: {  	[sflag:s28] =	ssyncadd.s32 $0xFFFFEC00  }
0x89: {  	_ =	swait.ge [sflag:s28], $0x1400  }
0x8a: {  	[sflag:s28] =	ssyncset.done $0x0  }
0x8b: {  	[sflag:s28] =	ssyncadd.s32 $0xFFFFEC00  }
0x8c: {  	_ =	swait.ge [sflag:s28], $0x1400  }
0x8d: {  	[sflag:s28] =	ssyncset.done $0x0  }
0x8e: {  	[sflag:s28] =	ssyncadd.s32 $0xFFFFEC00  }
0x8f: {  	_ =	swait.ge [sflag:s28], $0x1400  }
0x90: {  	[sflag:s28] =	ssyncset.done $0x0  }
0x91: {  	[sflag:s28] =	ssyncadd.s32 $0xFFFFEC00  }
0x92: {  	_ =	swait.ge [sflag:s28], $0x1400  }
0x93: {  	[sflag:s28] =	ssyncset.done $0x0  }
0x94: {  	[sflag:s28] =	ssyncadd.s32 $0xFFFFEC00  }
0x95: {  	_ =	swait.ge [sflag:s28], $0x1400  }
0x96: {  	[sflag:s28] =	ssyncset.done $0x0  }
0x97: {  	[sflag:s28] =	ssyncadd.s32 $0xFFFFEC00  }
0x98: {  	_ =	swait.ge [sflag:s28], $0x1400  }
0x99: {  	[sflag:s28] =	ssyncset.done $0x0  }
0x9a: {  	[sflag:s28] =	ssyncadd.s32 $0xFFFFEC00  }
0x9b: {  	_ =	swait.ge [sflag:s28], $0x1400  }
0x9c: {  	[sflag:s28] =	ssyncset.done $0x0  }
0x9d: {  	[sflag:s28] =	ssyncadd.s32 $0xFFFFEC00  }
0x9e: {  	_ =	swait.ge [sflag:s28], $0x1400  }
0x9f: {  	[sflag:s28] =	ssyncset.done $0x0  }
0xa0: {  	[sflag:s28] =	ssyncadd.s32 $0xFFFFEC00  }
0xa1: {  	_ =	swait.ge [sflag:s28], $0x1400  }
0xa2: {  	[sflag:s28] =	ssyncset.done $0x0  }
0xa3: {  	[sflag:s28] =	ssyncadd.s32 $0xFFFFEC00  }
0xa4: {  	_ =	swait.ge [sflag:s28], $0x1400  }
0xa5: {  	[sflag:s28] =	ssyncset.done $0x0  }
0xa6: {  	[sflag:s28] =	ssyncadd.s32 $0xFFFFEC00  }
0xa7: {  	_ =	swait.ge [sflag:s28], $0x1400  }
0xa8: {  	[sflag:s28] =	ssyncset.done $0x0  }
0xa9: {  	[sflag:s28] =	ssyncadd.s32 $0xFFFFEC00  }
0xaa: {  	_ =	swait.ge [sflag:s28], $0x1400  }
0xab: {  	[sflag:s28] =	ssyncset.done $0x0  }
0xac: {  	[sflag:s28] =	ssyncadd.s32 $0xFFFFEC00  }
0xad: {  	_ =	swait.ge [sflag:s28], $0x1400  }
0xae: {  	[sflag:s28] =	ssyncset.done $0x0  }
0xaf: {  	[sflag:s28] =	ssyncadd.s32 $0xFFFFEC00  }
0xb0: {  	_ =	swait.ge [sflag:s28], $0x1400  }
0xb1: {  	[sflag:s28] =	ssyncset.done $0x0  }
0xb2: {  	[sflag:s28] =	ssyncadd.s32 $0xFFFFEC00  }
0xb3: {  	_ =	swait.ge [sflag:s28], $0x1400  }
0xb4: {  	[sflag:s28] =	ssyncset.done $0x0  }
0xb5: {  	[sflag:s28] =	ssyncadd.s32 $0xFFFFEC00  }
.LBB2_5:
0xb6: {  	s17 =	simm.s32 $0x0;
	s0 =	rddreg [dreg:$0xf]  }
0xb7: {  	[tilespmem:s17], [sflag:$0x9] =	stream.linear.gather [hbm4b:s0+s17], $0x2710, $0x38;
	[tilespmem:$0x1D900] =	vst v63  }
0xb8: {  	_ =	swait.ge [sflag:s29], $0x2710  }
0xb9: {  	[sflag:s29] =	ssyncset.done $0x0  }
0xba: {  	[sflag:s29] =	ssyncadd.s32 $0xFFFFD8F0  }
0xbb: {  	s20 =	simm.s32 $0x2880;
	[bflag:$0x0] =	sbarrier.arrive $0xFFFF  }
0xbc: {  	[tilespmem:s20], [sflag:$0x1] =	stream.indirect.gather [hbm4b:s1+s30], $0x80, s17, s30, $0xb8;
	[tilespmem:$0x1D900] =	vst v63  }
0xbd: {  	s18 =	simm.s32 $0x5080;
	s21 =	rddreg [dreg:$0x10]  }
0xbe: {  	[tilespmem:s18], [sflag:$0x3] =	stream.linear.gather [hbm4b:s21+s17], $0x1400, $0x38;
	[tilespmem:$0x1D900] =	vst v63  }
0xbf: {  	s18 =	simm.s32 $0x3C80  }
0xc0: {  	[tilespmem:s18], [sflag:$0x2] =	stream.indirect.gather [hbm4b:s1+s30], $0x80, s30, s30, $0xb8;
	[tilespmem:$0x1D900] =	vst v63  }
0xc1: {  	s20 =	rddreg [dreg:$0x11];
	s21 =	simm.s32 $0x6480  }
0xc2: {  	[tilespmem:s21], [sflag:$0x4] =	stream.linear.gather [hbm4b:s20+s17], $0x1400, $0x38;
	[tilespmem:$0x1D900] =	vst v63  }
0xc3: {  	_ = 	snop  }
0xc4: {  	[tilespmem:s3], [sflag:$0x7] =	stream.linear.gather [hbm4b:s22+s17], $0x28, $0x38;
	[tilespmem:$0x1D900] =	vst v63  }
0xc5: {  	_ = 	snop  }
0xc6: {  	[tilespmem:s31], [sflag:$0x8] =	stream.linear.gather [hbm4b:s23+s17], $0x28, $0x38;
	[tilespmem:$0x1D900] =	vst v63  }
.LBB2_6:
0xc7: {  	_ =	swait.ge [sflag:s28], $0x1400  }
0xc8: {  	[sflag:s28] =	ssyncset.done $0x0  }
0xc9: {  	[sflag:s28] =	ssyncadd.s32 $0xFFFFEC00  }
0xca: {  	_ =	swait.ge [sflag:s9], $0x1400  }
0xcb: {  	p1 =	seq.s32 s17, $0x0;
	[sflag:s9] =	ssyncset.done $0x0  }
0xcc: {  	s0 =	smul.u32 $0x50, s17;
	s18 =	simm.s32 @!p1 $0x5;
	[sflag:s9] =	ssyncadd.s32 $0xFFFFEC00  }
0xcd: {  	_ =	swait.ge @!p1 [sflag:s18], $0x1400  }
0xce: {  	s20 =	sadd.s32 @!p1 s8, s0;
	[sflag:s18] =	ssyncset.done @!p1 $0x0  }
0xcf: {  	[sflag:s18] =	ssyncadd.s32 @!p1 $0xFFFFEC00;
	s18 =	sshrl.u32 @!p1 s20, $0x3  }
0xd0: {  	s21 =	simm.s32 @!p1 $0x2780;
	s20 =	simm.s32 @!p1 $0x0;
	s18 =	sadd.s32 @!p1 s2, s18  }
0xd1: {  	[tilespmem:s21], [sflag:$0x7] =	stream.linear.gather @!p1 [hbm4b:s18+s20], $0x28, $0x38;
	[tilespmem:$0x1D900] =	vst v63  }
0xd2: {  	s18 =	simm.s32 $0x0  }
0xd3: {  	v1 =	vld [tilespmem:s18+$0x50B0]  }
0xd4: {  	v2 =	vld [tilespmem:s18+$0x28F0]  }
0xd5: {  	v4 =	vld [tilespmem:s18+$0x5080]  }
0xd6: {  	v5 =	vld [tilespmem:s18+$0x5090]  }
0xd7: {  	v8 =	vld [tilespmem:s18+$0x50A0]  }
0xd8: {  	v7 =	vld [tilespmem:s18+$0x2880]  }
0xd9: {  	v12 =	vld [tilespmem:s18+$0x2890];
	v3 =	vand.u32 $0xFFFF0000, v1  }
0xda: {  	v6 =	vld [tilespmem:s18+$0x28A0];
	v2 =	vmul.f32 v3, v2  }
0xdb: {  	v3 =	vld [tilespmem:s18+$0x28B0]  }
0xdc: {  	v1 =	vshll.u32 v1, $0x10;
	v13 =	vand.u32 $0xFFFF0000, v4;
	[tilespmem:s18+$0x78F0] =	vst v2;
	v2 =	vshll.u32 v4, $0x10;
	v4 =	vld [tilespmem:s18+$0x28C0]  }
0xdd: {  	v10 =	vshll.u32 v5, $0x10;
	v9 =	vand.u32 $0xFFFF0000, v5;
	v5 =	vld [tilespmem:s18+$0x28D0];
	v11 =	vmul.f32 v2, v7  }
0xde: {  	s20 =	simm.s32 $0x80;
	s21 =	simm.s32 $0x400;
	v12 =	vmul.f32 v13, v12;
	v7 =	vshll.u32 v8, $0x10;
	v2 =	vand.u32 $0xFFFF0000, v8;
	v8 =	vld [tilespmem:s18+$0x28E0]  }
.LBB2_7:
0xdf: {  	p2 =	sne.s32 s21, $0x4E00;
	v13 =	vld [tilespmem:s20+$0x50B0];
	[tilespmem:s18+$0x7880] =	vst v11;
	v6 =	vmul.f32 v10, v6  }
0xe0: {  	v10 =	vld [tilespmem:s20+$0x28F0];
	[tilespmem:s18+$0x7890] =	vst v12;
	v3 =	vmul.f32 v9, v3  }
0xe1: {  	v9 =	vld [tilespmem:s20+$0x5080];
	[tilespmem:s18+$0x78A0] =	vst v6;
	v4 =	vmul.f32 v7, v4  }
0xe2: {  	v7 =	vld [tilespmem:s20+$0x5090];
	[tilespmem:s18+$0x78B0] =	vst v3;
	v2 =	vmul.f32 v2, v5  }
0xe3: {  	v5 =	vld [tilespmem:s20+$0x50A0];
	[tilespmem:s18+$0x78C0] =	vst v4;
	v3 =	vmul.f32 v1, v8  }
0xe4: {  	v8 =	vld [tilespmem:s20+$0x2880];
	v1 =	vshll.u32 v13, $0x10;
	v4 =	vand.u32 $0xFFFF0000, v13;
	[tilespmem:s18+$0x78D0] =	vst v2  }
0xe5: {  	v12 =	vld [tilespmem:s20+$0x2890];
	v2 =	vmul.f32 v4, v10;
	[tilespmem:s18+$0x78E0] =	vst v3;
	s18 =	smov.u32 s20  }
.Ltmp2:
0xe6: {  	v11 =	vshll.u32 v9, $0x10;
	v13 =	vand.u32 $0xFFFF0000, v9;
	v6 =	vld [tilespmem:s18+$0x28A0];
	(pc) =	sbr.rel @p2 .LBB2_7-.Ltmp2, $4  }
0xe7: {  	v10 =	vshll.u32 v7, $0x10;
	v9 =	vand.u32 $0xFFFF0000, v7;
	v3 =	vld [tilespmem:s18+$0x28B0];
	[tilespmem:s18+$0x78F0] =	vst v2  }
0xe8: {  	v7 =	vshll.u32 v5, $0x10;
	v2 =	vand.u32 $0xFFFF0000, v5;
	v4 =	vld [tilespmem:s18+$0x28C0]  }
0xe9: {  	v11 =	vmul.f32 v11, v8;
	v5 =	vld [tilespmem:s18+$0x28D0]  }
0xea: {  	s20 =	sshra.s32 s21, $0x2;
	s21 =	sadd.s32 $0x200, s21;
	v12 =	vmul.f32 v13, v12;
	v8 =	vld [tilespmem:s18+$0x28E0]  }
0xeb: {  	v13 =	vld [tilespmem:s20+$0x50B0]  }
0xec: {  	v14 =	vld [tilespmem:s20+$0x28F0]  }
0xed: {  	v15 =	vld [tilespmem:s20+$0x5080]  }
0xee: {  	v16 =	vld [tilespmem:s20+$0x5090]  }
0xef: {  	v17 =	vld [tilespmem:s20+$0x50A0];
	[tilespmem:s18+$0x7880] =	vst v11;
	v6 =	vmul.f32 v10, v6  }
0xf0: {  	v10 =	vld [tilespmem:s20+$0x2880];
	[tilespmem:s18+$0x7890] =	vst v12;
	v3 =	vmul.f32 v9, v3  }
0xf1: {  	v11 =	vld [tilespmem:s20+$0x2890];
	[tilespmem:s18+$0x78A0] =	vst v6;
	v4 =	vmul.f32 v7, v4;
	v9 =	vand.u32 $0xFFFF0000, v13  }
0xf2: {  	[tilespmem:s18+$0x78B0] =	vst v3;
	v2 =	vmul.f32 v2, v5;
	v6 =	vmul.f32 v9, v14;
	v9 =	vld [tilespmem:s20+$0x28A0]  }
0xf3: {  	v3 =	vld [tilespmem:s20+$0x28B0];
	[tilespmem:s18+$0x78C0] =	vst v4  }
0xf4: {  	v5 =	vld [tilespmem:s20+$0x28C0];
	v1 =	vmul.f32 v1, v8;
	v4 =	vshll.u32 v15, $0x10;
	[tilespmem:s18+$0x78D0] =	vst v2  }
0xf5: {  	v2 =	vand.u32 $0xFFFF0000, v15;
	v4 =	vmul.f32 v4, v10;
	[tilespmem:s20+$0x78F0] =	vst v6;
	v6 =	vld [tilespmem:s20+$0x28D0]  }
0xf6: {  	v7 =	vld [tilespmem:s20+$0x28E0];
	[tilespmem:s18+$0x78E0] =	vst v1;
	v1 =	vshll.u32 v16, $0x10;
	v2 =	vmul.f32 v2, v11  }
0xf7: {  	v8 =	vand.u32 $0xFFFF0000, v16;
	[tilespmem:s20+$0x7880] =	vst v4;
	v1 =	vmul.f32 v1, v9  }
0xf8: {  	v4 =	vshll.u32 v17, $0x10;
	[tilespmem:s20+$0x7890] =	vst v2;
	v2 =	vmul.f32 v8, v3  }
0xf9: {  	v3 =	vand.u32 $0xFFFF0000, v17;
	[tilespmem:s20+$0x78A0] =	vst v1;
	v1 =	vmul.f32 v4, v5  }
0xfa: {  	[tilespmem:s20+$0x78B0] =	vst v2;
	v4 =	vshll.u32 v13, $0x10;
	v2 =	vmul.f32 v3, v6  }
0xfb: {  	[tilespmem:s20+$0x78C0] =	vst v1;
	v1 =	vmul.f32 v4, v7  }
0xfc: {  	p2 =	seq.s32 s17, $0x7C;
	[tilespmem:s20+$0x78D0] =	vst v2  }
0xfd: {  	s21 =	simm.s32 @!p2 $0x2880;
	s18 =	sadd.s32 @!p2 $0x50, s0;
	[tilespmem:s20+$0x78E0] =	vst v1;
	s20 =	simm.s32 @!p2 $0x28  }
0xfe: {  	[tilespmem:s21], [sflag:$0x1] =	stream.indirect.gather @!p2 [hbm4b:s1+s20], $0x80, s18, s20, $0xb8;
	[tilespmem:$0x1D900] =	vst v63  }
0xff: {  	s18 =	sadd.s32 @!p2 s8, s18  }
0x100: {  	s18 =	sshll.u32 @!p2 s18, $0x4  }
0x101: {  	s20 =	simm.s32 @!p2 $0x0;
	s21 =	simm.s32 @!p2 $0x5080;
	s18 =	sadd.s32 @!p2 s6, s18  }
0x102: {  	[tilespmem:s21], [sflag:$0x3] =	stream.linear.gather @!p2 [hbm4b:s18+s20], $0x1400, $0x38;
	[tilespmem:$0x1D900] =	vst v63  }
0x103: {  	_ =	swait.ge [sflag:s10], $0x28  }
0x104: {  	[sflag:s10] =	ssyncset.done $0x0  }
0x105: {  	[sflag:s10] =	ssyncadd.s32 $0xFFFFFFD8  }
0x106: {  	[spmem:s4] =	stream.indirect.scatter.add.f32 [tilespmem:s26], [sflag:$0x5], $0x80, s3, s30, $0xb8;
	[tilespmem:$0x1D900] =	vst v63  }
0x107: {  	_ =	swait.ge [sflag:s11], $0x1400  }
0x108: {  	[sflag:s11] =	ssyncset.done $0x0  }
0x109: {  	[sflag:s11] =	ssyncadd.s32 $0xFFFFEC00  }
0x10a: {  	_ =	swait.ge [sflag:s12], $0x1400  }
0x10b: {  	[sflag:s12] =	ssyncset.done $0x0  }
0x10c: {  	s18 =	simm.s32 @!p1 $0x6;
	[sflag:s12] =	ssyncadd.s32 $0xFFFFEC00  }
0x10d: {  	_ =	swait.ge @!p1 [sflag:s18], $0x1400  }
0x10e: {  	s20 =	sadd.s32 @!p1 s0, s19;
	[sflag:s18] =	ssyncset.done @!p1 $0x0  }
0x10f: {  	[sflag:s18] =	ssyncadd.s32 @!p1 $0xFFFFEC00;
	s18 =	sshrl.u32 @!p1 s20, $0x3  }
0x110: {  	s21 =	simm.s32 @!p1 $0x2800;
	s20 =	simm.s32 @!p1 $0x0;
	s18 =	sadd.s32 @!p1 s2, s18  }
0x111: {  	[tilespmem:s21], [sflag:$0x8] =	stream.linear.gather @!p1 [hbm4b:s18+s20], $0x28, $0x38;
	[tilespmem:$0x1D900] =	vst v63  }
0x112: {  	s18 =	simm.s32 $0x0  }
0x113: {  	v1 =	vld [tilespmem:s18+$0x64B0]  }
0x114: {  	v2 =	vld [tilespmem:s18+$0x3CF0]  }
0x115: {  	v4 =	vld [tilespmem:s18+$0x6480]  }
0x116: {  	v5 =	vld [tilespmem:s18+$0x6490]  }
0x117: {  	v8 =	vld [tilespmem:s18+$0x64A0]  }
0x118: {  	v11 =	vld [tilespmem:s18+$0x3C80]  }
0x119: {  	v12 =	vld [tilespmem:s18+$0x3C90]  }
0x11a: {  	v7 =	vld [tilespmem:s18+$0x3CA0];
	v3 =	vand.u32 $0xFFFF0000, v1  }
0x11b: {  	v2 =	vmul.f32 v3, v2;
	v3 =	vld [tilespmem:s18+$0x3CB0]  }
0x11c: {  	v1 =	vshll.u32 v1, $0x10;
	v13 =	vshll.u32 v4, $0x10;
	v14 =	vand.u32 $0xFFFF0000, v4;
	v4 =	vld [tilespmem:s18+$0x3CC0]  }
0x11d: {  	v10 =	vshll.u32 v5, $0x10;
	v9 =	vand.u32 $0xFFFF0000, v5;
	v5 =	vld [tilespmem:s18+$0x3CD0];
	v11 =	vmul.f32 v13, v11  }
0x11e: {  	s20 =	simm.s32 $0x80;
	s21 =	simm.s32 $0x400;
	v6 =	vshll.u32 v8, $0x10;
	v12 =	vmul.f32 v14, v12;
	[tilespmem:s18+$0x8CF0] =	vst v2;
	v2 =	vand.u32 $0xFFFF0000, v8;
	v8 =	vld [tilespmem:s18+$0x3CE0]  }
.LBB2_9:
0x11f: {  	p1 =	sne.s32 s21, $0x4E00;
	v13 =	vld [tilespmem:s20+$0x64B0];
	[tilespmem:s18+$0x8C80] =	vst v11;
	v7 =	vmul.f32 v10, v7  }
0x120: {  	v10 =	vld [tilespmem:s20+$0x3CF0];
	[tilespmem:s18+$0x8C90] =	vst v12;
	v3 =	vmul.f32 v9, v3  }
0x121: {  	v9 =	vld [tilespmem:s20+$0x6480];
	[tilespmem:s18+$0x8CA0] =	vst v7;
	v4 =	vmul.f32 v6, v4  }
0x122: {  	v6 =	vld [tilespmem:s20+$0x6490];
	[tilespmem:s18+$0x8CB0] =	vst v3;
	v2 =	vmul.f32 v2, v5  }
0x123: {  	v5 =	vld [tilespmem:s20+$0x64A0];
	[tilespmem:s18+$0x8CC0] =	vst v4;
	v3 =	vmul.f32 v1, v8  }
0x124: {  	v8 =	vld [tilespmem:s20+$0x3C80];
	v1 =	vshll.u32 v13, $0x10;
	v4 =	vand.u32 $0xFFFF0000, v13;
	[tilespmem:s18+$0x8CD0] =	vst v2  }
0x125: {  	v12 =	vld [tilespmem:s20+$0x3C90];
	v2 =	vmul.f32 v4, v10;
	[tilespmem:s18+$0x8CE0] =	vst v3;
	s18 =	smov.u32 s20  }
.Ltmp3:
0x126: {  	v11 =	vshll.u32 v9, $0x10;
	v13 =	vand.u32 $0xFFFF0000, v9;
	v7 =	vld [tilespmem:s18+$0x3CA0];
	(pc) =	sbr.rel @p1 .LBB2_9-.Ltmp3, $4  }
0x127: {  	v10 =	vshll.u32 v6, $0x10;
	v9 =	vand.u32 $0xFFFF0000, v6;
	v3 =	vld [tilespmem:s18+$0x3CB0];
	[tilespmem:s18+$0x8CF0] =	vst v2  }
0x128: {  	v6 =	vshll.u32 v5, $0x10;
	v2 =	vand.u32 $0xFFFF0000, v5;
	v4 =	vld [tilespmem:s18+$0x3CC0]  }
0x129: {  	v11 =	vmul.f32 v11, v8;
	v5 =	vld [tilespmem:s18+$0x3CD0]  }
0x12a: {  	s20 =	sshra.s32 s21, $0x2;
	s21 =	sadd.s32 $0x200, s21;
	v12 =	vmul.f32 v13, v12;
	v8 =	vld [tilespmem:s18+$0x3CE0]  }
0x12b: {  	v13 =	vld [tilespmem:s20+$0x64B0]  }
0x12c: {  	v14 =	vld [tilespmem:s20+$0x3CF0]  }
0x12d: {  	v15 =	vld [tilespmem:s20+$0x6480]  }
0x12e: {  	v16 =	vld [tilespmem:s20+$0x6490]  }
0x12f: {  	v17 =	vld [tilespmem:s20+$0x64A0];
	[tilespmem:s18+$0x8C80] =	vst v11;
	v7 =	vmul.f32 v10, v7  }
0x130: {  	v52 =	vld [tilespmem:s20+$0x3C80];
	[tilespmem:s18+$0x8C90] =	vst v12;
	v3 =	vmul.f32 v9, v3  }
0x131: {  	v54 =	vld [tilespmem:s20+$0x3C90];
	[tilespmem:s18+$0x8CA0] =	vst v7;
	v4 =	vmul.f32 v6, v4  }
0x132: {  	v56 =	vld [tilespmem:s20+$0x3CA0];
	[tilespmem:s18+$0x8CB0] =	vst v3;
	v2 =	vmul.f32 v2, v5  }
0x133: {  	v3 =	vld [tilespmem:s20+$0x3CB0];
	[tilespmem:s18+$0x8CC0] =	vst v4;
	v1 =	vmul.f32 v1, v8;
	v53 =	vand.u32 $0xFFFF0000, v13  }
0x134: {  	v58 =	vld [tilespmem:s20+$0x3CC0];
	v57 =	vshll.u32 v15, $0x10;
	[tilespmem:s18+$0x8CD0] =	vst v2;
	v55 =	vmul.f32 v53, v14  }
0x135: {  	v59 =	vld [tilespmem:s20+$0x3CD0];
	v2 =	vand.u32 $0xFFFF0000, v15;
	v4 =	vmul.f32 v57, v52;
	[tilespmem:s18+$0x8CE0] =	vst v1  }
0x136: {  	v60 =	vld [tilespmem:s20+$0x3CE0];
	v1 =	vshll.u32 v16, $0x10;
	v2 =	vmul.f32 v2, v54;
	[tilespmem:s20+$0x8CF0] =	vst v55  }
0x137: {  	v61 =	vand.u32 $0xFFFF0000, v16;
	v1 =	vmul.f32 v1, v56;
	[tilespmem:s20+$0x8C80] =	vst v4  }
0x138: {  	v62 =	vshll.u32 v17, $0x10;
	[tilespmem:s20+$0x8C90] =	vst v2;
	v2 =	vmul.f32 v61, v3  }
0x139: {  	v3 =	vand.u32 $0xFFFF0000, v17;
	[tilespmem:s20+$0x8CA0] =	vst v1;
	v1 =	vmul.f32 v62, v58  }
0x13a: {  	v63 =	vshll.u32 v13, $0x10;
	[tilespmem:s20+$0x8CB0] =	vst v2;
	v2 =	vmul.f32 v3, v59  }
0x13b: {  	[tilespmem:s20+$0x8CC0] =	vst v1;
	v1 =	vmul.f32 v63, v60  }
0x13c: {  	[tilespmem:s20+$0x8CD0] =	vst v2  }
0x13d: {  	s0 =	sadd.s32 @!p2 $0x78, s0;
	s18 =	simm.s32 @!p2 $0x28;
	[tilespmem:s20+$0x8CE0] =	vst v1;
	s20 =	simm.s32 @!p2 $0x3C80  }
0x13e: {  	[tilespmem:s20], [sflag:$0x2] =	stream.indirect.gather @!p2 [hbm4b:s1+s18], $0x80, s0, s18, $0xb8;
	[tilespmem:$0x1D900] =	vst v63  }
0x13f: {  	s17 =	sadd.s32 $0x1, s17;
	s0 =	sadd.s32 @!p2 s8, s0  }
0x140: {  	p1 =	sne.s32 s17, $0x7D;
	s0 =	sshll.u32 @!p2 s0, $0x4  }
0x141: {  	s18 =	simm.s32 @!p2 $0x0;
	s20 =	simm.s32 @!p2 $0x6480;
	s0 =	sadd.s32 @!p2 s6, s0  }
0x142: {  	[tilespmem:s20], [sflag:$0x4] =	stream.linear.gather @!p2 [hbm4b:s0+s18], $0x1400, $0x38;
	[tilespmem:$0x1D900] =	vst v63  }
.Ltmp4:
0x143: {  	_ = 	snop;
	(pc) =	sbr.rel @p1 .LBB2_6-.Ltmp4, $4  }
0x144: {  	_ =	swait.ge [sflag:s13], $0x28  }
0x145: {  	[sflag:s13] =	ssyncset.done $0x0  }
0x146: {  	[sflag:s13] =	ssyncadd.s32 $0xFFFFFFD8  }
0x147: {  	[spmem:s4] =	stream.indirect.scatter.add.f32 [tilespmem:s14], [sflag:$0x6], $0x80, s31, s30, $0xb8;
	[tilespmem:$0x1D900] =	vst v63  }
0x148: {  	_ =	swait.ge [sflag:s15], $0x1400  }
0x149: {  	[sflag:s15] =	ssyncset.done $0x0  }
0x14a: {  	[sflag:s15] =	ssyncadd.s32 $0xFFFFEC00  }
0x14b: {  	_ =	swait.ge [sflag:s16], $0x1400  }
0x14c: {  	s0 =	stileid.u32;
	s17 =	sshrl.u32 @!p0 s7, $0x3;
	[sflag:s16] =	ssyncset.done $0x0  }
0x14d: {  	s5 =	sadd.s32 $0x1, s5;
	s0 =	sshll.u32 @!p0 s0, $0x6;
	[sflag:s16] =	ssyncadd.s32 $0xFFFFEC00  }
0x14e: {  	p1 =	sne.s32 s5, s25;
	s0 =	sor.u32 @!p0 $0x1C09, s0;
	[bflag:$0x0] =	sbarrier.arrive $0xFFFF  }
0x14f: {  	[hbm:s24], [sflag:s0] =	dma.local @!p0 [spmem:s17], $0x3E80  }
.Ltmp5:
0x150: {  	_ = 	snop;
	(pc) =	sbr.rel @p1 .LBB2_1-.Ltmp5, $4  }
0x151: {  	s0 =	simm.s32 @!p0 $0x9  }
0x152: {  	_ =	swait.ge @!p0 [sflag:s0], $0x3E80  }
0x153: {  	[sflag:s0] =	ssyncset.done @!p0 $0x0  }
0x154: {  	[sflag:s0] =	ssyncadd.s32 @!p0 $0xFFFFC180  }
0x155: {  	_ =	sfence.sel $0x180000  }
0x156: {  	[bflag:$0x0] =	sbarrier.arrive $0xFFFF  }
0x157: {  	_ =	strace $0x90000047  }
0x158: {  	s0 =	stileid.u32;
	[bflag:$0x2] =	sbarrier.arrive $0xFFFF  }
0x159: {  	p0 =	sne.s32 s0, $0x0;
	s0 =	rddreg [dreg:$0x5]  }
0x15a: {  	s0 =	sadd.s32 @!p0 $0x100000, s0  }
0x15b: {  	[sflag:s0] =	ssyncadd.tile.s32 @!p0 $0x1;
	_ =	shalt  }
.Lfunc_end2:
_tile_overlayer_lowered:
.L_overlay_start_2:
0x15c: {  	(tag) =	ssettag $0x2  }
0x15d: {  	s0 =	rddreg [dreg:$0x0];
	s2 =	stileid.u32  }
0x15e: {  	s1 =	rddreg [dreg:$0x1];
	p0 =	sne.s32 s2, $0x0  }
0x15f: {  	s3 =	rddreg [dreg:$0x2];
	[bflag:$0x3] =	sbarrier.arrive $0xFFFF;
	s2 =	simm.s32 @!p0 $0x1C09  }
0x160: {  	[timem:s3], [sflag:s2] =	dma.local @!p0 [hbm:s0], s1  }
0x161: {  	s0 =	simm.s32 @!p0 $0x9  }
0x162: {  	_ =	swait.ge @!p0 [sflag:s0], s1  }
0x163: {  	s1 =	ssub.s32 @!p0 $0x0, s1;
	[sflag:s0] =	ssyncset.done @!p0 $0x0  }
0x164: {  	[sflag:s0] =	ssyncadd.s32 @!p0 s1  }
0x165: {  	[bflag:$0x3] =	sbarrier.arrive $0xFFFF  }
0x166: {  	_ =	shalt  }

</sc_bundles>
